<compile_context>
chip_gen: v7x
topology: tpu7x:2x2x1
jax: 0.10.2.dev20260603
libtpu: 0.0.44.dev20260713+nightly
codegen_flags: <defaults>
</compile_context>

<pallas_src>
import functools

import jax
import jax.numpy as jnp
from jax import lax
from jax.experimental import pallas as pl
from jax.experimental.pallas import tpu as pltpu
from jax.experimental.pallas import tpu_sc as plsc

_NE = 16
_MIN_EXPERTS = 2
_L = 16
_NW = 32


def _logits_body(x_ref, w_ref, g_ref, lg_ref):
    x = x_ref[...]
    wn = w_ref[...]
    g = g_ref[...]

    s = x[:, 0:128] * x[:, 0:128]
    for k in range(1, x.shape[1] // 128):
        xk = x[:, k * 128:(k + 1) * 128]
        s = s + xk * xk
    rn = jnp.sqrt(jnp.sum(s, axis=1, keepdims=True))
    xn = x / jnp.maximum(rn, 1e-12)
    xw = jnp.dot(xn, wn, preferred_element_type=jnp.float32)
    lg_ref[...] = xw - g


def _tc_logits(flat, sim_matrix, g2, tile_m):
    n, c = flat.shape
    return pl.pallas_call(
        _logits_body,
        grid=(n // tile_m,),
        in_specs=[
            pl.BlockSpec((tile_m, c), lambda i: (i, 0)),
            pl.BlockSpec((c, _NE), lambda i: (0, 0)),
            pl.BlockSpec((1, _NE), lambda i: (0, 0)),
        ],
        out_specs=pl.BlockSpec((tile_m, _NE), lambda i: (i, 0)),
        out_shape=jax.ShapeDtypeStruct((n, _NE), jnp.float32),
        compiler_params=pltpu.CompilerParams(
            dimension_semantics=("parallel",),
        ),
    )(flat, sim_matrix, g2)


def _routing_groups(lv, rw_v, am_v, n_groups):
    iota = lax.iota(jnp.int32, _L)
    neg_inf = jnp.full((_L,), -jnp.inf, jnp.float32)
    zero_f = jnp.zeros((_L,), jnp.float32)

    def group(g, carry):
        rowbase = (g * _L + iota) * _NE
        cols = [jnp.full((_L,), e, jnp.int32) for e in range(_NE)]
        xs = [plsc.load_gather(lv, [rowbase + cols[e]]) for e in range(_NE)]

        act = [x > zero_f for x in xs]
        nact = jnp.zeros((_L,), jnp.float32)
        for e in range(_NE):
            nact = nact + jnp.where(act[e], 1.0, 0.0)
        inactive = nact == zero_f

        m1 = neg_inf
        m2 = neg_inf
        i1 = jnp.full((_L,), 0, jnp.int32)
        i2 = jnp.full((_L,), 0, jnp.int32)
        for e in range(_NE):
            x = xs[e]
            gt1 = x > m1
            gt2 = x > m2
            e_v = jnp.full((_L,), e, jnp.int32)
            i2 = jnp.where(gt1, i1, jnp.where(gt2, e_v, i2))
            m2 = jnp.where(gt1, m1, jnp.where(gt2, x, m2))
            i1 = jnp.where(gt1, e_v, i1)
            m1 = jnp.where(gt1, x, m1)

        masks = []
        ml = []
        e_ids = [jnp.full((_L,), e, jnp.int32) for e in range(_NE)]
        for e in range(_NE):
            fb = (i1 == e_ids[e]) | (i2 == e_ids[e])
            me = jnp.where(inactive, fb, act[e])
            masks.append(me)
            gated = jnp.maximum(xs[e], zero_f)
            ml.append(jnp.where(me, gated, neg_inf))
        mx = ml[0]
        for e in range(1, _NE):
            mx = jnp.maximum(mx, ml[e])
        ps = [jnp.exp(v - mx) for v in ml]
        s = ps[0]
        for e in range(1, _NE):
            s = s + ps[e]
        inv = 1.0 / s
        for e in range(_NE):
            plsc.store_scatter(rw_v, [rowbase + cols[e]], ps[e] * inv)
            plsc.store_scatter(am_v, [rowbase + cols[e]],
                               jnp.where(masks[e], 1.0, 0.0))
        return carry

    lax.fori_loop(0, n_groups, group, 0)


def _sc_routing(logits_flat, n):
    tpw = n // _NW
    fpw = tpw * _NE
    mesh = plsc.VectorSubcoreMesh(core_axis_name="c", subcore_axis_name="s")

    @functools.partial(
        pl.kernel,
        out_type=[
            jax.ShapeDtypeStruct((n * _NE,), jnp.float32),
            jax.ShapeDtypeStruct((n * _NE,), jnp.float32),
        ],
        mesh=mesh,
        scratch_types=[
            pltpu.VMEM((fpw,), jnp.float32),
            pltpu.VMEM((fpw,), jnp.float32),
            pltpu.VMEM((fpw,), jnp.float32),
        ],
        compiler_params=pltpu.CompilerParams(needs_layout_passes=False),
    )
    def routing(lg_hbm, rw_hbm, am_hbm, lv, rw_v, am_v):
        wid = lax.axis_index("s") * 2 + lax.axis_index("c")
        base = wid * fpw
        pltpu.sync_copy(lg_hbm.at[pl.ds(base, fpw)], lv)
        _routing_groups(lv, rw_v, am_v, tpw // _L)
        pltpu.sync_copy(rw_v, rw_hbm.at[pl.ds(base, fpw)])
        pltpu.sync_copy(am_v, am_hbm.at[pl.ds(base, fpw)])

    return routing(logits_flat)


@jax.jit
def kernel(hidden_states, sim_matrix, gates):
    b, t, c = hidden_states.shape
    n = b * t
    flat = hidden_states.reshape(n, c)
    cn = jnp.linalg.norm(sim_matrix, axis=0, keepdims=True)
    wn = sim_matrix / jnp.maximum(cn, 1e-12)
    g2 = jax.nn.sigmoid(gates).reshape(1, _NE)

    h = n // 2
    lg0 = _tc_logits(flat[:h], wn, g2, tile_m=1024)
    lg1 = _tc_logits(flat[h:], wn, g2, tile_m=1024)
    rw0, am0 = _sc_routing(lg0.reshape(-1), h)
    rw1, am1 = _sc_routing(lg1.reshape(-1), h)
    logits = jnp.concatenate([lg0, lg1], axis=0)
    rw = jnp.concatenate([rw0.reshape(h, _NE), rw1.reshape(h, _NE)], axis=0)
    am = jnp.concatenate([am0.reshape(h, _NE), am1.reshape(h, _NE)], axis=0)
    return rw, logits, am

# --- scband reference (transcript-rebuilt; emitter-appended) ---
"""Pipeline reference for scband-gating-network-84928683311853 (READ-ONLY COPY).

The authoritative reference and input builder live on the scoring server;
editing this copy changes nothing except your own understanding.
"""

import jax, jax.numpy as jnp
import numpy as np

MIN_EXPERTS = 2
MAX_EXPERTS = 16
HIDDEN_SIZE = 2048


def _normalize(x, axis):
    n = jnp.linalg.norm(x, axis=axis, keepdims=True)
    return x / jnp.maximum(n, 1e-12)


def setup_inputs(seed: int = 0) -> dict:
    key = jax.random.key(seed)
    k1, k2 = jax.random.split(key)
    hidden_states = jax.random.normal(k1, (4, 4096, HIDDEN_SIZE), dtype=jnp.float32)
    sim_matrix = jax.random.normal(k2, (HIDDEN_SIZE, MAX_EXPERTS), dtype=jnp.float32)
    gates = jnp.zeros((MAX_EXPERTS,), dtype=jnp.float32)
    return {"hidden_states": hidden_states, "sim_matrix": sim_matrix, "gates": gates}


def reference(hidden_states, sim_matrix, gates):
    b, t, c = hidden_states.shape
    flat = hidden_states.reshape(b * t, c)
    logits = jnp.matmul(_normalize(flat, -1), _normalize(sim_matrix, 0)) - jax.nn.sigmoid(gates)
    gated_logits = jax.nn.relu(logits)
    # STE forward: hard threshold
    activation_mask = (gated_logits > 0).astype(gated_logits.dtype)
    inactive_mask = jnp.sum(activation_mask, axis=1) == 0
    # fallback: top-min_experts by raw logits for inactive tokens
    fallback_indices = jax.lax.top_k(logits, MIN_EXPERTS)[1]
    rows = jnp.arange(b * t)
    fallback_mask = jnp.zeros_like(activation_mask).at[rows[:, None], fallback_indices].set(1.0)
    activation_mask = jnp.where(inactive_mask[:, None], fallback_mask, activation_mask)
    gated_logits_masked = jnp.where(activation_mask > 0, gated_logits, -jnp.inf)
    routing_weights = jax.nn.softmax(gated_logits_masked, axis=-1)
    return routing_weights, logits, activation_mask

if __name__ == "__main__":
    import jax
    _d = setup_inputs()
    print(jax.jit(kernel)(*tuple(_d.values())))

</pallas_src>

<mosaic_0001>
#map = affine_map<(d0, d1) -> (0)>
module attributes {stable_mosaic.version = 14 : i64} {
  func.func @routing(%arg0: i32, %arg1: i32, %arg2: memref<131072xf32, #tpu.memory_space<hbm>>, %arg3: memref<131072xf32, #tpu.memory_space<hbm>>, %arg4: memref<131072xf32, #tpu.memory_space<hbm>>, %arg5: memref<4096xf32, #tpu.memory_space<vmem>>, %arg6: memref<4096xf32, #tpu.memory_space<vmem>>, %arg7: memref<4096xf32, #tpu.memory_space<vmem>>) attributes {dimension_semantics = [#tpu.dimension_semantics<core_parallel>, #tpu.dimension_semantics<subcore_parallel>], iteration_bounds = array<i64: 2, 16>, scalar_prefetch = 0 : i64, scratch_operands = 3 : i64, tpu.core_type = #tpu.core_type<sc_vector_subcore>, window_params = [{transform_indices = #map}, {transform_indices = #map}, {transform_indices = #map}]} {
    %mul3A = arith.constant 2 : i32
    %mul3A_0 = arith.muli %arg1, %mul3A : i32
    %add3A = arith.addi %mul3A_0, %arg0 : i32
    %mul3A_1 = arith.constant 4096 : i32
    %mul3A_2 = arith.muli %add3A, %mul3A_1 : i32
    "tpu.region"() ({
      %run_scoped3A = tpu.sem_alloc : memref<!tpu.dma_semaphore, #tpu.memory_space<semaphore_mem>>
      %dma_start3A = tpu.memref_slice %arg2[%mul3A_2] : memref<131072xf32, #tpu.memory_space<hbm>> -> memref<4096xf32, #tpu.memory_space<hbm>>
      %dma_start3A_11 = tpu.memref_slice %arg2[%mul3A_2] : memref<131072xf32, #tpu.memory_space<hbm>> -> memref<4096xf32, #tpu.memory_space<hbm>>
      tpu.enqueue_dma source(%dma_start3A_11 : memref<4096xf32, #tpu.memory_space<hbm>>) target(%arg5 : memref<4096xf32, #tpu.memory_space<vmem>>) target_semaphore(%run_scoped3A : memref<!tpu.dma_semaphore, #tpu.memory_space<semaphore_mem>>)
      %dma_wait3A = tpu.memref_slice %arg2[%mul3A_2] : memref<131072xf32, #tpu.memory_space<hbm>> -> memref<4096xf32, #tpu.memory_space<hbm>>
      %dma_wait3A_12 = tpu.memref_slice %arg2[%mul3A_2] : memref<131072xf32, #tpu.memory_space<hbm>> -> memref<4096xf32, #tpu.memory_space<hbm>>
      tpu.wait_dma2 semaphore(%run_scoped3A : memref<!tpu.dma_semaphore, #tpu.memory_space<semaphore_mem>>) src(%dma_wait3A_12 : memref<4096xf32, #tpu.memory_space<hbm>>) dst(%arg5 : memref<4096xf32, #tpu.memory_space<vmem>>)
      tpu.yield
    }) : () -> ()
    %iota3A = tpu.iota {dimensions = array<i32: 0>} : vector<16xi32>
    %broadcast_in_dim3A = arith.constant 0xFF800000 : f32
    %broadcast_in_dim3A_3 = vector.broadcast %broadcast_in_dim3A : f32 to vector<16xf32>
    %broadcast_in_dim3A_4 = arith.constant 0.000000e+00 : f32
    %broadcast_in_dim3A_5 = vector.broadcast %broadcast_in_dim3A_4 : f32 to vector<16xf32>
    %scan3A = arith.constant 0 : i32
    %scan3A_6 = arith.constant 0 : i32
    %scan3A_7 = arith.constant 16 : i32
    %scan3A_8 = arith.addi %scan3A_6, %scan3A_7 : i32
    %scan3A_9 = arith.constant 1 : i32
    scf.for %scan3A_11 = %scan3A_6 to %scan3A_8 step %scan3A_9  : i32 {
      %mul3A_12 = arith.constant 16 : i32
      %mul3A_13 = arith.muli %scan3A_11, %mul3A_12 : i32
      %add3A_14 = vector.broadcast %mul3A_13 : i32 to vector<16xi32>
      %add3A_15 = arith.addi %add3A_14, %iota3A : vector<16xi32>
      %mul3A_16 = arith.constant 16 : i32
      %mul3A_17 = vector.broadcast %mul3A_16 : i32 to vector<16xi32>
      %mul3A_18 = arith.muli %add3A_15, %mul3A_17 : vector<16xi32>
      %broadcast_in_dim3A_19 = arith.constant 0 : i32
      %broadcast_in_dim3A_20 = vector.broadcast %broadcast_in_dim3A_19 : i32 to vector<16xi32>
      %broadcast_in_dim3A_21 = arith.constant 1 : i32
      %broadcast_in_dim3A_22 = vector.broadcast %broadcast_in_dim3A_21 : i32 to vector<16xi32>
      %broadcast_in_dim3A_23 = arith.constant 2 : i32
      %broadcast_in_dim3A_24 = vector.broadcast %broadcast_in_dim3A_23 : i32 to vector<16xi32>
      %broadcast_in_dim3A_25 = arith.constant 3 : i32
      %broadcast_in_dim3A_26 = vector.broadcast %broadcast_in_dim3A_25 : i32 to vector<16xi32>
      %broadcast_in_dim3A_27 = arith.constant 4 : i32
      %broadcast_in_dim3A_28 = vector.broadcast %broadcast_in_dim3A_27 : i32 to vector<16xi32>
      %broadcast_in_dim3A_29 = arith.constant 5 : i32
      %broadcast_in_dim3A_30 = vector.broadcast %broadcast_in_dim3A_29 : i32 to vector<16xi32>
      %broadcast_in_dim3A_31 = arith.constant 6 : i32
      %broadcast_in_dim3A_32 = vector.broadcast %broadcast_in_dim3A_31 : i32 to vector<16xi32>
      %broadcast_in_dim3A_33 = arith.constant 7 : i32
      %broadcast_in_dim3A_34 = vector.broadcast %broadcast_in_dim3A_33 : i32 to vector<16xi32>
      %broadcast_in_dim3A_35 = arith.constant 8 : i32
      %broadcast_in_dim3A_36 = vector.broadcast %broadcast_in_dim3A_35 : i32 to vector<16xi32>
      %broadcast_in_dim3A_37 = arith.constant 9 : i32
      %broadcast_in_dim3A_38 = vector.broadcast %broadcast_in_dim3A_37 : i32 to vector<16xi32>
      %broadcast_in_dim3A_39 = arith.constant 10 : i32
      %broadcast_in_dim3A_40 = vector.broadcast %broadcast_in_dim3A_39 : i32 to vector<16xi32>
      %broadcast_in_dim3A_41 = arith.constant 11 : i32
      %broadcast_in_dim3A_42 = vector.broadcast %broadcast_in_dim3A_41 : i32 to vector<16xi32>
      %broadcast_in_dim3A_43 = arith.constant 12 : i32
      %broadcast_in_dim3A_44 = vector.broadcast %broadcast_in_dim3A_43 : i32 to vector<16xi32>
      %broadcast_in_dim3A_45 = arith.constant 13 : i32
      %broadcast_in_dim3A_46 = vector.broadcast %broadcast_in_dim3A_45 : i32 to vector<16xi32>
      %broadcast_in_dim3A_47 = arith.constant 14 : i32
      %broadcast_in_dim3A_48 = vector.broadcast %broadcast_in_dim3A_47 : i32 to vector<16xi32>
      %broadcast_in_dim3A_49 = arith.constant 15 : i32
      %broadcast_in_dim3A_50 = vector.broadcast %broadcast_in_dim3A_49 : i32 to vector<16xi32>
      %add3A_51 = arith.addi %mul3A_18, %broadcast_in_dim3A_20 : vector<16xi32>
      %gather3A = tpu.vector_load_idx %arg5[%add3A_51] : memref<4096xf32, #tpu.memory_space<vmem>>[vector<16xi32>], vector<16xf32>,
      %add3A_52 = arith.addi %mul3A_18, %broadcast_in_dim3A_22 : vector<16xi32>
      %gather3A_53 = tpu.vector_load_idx %arg5[%add3A_52] : memref<4096xf32, #tpu.memory_space<vmem>>[vector<16xi32>], vector<16xf32>,
      %add3A_54 = arith.addi %mul3A_18, %broadcast_in_dim3A_24 : vector<16xi32>
      %gather3A_55 = tpu.vector_load_idx %arg5[%add3A_54] : memref<4096xf32, #tpu.memory_space<vmem>>[vector<16xi32>], vector<16xf32>,
      %add3A_56 = arith.addi %mul3A_18, %broadcast_in_dim3A_26 : vector<16xi32>
      %gather3A_57 = tpu.vector_load_idx %arg5[%add3A_56] : memref<4096xf32, #tpu.memory_space<vmem>>[vector<16xi32>], vector<16xf32>,
      %add3A_58 = arith.addi %mul3A_18, %broadcast_in_dim3A_28 : vector<16xi32>
      %gather3A_59 = tpu.vector_load_idx %arg5[%add3A_58] : memref<4096xf32, #tpu.memory_space<vmem>>[vector<16xi32>], vector<16xf32>,
      %add3A_60 = arith.addi %mul3A_18, %broadcast_in_dim3A_30 : vector<16xi32>
      %gather3A_61 = tpu.vector_load_idx %arg5[%add3A_60] : memref<4096xf32, #tpu.memory_space<vmem>>[vector<16xi32>], vector<16xf32>,
      %add3A_62 = arith.addi %mul3A_18, %broadcast_in_dim3A_32 : vector<16xi32>
      %gather3A_63 = tpu.vector_load_idx %arg5[%add3A_62] : memref<4096xf32, #tpu.memory_space<vmem>>[vector<16xi32>], vector<16xf32>,
      %add3A_64 = arith.addi %mul3A_18, %broadcast_in_dim3A_34 : vector<16xi32>
      %gather3A_65 = tpu.vector_load_idx %arg5[%add3A_64] : memref<4096xf32, #tpu.memory_space<vmem>>[vector<16xi32>], vector<16xf32>,
      %add3A_66 = arith.addi %mul3A_18, %broadcast_in_dim3A_36 : vector<16xi32>
      %gather3A_67 = tpu.vector_load_idx %arg5[%add3A_66] : memref<4096xf32, #tpu.memory_space<vmem>>[vector<16xi32>], vector<16xf32>,
      %add3A_68 = arith.addi %mul3A_18, %broadcast_in_dim3A_38 : vector<16xi32>
      %gather3A_69 = tpu.vector_load_idx %arg5[%add3A_68] : memref<4096xf32, #tpu.memory_space<vmem>>[vector<16xi32>], vector<16xf32>,
      %add3A_70 = arith.addi %mul3A_18, %broadcast_in_dim3A_40 : vector<16xi32>
      %gather3A_71 = tpu.vector_load_idx %arg5[%add3A_70] : memref<4096xf32, #tpu.memory_space<vmem>>[vector<16xi32>], vector<16xf32>,
      %add3A_72 = arith.addi %mul3A_18, %broadcast_in_dim3A_42 : vector<16xi32>
      %gather3A_73 = tpu.vector_load_idx %arg5[%add3A_72] : memref<4096xf32, #tpu.memory_space<vmem>>[vector<16xi32>], vector<16xf32>,
      %add3A_74 = arith.addi %mul3A_18, %broadcast_in_dim3A_44 : vector<16xi32>
      %gather3A_75 = tpu.vector_load_idx %arg5[%add3A_74] : memref<4096xf32, #tpu.memory_space<vmem>>[vector<16xi32>], vector<16xf32>,
      %add3A_76 = arith.addi %mul3A_18, %broadcast_in_dim3A_46 : vector<16xi32>
      %gather3A_77 = tpu.vector_load_idx %arg5[%add3A_76] : memref<4096xf32, #tpu.memory_space<vmem>>[vector<16xi32>], vector<16xf32>,
      %add3A_78 = arith.addi %mul3A_18, %broadcast_in_dim3A_48 : vector<16xi32>
      %gather3A_79 = tpu.vector_load_idx %arg5[%add3A_78] : memref<4096xf32, #tpu.memory_space<vmem>>[vector<16xi32>], vector<16xf32>,
      %add3A_80 = arith.addi %mul3A_18, %broadcast_in_dim3A_50 : vector<16xi32>
      %gather3A_81 = tpu.vector_load_idx %arg5[%add3A_80] : memref<4096xf32, #tpu.memory_space<vmem>>[vector<16xi32>], vector<16xf32>,
      %gt3A = arith.cmpf ogt, %gather3A, %broadcast_in_dim3A_5 : vector<16xf32>
      %gt3A_82 = arith.cmpf ogt, %gather3A_53, %broadcast_in_dim3A_5 : vector<16xf32>
      %gt3A_83 = arith.cmpf ogt, %gather3A_55, %broadcast_in_dim3A_5 : vector<16xf32>
      %gt3A_84 = arith.cmpf ogt, %gather3A_57, %broadcast_in_dim3A_5 : vector<16xf32>
      %gt3A_85 = arith.cmpf ogt, %gather3A_59, %broadcast_in_dim3A_5 : vector<16xf32>
      %gt3A_86 = arith.cmpf ogt, %gather3A_61, %broadcast_in_dim3A_5 : vector<16xf32>
      %gt3A_87 = arith.cmpf ogt, %gather3A_63, %broadcast_in_dim3A_5 : vector<16xf32>
      %gt3A_88 = arith.cmpf ogt, %gather3A_65, %broadcast_in_dim3A_5 : vector<16xf32>
      %gt3A_89 = arith.cmpf ogt, %gather3A_67, %broadcast_in_dim3A_5 : vector<16xf32>
      %gt3A_90 = arith.cmpf ogt, %gather3A_69, %broadcast_in_dim3A_5 : vector<16xf32>
      %gt3A_91 = arith.cmpf ogt, %gather3A_71, %broadcast_in_dim3A_5 : vector<16xf32>
      %gt3A_92 = arith.cmpf ogt, %gather3A_73, %broadcast_in_dim3A_5 : vector<16xf32>
      %gt3A_93 = arith.cmpf ogt, %gather3A_75, %broadcast_in_dim3A_5 : vector<16xf32>
      %gt3A_94 = arith.cmpf ogt, %gather3A_77, %broadcast_in_dim3A_5 : vector<16xf32>
      %gt3A_95 = arith.cmpf ogt, %gather3A_79, %broadcast_in_dim3A_5 : vector<16xf32>
      %gt3A_96 = arith.cmpf ogt, %gather3A_81, %broadcast_in_dim3A_5 : vector<16xf32>
      %broadcast_in_dim3A_97 = arith.constant 0.000000e+00 : f32
      %broadcast_in_dim3A_98 = vector.broadcast %broadcast_in_dim3A_97 : f32 to vector<16xf32>
      %jit3A = arith.constant 1.000000e+00 : f32
      %jit3A_99 = arith.constant 0.000000e+00 : f32
      %broadcast_in_dim3A_100 = vector.broadcast %jit3A : f32 to vector<16xf32>
      %broadcast_in_dim3A_101 = vector.broadcast %jit3A_99 : f32 to vector<16xf32>
      %select_n3A = arith.select %gt3A, %broadcast_in_dim3A_100, %broadcast_in_dim3A_101 : vector<16xi1>, vector<16xf32>
      %add3A_102 = arith.addf %broadcast_in_dim3A_98, %select_n3A : vector<16xf32>
      %jit3A_103 = arith.constant 1.000000e+00 : f32
      %jit3A_104 = arith.constant 0.000000e+00 : f32
      %broadcast_in_dim3A_105 = vector.broadcast %jit3A_103 : f32 to vector<16xf32>
      %broadcast_in_dim3A_106 = vector.broadcast %jit3A_104 : f32 to vector<16xf32>
      %select_n3A_107 = arith.select %gt3A_82, %broadcast_in_dim3A_105, %broadcast_in_dim3A_106 : vector<16xi1>, vector<16xf32>
      %add3A_108 = arith.addf %add3A_102, %select_n3A_107 : vector<16xf32>
      %jit3A_109 = arith.constant 1.000000e+00 : f32
      %jit3A_110 = arith.constant 0.000000e+00 : f32
      %broadcast_in_dim3A_111 = vector.broadcast %jit3A_109 : f32 to vector<16xf32>
      %broadcast_in_dim3A_112 = vector.broadcast %jit3A_110 : f32 to vector<16xf32>
      %select_n3A_113 = arith.select %gt3A_83, %broadcast_in_dim3A_111, %broadcast_in_dim3A_112 : vector<16xi1>, vector<16xf32>
      %add3A_114 = arith.addf %add3A_108, %select_n3A_113 : vector<16xf32>
      %jit3A_115 = arith.constant 1.000000e+00 : f32
      %jit3A_116 = arith.constant 0.000000e+00 : f32
      %broadcast_in_dim3A_117 = vector.broadcast %jit3A_115 : f32 to vector<16xf32>
      %broadcast_in_dim3A_118 = vector.broadcast %jit3A_116 : f32 to vector<16xf32>
      %select_n3A_119 = arith.select %gt3A_84, %broadcast_in_dim3A_117, %broadcast_in_dim3A_118 : vector<16xi1>, vector<16xf32>
      %add3A_120 = arith.addf %add3A_114, %select_n3A_119 : vector<16xf32>
      %jit3A_121 = arith.constant 1.000000e+00 : f32
      %jit3A_122 = arith.constant 0.000000e+00 : f32
      %broadcast_in_dim3A_123 = vector.broadcast %jit3A_121 : f32 to vector<16xf32>
      %broadcast_in_dim3A_124 = vector.broadcast %jit3A_122 : f32 to vector<16xf32>
      %select_n3A_125 = arith.select %gt3A_85, %broadcast_in_dim3A_123, %broadcast_in_dim3A_124 : vector<16xi1>, vector<16xf32>
      %add3A_126 = arith.addf %add3A_120, %select_n3A_125 : vector<16xf32>
      %jit3A_127 = arith.constant 1.000000e+00 : f32
      %jit3A_128 = arith.constant 0.000000e+00 : f32
      %broadcast_in_dim3A_129 = vector.broadcast %jit3A_127 : f32 to vector<16xf32>
      %broadcast_in_dim3A_130 = vector.broadcast %jit3A_128 : f32 to vector<16xf32>
      %select_n3A_131 = arith.select %gt3A_86, %broadcast_in_dim3A_129, %broadcast_in_dim3A_130 : vector<16xi1>, vector<16xf32>
      %add3A_132 = arith.addf %add3A_126, %select_n3A_131 : vector<16xf32>
      %jit3A_133 = arith.constant 1.000000e+00 : f32
      %jit3A_134 = arith.constant 0.000000e+00 : f32
      %broadcast_in_dim3A_135 = vector.broadcast %jit3A_133 : f32 to vector<16xf32>
      %broadcast_in_dim3A_136 = vector.broadcast %jit3A_134 : f32 to vector<16xf32>
      %select_n3A_137 = arith.select %gt3A_87, %broadcast_in_dim3A_135, %broadcast_in_dim3A_136 : vector<16xi1>, vector<16xf32>
      %add3A_138 = arith.addf %add3A_132, %select_n3A_137 : vector<16xf32>
      %jit3A_139 = arith.constant 1.000000e+00 : f32
      %jit3A_140 = arith.constant 0.000000e+00 : f32
      %broadcast_in_dim3A_141 = vector.broadcast %jit3A_139 : f32 to vector<16xf32>
      %broadcast_in_dim3A_142 = vector.broadcast %jit3A_140 : f32 to vector<16xf32>
      %select_n3A_143 = arith.select %gt3A_88, %broadcast_in_dim3A_141, %broadcast_in_dim3A_142 : vector<16xi1>, vector<16xf32>
      %add3A_144 = arith.addf %add3A_138, %select_n3A_143 : vector<16xf32>
      %jit3A_145 = arith.constant 1.000000e+00 : f32
      %jit3A_146 = arith.constant 0.000000e+00 : f32
      %broadcast_in_dim3A_147 = vector.broadcast %jit3A_145 : f32 to vector<16xf32>
      %broadcast_in_dim3A_148 = vector.broadcast %jit3A_146 : f32 to vector<16xf32>
      %select_n3A_149 = arith.select %gt3A_89, %broadcast_in_dim3A_147, %broadcast_in_dim3A_148 : vector<16xi1>, vector<16xf32>
      %add3A_150 = arith.addf %add3A_144, %select_n3A_149 : vector<16xf32>
      %jit3A_151 = arith.constant 1.000000e+00 : f32
      %jit3A_152 = arith.constant 0.000000e+00 : f32
      %broadcast_in_dim3A_153 = vector.broadcast %jit3A_151 : f32 to vector<16xf32>
      %broadcast_in_dim3A_154 = vector.broadcast %jit3A_152 : f32 to vector<16xf32>
      %select_n3A_155 = arith.select %gt3A_90, %broadcast_in_dim3A_153, %broadcast_in_dim3A_154 : vector<16xi1>, vector<16xf32>
      %add3A_156 = arith.addf %add3A_150, %select_n3A_155 : vector<16xf32>
      %jit3A_157 = arith.constant 1.000000e+00 : f32
      %jit3A_158 = arith.constant 0.000000e+00 : f32
      %broadcast_in_dim3A_159 = vector.broadcast %jit3A_157 : f32 to vector<16xf32>
      %broadcast_in_dim3A_160 = vector.broadcast %jit3A_158 : f32 to vector<16xf32>
      %select_n3A_161 = arith.select %gt3A_91, %broadcast_in_dim3A_159, %broadcast_in_dim3A_160 : vector<16xi1>, vector<16xf32>
      %add3A_162 = arith.addf %add3A_156, %select_n3A_161 : vector<16xf32>
      %jit3A_163 = arith.constant 1.000000e+00 : f32
      %jit3A_164 = arith.constant 0.000000e+00 : f32
      %broadcast_in_dim3A_165 = vector.broadcast %jit3A_163 : f32 to vector<16xf32>
      %broadcast_in_dim3A_166 = vector.broadcast %jit3A_164 : f32 to vector<16xf32>
      %select_n3A_167 = arith.select %gt3A_92, %broadcast_in_dim3A_165, %broadcast_in_dim3A_166 : vector<16xi1>, vector<16xf32>
      %add3A_168 = arith.addf %add3A_162, %select_n3A_167 : vector<16xf32>
      %jit3A_169 = arith.constant 1.000000e+00 : f32
      %jit3A_170 = arith.constant 0.000000e+00 : f32
      %broadcast_in_dim3A_171 = vector.broadcast %jit3A_169 : f32 to vector<16xf32>
      %broadcast_in_dim3A_172 = vector.broadcast %jit3A_170 : f32 to vector<16xf32>
      %select_n3A_173 = arith.select %gt3A_93, %broadcast_in_dim3A_171, %broadcast_in_dim3A_172 : vector<16xi1>, vector<16xf32>
      %add3A_174 = arith.addf %add3A_168, %select_n3A_173 : vector<16xf32>
      %jit3A_175 = arith.constant 1.000000e+00 : f32
      %jit3A_176 = arith.constant 0.000000e+00 : f32
      %broadcast_in_dim3A_177 = vector.broadcast %jit3A_175 : f32 to vector<16xf32>
      %broadcast_in_dim3A_178 = vector.broadcast %jit3A_176 : f32 to vector<16xf32>
      %select_n3A_179 = arith.select %gt3A_94, %broadcast_in_dim3A_177, %broadcast_in_dim3A_178 : vector<16xi1>, vector<16xf32>
      %add3A_180 = arith.addf %add3A_174, %select_n3A_179 : vector<16xf32>
      %jit3A_181 = arith.constant 1.000000e+00 : f32
      %jit3A_182 = arith.constant 0.000000e+00 : f32
      %broadcast_in_dim3A_183 = vector.broadcast %jit3A_181 : f32 to vector<16xf32>
      %broadcast_in_dim3A_184 = vector.broadcast %jit3A_182 : f32 to vector<16xf32>
      %select_n3A_185 = arith.select %gt3A_95, %broadcast_in_dim3A_183, %broadcast_in_dim3A_184 : vector<16xi1>, vector<16xf32>
      %add3A_186 = arith.addf %add3A_180, %select_n3A_185 : vector<16xf32>
      %jit3A_187 = arith.constant 1.000000e+00 : f32
      %jit3A_188 = arith.constant 0.000000e+00 : f32
      %broadcast_in_dim3A_189 = vector.broadcast %jit3A_187 : f32 to vector<16xf32>
      %broadcast_in_dim3A_190 = vector.broadcast %jit3A_188 : f32 to vector<16xf32>
      %select_n3A_191 = arith.select %gt3A_96, %broadcast_in_dim3A_189, %broadcast_in_dim3A_190 : vector<16xi1>, vector<16xf32>
      %add3A_192 = arith.addf %add3A_186, %select_n3A_191 : vector<16xf32>
      %eq3A = arith.cmpf oeq, %add3A_192, %broadcast_in_dim3A_5 : vector<16xf32>
      %broadcast_in_dim3A_193 = arith.constant 0 : i32
      %broadcast_in_dim3A_194 = vector.broadcast %broadcast_in_dim3A_193 : i32 to vector<16xi32>
      %broadcast_in_dim3A_195 = arith.constant 0 : i32
      %broadcast_in_dim3A_196 = vector.broadcast %broadcast_in_dim3A_195 : i32 to vector<16xi32>
      %gt3A_197 = arith.cmpf ogt, %gather3A, %broadcast_in_dim3A_3 : vector<16xf32>
      %gt3A_198 = arith.cmpf ogt, %gather3A, %broadcast_in_dim3A_3 : vector<16xf32>
      %broadcast_in_dim3A_199 = arith.constant 0 : i32
      %broadcast_in_dim3A_200 = vector.broadcast %broadcast_in_dim3A_199 : i32 to vector<16xi32>
      %select_n3A_201 = arith.select %gt3A_198, %broadcast_in_dim3A_200, %broadcast_in_dim3A_196 : vector<16xi1>, vector<16xi32>
      %select_n3A_202 = arith.select %gt3A_197, %broadcast_in_dim3A_194, %select_n3A_201 : vector<16xi1>, vector<16xi32>
      %select_n3A_203 = arith.select %gt3A_198, %gather3A, %broadcast_in_dim3A_3 : vector<16xi1>, vector<16xf32>
      %select_n3A_204 = arith.select %gt3A_197, %broadcast_in_dim3A_3, %select_n3A_203 : vector<16xi1>, vector<16xf32>
      %select_n3A_205 = arith.select %gt3A_197, %broadcast_in_dim3A_200, %broadcast_in_dim3A_194 : vector<16xi1>, vector<16xi32>
      %select_n3A_206 = arith.select %gt3A_197, %gather3A, %broadcast_in_dim3A_3 : vector<16xi1>, vector<16xf32>
      %gt3A_207 = arith.cmpf ogt, %gather3A_53, %select_n3A_206 : vector<16xf32>
      %gt3A_208 = arith.cmpf ogt, %gather3A_53, %select_n3A_204 : vector<16xf32>
      %broadcast_in_dim3A_209 = arith.constant 1 : i32
      %broadcast_in_dim3A_210 = vector.broadcast %broadcast_in_dim3A_209 : i32 to vector<16xi32>
      %select_n3A_211 = arith.select %gt3A_208, %broadcast_in_dim3A_210, %select_n3A_202 : vector<16xi1>, vector<16xi32>
      %select_n3A_212 = arith.select %gt3A_207, %select_n3A_205, %select_n3A_211 : vector<16xi1>, vector<16xi32>
      %select_n3A_213 = arith.select %gt3A_208, %gather3A_53, %select_n3A_204 : vector<16xi1>, vector<16xf32>
      %select_n3A_214 = arith.select %gt3A_207, %select_n3A_206, %select_n3A_213 : vector<16xi1>, vector<16xf32>
      %select_n3A_215 = arith.select %gt3A_207, %broadcast_in_dim3A_210, %select_n3A_205 : vector<16xi1>, vector<16xi32>
      %select_n3A_216 = arith.select %gt3A_207, %gather3A_53, %select_n3A_206 : vector<16xi1>, vector<16xf32>
      %gt3A_217 = arith.cmpf ogt, %gather3A_55, %select_n3A_216 : vector<16xf32>
      %gt3A_218 = arith.cmpf ogt, %gather3A_55, %select_n3A_214 : vector<16xf32>
      %broadcast_in_dim3A_219 = arith.constant 2 : i32
      %broadcast_in_dim3A_220 = vector.broadcast %broadcast_in_dim3A_219 : i32 to vector<16xi32>
      %select_n3A_221 = arith.select %gt3A_218, %broadcast_in_dim3A_220, %select_n3A_212 : vector<16xi1>, vector<16xi32>
      %select_n3A_222 = arith.select %gt3A_217, %select_n3A_215, %select_n3A_221 : vector<16xi1>, vector<16xi32>
      %select_n3A_223 = arith.select %gt3A_218, %gather3A_55, %select_n3A_214 : vector<16xi1>, vector<16xf32>
      %select_n3A_224 = arith.select %gt3A_217, %select_n3A_216, %select_n3A_223 : vector<16xi1>, vector<16xf32>
      %select_n3A_225 = arith.select %gt3A_217, %broadcast_in_dim3A_220, %select_n3A_215 : vector<16xi1>, vector<16xi32>
      %select_n3A_226 = arith.select %gt3A_217, %gather3A_55, %select_n3A_216 : vector<16xi1>, vector<16xf32>
      %gt3A_227 = arith.cmpf ogt, %gather3A_57, %select_n3A_226 : vector<16xf32>
      %gt3A_228 = arith.cmpf ogt, %gather3A_57, %select_n3A_224 : vector<16xf32>
      %broadcast_in_dim3A_229 = arith.constant 3 : i32
      %broadcast_in_dim3A_230 = vector.broadcast %broadcast_in_dim3A_229 : i32 to vector<16xi32>
      %select_n3A_231 = arith.select %gt3A_228, %broadcast_in_dim3A_230, %select_n3A_222 : vector<16xi1>, vector<16xi32>
      %select_n3A_232 = arith.select %gt3A_227, %select_n3A_225, %select_n3A_231 : vector<16xi1>, vector<16xi32>
      %select_n3A_233 = arith.select %gt3A_228, %gather3A_57, %select_n3A_224 : vector<16xi1>, vector<16xf32>
      %select_n3A_234 = arith.select %gt3A_227, %select_n3A_226, %select_n3A_233 : vector<16xi1>, vector<16xf32>
      %select_n3A_235 = arith.select %gt3A_227, %broadcast_in_dim3A_230, %select_n3A_225 : vector<16xi1>, vector<16xi32>
      %select_n3A_236 = arith.select %gt3A_227, %gather3A_57, %select_n3A_226 : vector<16xi1>, vector<16xf32>
      %gt3A_237 = arith.cmpf ogt, %gather3A_59, %select_n3A_236 : vector<16xf32>
      %gt3A_238 = arith.cmpf ogt, %gather3A_59, %select_n3A_234 : vector<16xf32>
      %broadcast_in_dim3A_239 = arith.constant 4 : i32
      %broadcast_in_dim3A_240 = vector.broadcast %broadcast_in_dim3A_239 : i32 to vector<16xi32>
      %select_n3A_241 = arith.select %gt3A_238, %broadcast_in_dim3A_240, %select_n3A_232 : vector<16xi1>, vector<16xi32>
      %select_n3A_242 = arith.select %gt3A_237, %select_n3A_235, %select_n3A_241 : vector<16xi1>, vector<16xi32>
      %select_n3A_243 = arith.select %gt3A_238, %gather3A_59, %select_n3A_234 : vector<16xi1>, vector<16xf32>
      %select_n3A_244 = arith.select %gt3A_237, %select_n3A_236, %select_n3A_243 : vector<16xi1>, vector<16xf32>
      %select_n3A_245 = arith.select %gt3A_237, %broadcast_in_dim3A_240, %select_n3A_235 : vector<16xi1>, vector<16xi32>
      %select_n3A_246 = arith.select %gt3A_237, %gather3A_59, %select_n3A_236 : vector<16xi1>, vector<16xf32>
      %gt3A_247 = arith.cmpf ogt, %gather3A_61, %select_n3A_246 : vector<16xf32>
      %gt3A_248 = arith.cmpf ogt, %gather3A_61, %select_n3A_244 : vector<16xf32>
      %broadcast_in_dim3A_249 = arith.constant 5 : i32
      %broadcast_in_dim3A_250 = vector.broadcast %broadcast_in_dim3A_249 : i32 to vector<16xi32>
      %select_n3A_251 = arith.select %gt3A_248, %broadcast_in_dim3A_250, %select_n3A_242 : vector<16xi1>, vector<16xi32>
      %select_n3A_252 = arith.select %gt3A_247, %select_n3A_245, %select_n3A_251 : vector<16xi1>, vector<16xi32>
      %select_n3A_253 = arith.select %gt3A_248, %gather3A_61, %select_n3A_244 : vector<16xi1>, vector<16xf32>
      %select_n3A_254 = arith.select %gt3A_247, %select_n3A_246, %select_n3A_253 : vector<16xi1>, vector<16xf32>
      %select_n3A_255 = arith.select %gt3A_247, %broadcast_in_dim3A_250, %select_n3A_245 : vector<16xi1>, vector<16xi32>
      %select_n3A_256 = arith.select %gt3A_247, %gather3A_61, %select_n3A_246 : vector<16xi1>, vector<16xf32>
      %gt3A_257 = arith.cmpf ogt, %gather3A_63, %select_n3A_256 : vector<16xf32>
      %gt3A_258 = arith.cmpf ogt, %gather3A_63, %select_n3A_254 : vector<16xf32>
      %broadcast_in_dim3A_259 = arith.constant 6 : i32
      %broadcast_in_dim3A_260 = vector.broadcast %broadcast_in_dim3A_259 : i32 to vector<16xi32>
      %select_n3A_261 = arith.select %gt3A_258, %broadcast_in_dim3A_260, %select_n3A_252 : vector<16xi1>, vector<16xi32>
      %select_n3A_262 = arith.select %gt3A_257, %select_n3A_255, %select_n3A_261 : vector<16xi1>, vector<16xi32>
      %select_n3A_263 = arith.select %gt3A_258, %gather3A_63, %select_n3A_254 : vector<16xi1>, vector<16xf32>
      %select_n3A_264 = arith.select %gt3A_257, %select_n3A_256, %select_n3A_263 : vector<16xi1>, vector<16xf32>
      %select_n3A_265 = arith.select %gt3A_257, %broadcast_in_dim3A_260, %select_n3A_255 : vector<16xi1>, vector<16xi32>
      %select_n3A_266 = arith.select %gt3A_257, %gather3A_63, %select_n3A_256 : vector<16xi1>, vector<16xf32>
      %gt3A_267 = arith.cmpf ogt, %gather3A_65, %select_n3A_266 : vector<16xf32>
      %gt3A_268 = arith.cmpf ogt, %gather3A_65, %select_n3A_264 : vector<16xf32>
      %broadcast_in_dim3A_269 = arith.constant 7 : i32
      %broadcast_in_dim3A_270 = vector.broadcast %broadcast_in_dim3A_269 : i32 to vector<16xi32>
      %select_n3A_271 = arith.select %gt3A_268, %broadcast_in_dim3A_270, %select_n3A_262 : vector<16xi1>, vector<16xi32>
      %select_n3A_272 = arith.select %gt3A_267, %select_n3A_265, %select_n3A_271 : vector<16xi1>, vector<16xi32>
      %select_n3A_273 = arith.select %gt3A_268, %gather3A_65, %select_n3A_264 : vector<16xi1>, vector<16xf32>
      %select_n3A_274 = arith.select %gt3A_267, %select_n3A_266, %select_n3A_273 : vector<16xi1>, vector<16xf32>
      %select_n3A_275 = arith.select %gt3A_267, %broadcast_in_dim3A_270, %select_n3A_265 : vector<16xi1>, vector<16xi32>
      %select_n3A_276 = arith.select %gt3A_267, %gather3A_65, %select_n3A_266 : vector<16xi1>, vector<16xf32>
      %gt3A_277 = arith.cmpf ogt, %gather3A_67, %select_n3A_276 : vector<16xf32>
      %gt3A_278 = arith.cmpf ogt, %gather3A_67, %select_n3A_274 : vector<16xf32>
      %broadcast_in_dim3A_279 = arith.constant 8 : i32
      %broadcast_in_dim3A_280 = vector.broadcast %broadcast_in_dim3A_279 : i32 to vector<16xi32>
      %select_n3A_281 = arith.select %gt3A_278, %broadcast_in_dim3A_280, %select_n3A_272 : vector<16xi1>, vector<16xi32>
      %select_n3A_282 = arith.select %gt3A_277, %select_n3A_275, %select_n3A_281 : vector<16xi1>, vector<16xi32>
      %select_n3A_283 = arith.select %gt3A_278, %gather3A_67, %select_n3A_274 : vector<16xi1>, vector<16xf32>
      %select_n3A_284 = arith.select %gt3A_277, %select_n3A_276, %select_n3A_283 : vector<16xi1>, vector<16xf32>
      %select_n3A_285 = arith.select %gt3A_277, %broadcast_in_dim3A_280, %select_n3A_275 : vector<16xi1>, vector<16xi32>
      %select_n3A_286 = arith.select %gt3A_277, %gather3A_67, %select_n3A_276 : vector<16xi1>, vector<16xf32>
      %gt3A_287 = arith.cmpf ogt, %gather3A_69, %select_n3A_286 : vector<16xf32>
      %gt3A_288 = arith.cmpf ogt, %gather3A_69, %select_n3A_284 : vector<16xf32>
      %broadcast_in_dim3A_289 = arith.constant 9 : i32
      %broadcast_in_dim3A_290 = vector.broadcast %broadcast_in_dim3A_289 : i32 to vector<16xi32>
      %select_n3A_291 = arith.select %gt3A_288, %broadcast_in_dim3A_290, %select_n3A_282 : vector<16xi1>, vector<16xi32>
      %select_n3A_292 = arith.select %gt3A_287, %select_n3A_285, %select_n3A_291 : vector<16xi1>, vector<16xi32>
      %select_n3A_293 = arith.select %gt3A_288, %gather3A_69, %select_n3A_284 : vector<16xi1>, vector<16xf32>
      %select_n3A_294 = arith.select %gt3A_287, %select_n3A_286, %select_n3A_293 : vector<16xi1>, vector<16xf32>
      %select_n3A_295 = arith.select %gt3A_287, %broadcast_in_dim3A_290, %select_n3A_285 : vector<16xi1>, vector<16xi32>
      %select_n3A_296 = arith.select %gt3A_287, %gather3A_69, %select_n3A_286 : vector<16xi1>, vector<16xf32>
      %gt3A_297 = arith.cmpf ogt, %gather3A_71, %select_n3A_296 : vector<16xf32>
      %gt3A_298 = arith.cmpf ogt, %gather3A_71, %select_n3A_294 : vector<16xf32>
      %broadcast_in_dim3A_299 = arith.constant 10 : i32
      %broadcast_in_dim3A_300 = vector.broadcast %broadcast_in_dim3A_299 : i32 to vector<16xi32>
      %select_n3A_301 = arith.select %gt3A_298, %broadcast_in_dim3A_300, %select_n3A_292 : vector<16xi1>, vector<16xi32>
      %select_n3A_302 = arith.select %gt3A_297, %select_n3A_295, %select_n3A_301 : vector<16xi1>, vector<16xi32>
      %select_n3A_303 = arith.select %gt3A_298, %gather3A_71, %select_n3A_294 : vector<16xi1>, vector<16xf32>
      %select_n3A_304 = arith.select %gt3A_297, %select_n3A_296, %select_n3A_303 : vector<16xi1>, vector<16xf32>
      %select_n3A_305 = arith.select %gt3A_297, %broadcast_in_dim3A_300, %select_n3A_295 : vector<16xi1>, vector<16xi32>
      %select_n3A_306 = arith.select %gt3A_297, %gather3A_71, %select_n3A_296 : vector<16xi1>, vector<16xf32>
      %gt3A_307 = arith.cmpf ogt, %gather3A_73, %select_n3A_306 : vector<16xf32>
      %gt3A_308 = arith.cmpf ogt, %gather3A_73, %select_n3A_304 : vector<16xf32>
      %broadcast_in_dim3A_309 = arith.constant 11 : i32
      %broadcast_in_dim3A_310 = vector.broadcast %broadcast_in_dim3A_309 : i32 to vector<16xi32>
      %select_n3A_311 = arith.select %gt3A_308, %broadcast_in_dim3A_310, %select_n3A_302 : vector<16xi1>, vector<16xi32>
      %select_n3A_312 = arith.select %gt3A_307, %select_n3A_305, %select_n3A_311 : vector<16xi1>, vector<16xi32>
      %select_n3A_313 = arith.select %gt3A_308, %gather3A_73, %select_n3A_304 : vector<16xi1>, vector<16xf32>
      %select_n3A_314 = arith.select %gt3A_307, %select_n3A_306, %select_n3A_313 : vector<16xi1>, vector<16xf32>
      %select_n3A_315 = arith.select %gt3A_307, %broadcast_in_dim3A_310, %select_n3A_305 : vector<16xi1>, vector<16xi32>
      %select_n3A_316 = arith.select %gt3A_307, %gather3A_73, %select_n3A_306 : vector<16xi1>, vector<16xf32>
      %gt3A_317 = arith.cmpf ogt, %gather3A_75, %select_n3A_316 : vector<16xf32>
      %gt3A_318 = arith.cmpf ogt, %gather3A_75, %select_n3A_314 : vector<16xf32>
      %broadcast_in_dim3A_319 = arith.constant 12 : i32
      %broadcast_in_dim3A_320 = vector.broadcast %broadcast_in_dim3A_319 : i32 to vector<16xi32>
      %select_n3A_321 = arith.select %gt3A_318, %broadcast_in_dim3A_320, %select_n3A_312 : vector<16xi1>, vector<16xi32>
      %select_n3A_322 = arith.select %gt3A_317, %select_n3A_315, %select_n3A_321 : vector<16xi1>, vector<16xi32>
      %select_n3A_323 = arith.select %gt3A_318, %gather3A_75, %select_n3A_314 : vector<16xi1>, vector<16xf32>
      %select_n3A_324 = arith.select %gt3A_317, %select_n3A_316, %select_n3A_323 : vector<16xi1>, vector<16xf32>
      %select_n3A_325 = arith.select %gt3A_317, %broadcast_in_dim3A_320, %select_n3A_315 : vector<16xi1>, vector<16xi32>
      %select_n3A_326 = arith.select %gt3A_317, %gather3A_75, %select_n3A_316 : vector<16xi1>, vector<16xf32>
      %gt3A_327 = arith.cmpf ogt, %gather3A_77, %select_n3A_326 : vector<16xf32>
      %gt3A_328 = arith.cmpf ogt, %gather3A_77, %select_n3A_324 : vector<16xf32>
      %broadcast_in_dim3A_329 = arith.constant 13 : i32
      %broadcast_in_dim3A_330 = vector.broadcast %broadcast_in_dim3A_329 : i32 to vector<16xi32>
      %select_n3A_331 = arith.select %gt3A_328, %broadcast_in_dim3A_330, %select_n3A_322 : vector<16xi1>, vector<16xi32>
      %select_n3A_332 = arith.select %gt3A_327, %select_n3A_325, %select_n3A_331 : vector<16xi1>, vector<16xi32>
      %select_n3A_333 = arith.select %gt3A_328, %gather3A_77, %select_n3A_324 : vector<16xi1>, vector<16xf32>
      %select_n3A_334 = arith.select %gt3A_327, %select_n3A_326, %select_n3A_333 : vector<16xi1>, vector<16xf32>
      %select_n3A_335 = arith.select %gt3A_327, %broadcast_in_dim3A_330, %select_n3A_325 : vector<16xi1>, vector<16xi32>
      %select_n3A_336 = arith.select %gt3A_327, %gather3A_77, %select_n3A_326 : vector<16xi1>, vector<16xf32>
      %gt3A_337 = arith.cmpf ogt, %gather3A_79, %select_n3A_336 : vector<16xf32>
      %gt3A_338 = arith.cmpf ogt, %gather3A_79, %select_n3A_334 : vector<16xf32>
      %broadcast_in_dim3A_339 = arith.constant 14 : i32
      %broadcast_in_dim3A_340 = vector.broadcast %broadcast_in_dim3A_339 : i32 to vector<16xi32>
      %select_n3A_341 = arith.select %gt3A_338, %broadcast_in_dim3A_340, %select_n3A_332 : vector<16xi1>, vector<16xi32>
      %select_n3A_342 = arith.select %gt3A_337, %select_n3A_335, %select_n3A_341 : vector<16xi1>, vector<16xi32>
      %select_n3A_343 = arith.select %gt3A_338, %gather3A_79, %select_n3A_334 : vector<16xi1>, vector<16xf32>
      %select_n3A_344 = arith.select %gt3A_337, %select_n3A_336, %select_n3A_343 : vector<16xi1>, vector<16xf32>
      %select_n3A_345 = arith.select %gt3A_337, %broadcast_in_dim3A_340, %select_n3A_335 : vector<16xi1>, vector<16xi32>
      %select_n3A_346 = arith.select %gt3A_337, %gather3A_79, %select_n3A_336 : vector<16xi1>, vector<16xf32>
      %gt3A_347 = arith.cmpf ogt, %gather3A_81, %select_n3A_346 : vector<16xf32>
      %gt3A_348 = arith.cmpf ogt, %gather3A_81, %select_n3A_344 : vector<16xf32>
      %broadcast_in_dim3A_349 = arith.constant 15 : i32
      %broadcast_in_dim3A_350 = vector.broadcast %broadcast_in_dim3A_349 : i32 to vector<16xi32>
      %select_n3A_351 = arith.select %gt3A_348, %broadcast_in_dim3A_350, %select_n3A_342 : vector<16xi1>, vector<16xi32>
      %select_n3A_352 = arith.select %gt3A_347, %select_n3A_345, %select_n3A_351 : vector<16xi1>, vector<16xi32>
      %select_n3A_353 = arith.select %gt3A_348, %gather3A_81, %select_n3A_344 : vector<16xi1>, vector<16xf32>
      %select_n3A_354 = arith.select %gt3A_347, %select_n3A_346, %select_n3A_353 : vector<16xi1>, vector<16xf32>
      %select_n3A_355 = arith.select %gt3A_347, %broadcast_in_dim3A_350, %select_n3A_345 : vector<16xi1>, vector<16xi32>
      %select_n3A_356 = arith.select %gt3A_347, %gather3A_81, %select_n3A_346 : vector<16xi1>, vector<16xf32>
      %broadcast_in_dim3A_357 = arith.constant 0 : i32
      %broadcast_in_dim3A_358 = vector.broadcast %broadcast_in_dim3A_357 : i32 to vector<16xi32>
      %broadcast_in_dim3A_359 = arith.constant 1 : i32
      %broadcast_in_dim3A_360 = vector.broadcast %broadcast_in_dim3A_359 : i32 to vector<16xi32>
      %broadcast_in_dim3A_361 = arith.constant 2 : i32
      %broadcast_in_dim3A_362 = vector.broadcast %broadcast_in_dim3A_361 : i32 to vector<16xi32>
      %broadcast_in_dim3A_363 = arith.constant 3 : i32
      %broadcast_in_dim3A_364 = vector.broadcast %broadcast_in_dim3A_363 : i32 to vector<16xi32>
      %broadcast_in_dim3A_365 = arith.constant 4 : i32
      %broadcast_in_dim3A_366 = vector.broadcast %broadcast_in_dim3A_365 : i32 to vector<16xi32>
      %broadcast_in_dim3A_367 = arith.constant 5 : i32
      %broadcast_in_dim3A_368 = vector.broadcast %broadcast_in_dim3A_367 : i32 to vector<16xi32>
      %broadcast_in_dim3A_369 = arith.constant 6 : i32
      %broadcast_in_dim3A_370 = vector.broadcast %broadcast_in_dim3A_369 : i32 to vector<16xi32>
      %broadcast_in_dim3A_371 = arith.constant 7 : i32
      %broadcast_in_dim3A_372 = vector.broadcast %broadcast_in_dim3A_371 : i32 to vector<16xi32>
      %broadcast_in_dim3A_373 = arith.constant 8 : i32
      %broadcast_in_dim3A_374 = vector.broadcast %broadcast_in_dim3A_373 : i32 to vector<16xi32>
      %broadcast_in_dim3A_375 = arith.constant 9 : i32
      %broadcast_in_dim3A_376 = vector.broadcast %broadcast_in_dim3A_375 : i32 to vector<16xi32>
      %broadcast_in_dim3A_377 = arith.constant 10 : i32
      %broadcast_in_dim3A_378 = vector.broadcast %broadcast_in_dim3A_377 : i32 to vector<16xi32>
      %broadcast_in_dim3A_379 = arith.constant 11 : i32
      %broadcast_in_dim3A_380 = vector.broadcast %broadcast_in_dim3A_379 : i32 to vector<16xi32>
      %broadcast_in_dim3A_381 = arith.constant 12 : i32
      %broadcast_in_dim3A_382 = vector.broadcast %broadcast_in_dim3A_381 : i32 to vector<16xi32>
      %broadcast_in_dim3A_383 = arith.constant 13 : i32
      %broadcast_in_dim3A_384 = vector.broadcast %broadcast_in_dim3A_383 : i32 to vector<16xi32>
      %broadcast_in_dim3A_385 = arith.constant 14 : i32
      %broadcast_in_dim3A_386 = vector.broadcast %broadcast_in_dim3A_385 : i32 to vector<16xi32>
      %broadcast_in_dim3A_387 = arith.constant 15 : i32
      %broadcast_in_dim3A_388 = vector.broadcast %broadcast_in_dim3A_387 : i32 to vector<16xi32>
      %eq3A_389 = arith.cmpi eq, %select_n3A_355, %broadcast_in_dim3A_358 : vector<16xi32>
      %eq3A_390 = arith.cmpi eq, %select_n3A_352, %broadcast_in_dim3A_358 : vector<16xi32>
      %or3A = arith.ori %eq3A_389, %eq3A_390 : vector<16xi1>
      %select_n3A_391 = arith.select %eq3A, %or3A, %gt3A : vector<16xi1>, vector<16xi1>
      %max3A = arith.maximumf %gather3A, %broadcast_in_dim3A_5 : vector<16xf32>
      %select_n3A_392 = arith.select %select_n3A_391, %max3A, %broadcast_in_dim3A_3 : vector<16xi1>, vector<16xf32>
      %eq3A_393 = arith.cmpi eq, %select_n3A_355, %broadcast_in_dim3A_360 : vector<16xi32>
      %eq3A_394 = arith.cmpi eq, %select_n3A_352, %broadcast_in_dim3A_360 : vector<16xi32>
      %or3A_395 = arith.ori %eq3A_393, %eq3A_394 : vector<16xi1>
      %select_n3A_396 = arith.select %eq3A, %or3A_395, %gt3A_82 : vector<16xi1>, vector<16xi1>
      %max3A_397 = arith.maximumf %gather3A_53, %broadcast_in_dim3A_5 : vector<16xf32>
      %select_n3A_398 = arith.select %select_n3A_396, %max3A_397, %broadcast_in_dim3A_3 : vector<16xi1>, vector<16xf32>
      %eq3A_399 = arith.cmpi eq, %select_n3A_355, %broadcast_in_dim3A_362 : vector<16xi32>
      %eq3A_400 = arith.cmpi eq, %select_n3A_352, %broadcast_in_dim3A_362 : vector<16xi32>
      %or3A_401 = arith.ori %eq3A_399, %eq3A_400 : vector<16xi1>
      %select_n3A_402 = arith.select %eq3A, %or3A_401, %gt3A_83 : vector<16xi1>, vector<16xi1>
      %max3A_403 = arith.maximumf %gather3A_55, %broadcast_in_dim3A_5 : vector<16xf32>
      %select_n3A_404 = arith.select %select_n3A_402, %max3A_403, %broadcast_in_dim3A_3 : vector<16xi1>, vector<16xf32>
      %eq3A_405 = arith.cmpi eq, %select_n3A_355, %broadcast_in_dim3A_364 : vector<16xi32>
      %eq3A_406 = arith.cmpi eq, %select_n3A_352, %broadcast_in_dim3A_364 : vector<16xi32>
      %or3A_407 = arith.ori %eq3A_405, %eq3A_406 : vector<16xi1>
      %select_n3A_408 = arith.select %eq3A, %or3A_407, %gt3A_84 : vector<16xi1>, vector<16xi1>
      %max3A_409 = arith.maximumf %gather3A_57, %broadcast_in_dim3A_5 : vector<16xf32>
      %select_n3A_410 = arith.select %select_n3A_408, %max3A_409, %broadcast_in_dim3A_3 : vector<16xi1>, vector<16xf32>
      %eq3A_411 = arith.cmpi eq, %select_n3A_355, %broadcast_in_dim3A_366 : vector<16xi32>
      %eq3A_412 = arith.cmpi eq, %select_n3A_352, %broadcast_in_dim3A_366 : vector<16xi32>
      %or3A_413 = arith.ori %eq3A_411, %eq3A_412 : vector<16xi1>
      %select_n3A_414 = arith.select %eq3A, %or3A_413, %gt3A_85 : vector<16xi1>, vector<16xi1>
      %max3A_415 = arith.maximumf %gather3A_59, %broadcast_in_dim3A_5 : vector<16xf32>
      %select_n3A_416 = arith.select %select_n3A_414, %max3A_415, %broadcast_in_dim3A_3 : vector<16xi1>, vector<16xf32>
      %eq3A_417 = arith.cmpi eq, %select_n3A_355, %broadcast_in_dim3A_368 : vector<16xi32>
      %eq3A_418 = arith.cmpi eq, %select_n3A_352, %broadcast_in_dim3A_368 : vector<16xi32>
      %or3A_419 = arith.ori %eq3A_417, %eq3A_418 : vector<16xi1>
      %select_n3A_420 = arith.select %eq3A, %or3A_419, %gt3A_86 : vector<16xi1>, vector<16xi1>
      %max3A_421 = arith.maximumf %gather3A_61, %broadcast_in_dim3A_5 : vector<16xf32>
      %select_n3A_422 = arith.select %select_n3A_420, %max3A_421, %broadcast_in_dim3A_3 : vector<16xi1>, vector<16xf32>
      %eq3A_423 = arith.cmpi eq, %select_n3A_355, %broadcast_in_dim3A_370 : vector<16xi32>
      %eq3A_424 = arith.cmpi eq, %select_n3A_352, %broadcast_in_dim3A_370 : vector<16xi32>
      %or3A_425 = arith.ori %eq3A_423, %eq3A_424 : vector<16xi1>
      %select_n3A_426 = arith.select %eq3A, %or3A_425, %gt3A_87 : vector<16xi1>, vector<16xi1>
      %max3A_427 = arith.maximumf %gather3A_63, %broadcast_in_dim3A_5 : vector<16xf32>
      %select_n3A_428 = arith.select %select_n3A_426, %max3A_427, %broadcast_in_dim3A_3 : vector<16xi1>, vector<16xf32>
      %eq3A_429 = arith.cmpi eq, %select_n3A_355, %broadcast_in_dim3A_372 : vector<16xi32>
      %eq3A_430 = arith.cmpi eq, %select_n3A_352, %broadcast_in_dim3A_372 : vector<16xi32>
      %or3A_431 = arith.ori %eq3A_429, %eq3A_430 : vector<16xi1>
      %select_n3A_432 = arith.select %eq3A, %or3A_431, %gt3A_88 : vector<16xi1>, vector<16xi1>
      %max3A_433 = arith.maximumf %gather3A_65, %broadcast_in_dim3A_5 : vector<16xf32>
      %select_n3A_434 = arith.select %select_n3A_432, %max3A_433, %broadcast_in_dim3A_3 : vector<16xi1>, vector<16xf32>
      %eq3A_435 = arith.cmpi eq, %select_n3A_355, %broadcast_in_dim3A_374 : vector<16xi32>
      %eq3A_436 = arith.cmpi eq, %select_n3A_352, %broadcast_in_dim3A_374 : vector<16xi32>
      %or3A_437 = arith.ori %eq3A_435, %eq3A_436 : vector<16xi1>
      %select_n3A_438 = arith.select %eq3A, %or3A_437, %gt3A_89 : vector<16xi1>, vector<16xi1>
      %max3A_439 = arith.maximumf %gather3A_67, %broadcast_in_dim3A_5 : vector<16xf32>
      %select_n3A_440 = arith.select %select_n3A_438, %max3A_439, %broadcast_in_dim3A_3 : vector<16xi1>, vector<16xf32>
      %eq3A_441 = arith.cmpi eq, %select_n3A_355, %broadcast_in_dim3A_376 : vector<16xi32>
      %eq3A_442 = arith.cmpi eq, %select_n3A_352, %broadcast_in_dim3A_376 : vector<16xi32>
      %or3A_443 = arith.ori %eq3A_441, %eq3A_442 : vector<16xi1>
      %select_n3A_444 = arith.select %eq3A, %or3A_443, %gt3A_90 : vector<16xi1>, vector<16xi1>
      %max3A_445 = arith.maximumf %gather3A_69, %broadcast_in_dim3A_5 : vector<16xf32>
      %select_n3A_446 = arith.select %select_n3A_444, %max3A_445, %broadcast_in_dim3A_3 : vector<16xi1>, vector<16xf32>
      %eq3A_447 = arith.cmpi eq, %select_n3A_355, %broadcast_in_dim3A_378 : vector<16xi32>
      %eq3A_448 = arith.cmpi eq, %select_n3A_352, %broadcast_in_dim3A_378 : vector<16xi32>
      %or3A_449 = arith.ori %eq3A_447, %eq3A_448 : vector<16xi1>
      %select_n3A_450 = arith.select %eq3A, %or3A_449, %gt3A_91 : vector<16xi1>, vector<16xi1>
      %max3A_451 = arith.maximumf %gather3A_71, %broadcast_in_dim3A_5 : vector<16xf32>
      %select_n3A_452 = arith.select %select_n3A_450, %max3A_451, %broadcast_in_dim3A_3 : vector<16xi1>, vector<16xf32>
      %eq3A_453 = arith.cmpi eq, %select_n3A_355, %broadcast_in_dim3A_380 : vector<16xi32>
      %eq3A_454 = arith.cmpi eq, %select_n3A_352, %broadcast_in_dim3A_380 : vector<16xi32>
      %or3A_455 = arith.ori %eq3A_453, %eq3A_454 : vector<16xi1>
      %select_n3A_456 = arith.select %eq3A, %or3A_455, %gt3A_92 : vector<16xi1>, vector<16xi1>
      %max3A_457 = arith.maximumf %gather3A_73, %broadcast_in_dim3A_5 : vector<16xf32>
      %select_n3A_458 = arith.select %select_n3A_456, %max3A_457, %broadcast_in_dim3A_3 : vector<16xi1>, vector<16xf32>
      %eq3A_459 = arith.cmpi eq, %select_n3A_355, %broadcast_in_dim3A_382 : vector<16xi32>
      %eq3A_460 = arith.cmpi eq, %select_n3A_352, %broadcast_in_dim3A_382 : vector<16xi32>
      %or3A_461 = arith.ori %eq3A_459, %eq3A_460 : vector<16xi1>
      %select_n3A_462 = arith.select %eq3A, %or3A_461, %gt3A_93 : vector<16xi1>, vector<16xi1>
      %max3A_463 = arith.maximumf %gather3A_75, %broadcast_in_dim3A_5 : vector<16xf32>
      %select_n3A_464 = arith.select %select_n3A_462, %max3A_463, %broadcast_in_dim3A_3 : vector<16xi1>, vector<16xf32>
      %eq3A_465 = arith.cmpi eq, %select_n3A_355, %broadcast_in_dim3A_384 : vector<16xi32>
      %eq3A_466 = arith.cmpi eq, %select_n3A_352, %broadcast_in_dim3A_384 : vector<16xi32>
      %or3A_467 = arith.ori %eq3A_465, %eq3A_466 : vector<16xi1>
      %select_n3A_468 = arith.select %eq3A, %or3A_467, %gt3A_94 : vector<16xi1>, vector<16xi1>
      %max3A_469 = arith.maximumf %gather3A_77, %broadcast_in_dim3A_5 : vector<16xf32>
      %select_n3A_470 = arith.select %select_n3A_468, %max3A_469, %broadcast_in_dim3A_3 : vector<16xi1>, vector<16xf32>
      %eq3A_471 = arith.cmpi eq, %select_n3A_355, %broadcast_in_dim3A_386 : vector<16xi32>
      %eq3A_472 = arith.cmpi eq, %select_n3A_352, %broadcast_in_dim3A_386 : vector<16xi32>
      %or3A_473 = arith.ori %eq3A_471, %eq3A_472 : vector<16xi1>
      %select_n3A_474 = arith.select %eq3A, %or3A_473, %gt3A_95 : vector<16xi1>, vector<16xi1>
      %max3A_475 = arith.maximumf %gather3A_79, %broadcast_in_dim3A_5 : vector<16xf32>
      %select_n3A_476 = arith.select %select_n3A_474, %max3A_475, %broadcast_in_dim3A_3 : vector<16xi1>, vector<16xf32>
      %eq3A_477 = arith.cmpi eq, %select_n3A_355, %broadcast_in_dim3A_388 : vector<16xi32>
      %eq3A_478 = arith.cmpi eq, %select_n3A_352, %broadcast_in_dim3A_388 : vector<16xi32>
      %or3A_479 = arith.ori %eq3A_477, %eq3A_478 : vector<16xi1>
      %select_n3A_480 = arith.select %eq3A, %or3A_479, %gt3A_96 : vector<16xi1>, vector<16xi1>
      %max3A_481 = arith.maximumf %gather3A_81, %broadcast_in_dim3A_5 : vector<16xf32>
      %select_n3A_482 = arith.select %select_n3A_480, %max3A_481, %broadcast_in_dim3A_3 : vector<16xi1>, vector<16xf32>
      %max3A_483 = arith.maximumf %select_n3A_392, %select_n3A_398 : vector<16xf32>
      %max3A_484 = arith.maximumf %max3A_483, %select_n3A_404 : vector<16xf32>
      %max3A_485 = arith.maximumf %max3A_484, %select_n3A_410 : vector<16xf32>
      %max3A_486 = arith.maximumf %max3A_485, %select_n3A_416 : vector<16xf32>
      %max3A_487 = arith.maximumf %max3A_486, %select_n3A_422 : vector<16xf32>
      %max3A_488 = arith.maximumf %max3A_487, %select_n3A_428 : vector<16xf32>
      %max3A_489 = arith.maximumf %max3A_488, %select_n3A_434 : vector<16xf32>
      %max3A_490 = arith.maximumf %max3A_489, %select_n3A_440 : vector<16xf32>
      %max3A_491 = arith.maximumf %max3A_490, %select_n3A_446 : vector<16xf32>
      %max3A_492 = arith.maximumf %max3A_491, %select_n3A_452 : vector<16xf32>
      %max3A_493 = arith.maximumf %max3A_492, %select_n3A_458 : vector<16xf32>
      %max3A_494 = arith.maximumf %max3A_493, %select_n3A_464 : vector<16xf32>
      %max3A_495 = arith.maximumf %max3A_494, %select_n3A_470 : vector<16xf32>
      %max3A_496 = arith.maximumf %max3A_495, %select_n3A_476 : vector<16xf32>
      %max3A_497 = arith.maximumf %max3A_496, %select_n3A_482 : vector<16xf32>
      %sub3A = arith.subf %select_n3A_392, %max3A_497 : vector<16xf32>
      %exp3A = math.exp %sub3A : vector<16xf32>
      %sub3A_498 = arith.subf %select_n3A_398, %max3A_497 : vector<16xf32>
      %exp3A_499 = math.exp %sub3A_498 : vector<16xf32>
      %sub3A_500 = arith.subf %select_n3A_404, %max3A_497 : vector<16xf32>
      %exp3A_501 = math.exp %sub3A_500 : vector<16xf32>
      %sub3A_502 = arith.subf %select_n3A_410, %max3A_497 : vector<16xf32>
      %exp3A_503 = math.exp %sub3A_502 : vector<16xf32>
      %sub3A_504 = arith.subf %select_n3A_416, %max3A_497 : vector<16xf32>
      %exp3A_505 = math.exp %sub3A_504 : vector<16xf32>
      %sub3A_506 = arith.subf %select_n3A_422, %max3A_497 : vector<16xf32>
      %exp3A_507 = math.exp %sub3A_506 : vector<16xf32>
      %sub3A_508 = arith.subf %select_n3A_428, %max3A_497 : vector<16xf32>
      %exp3A_509 = math.exp %sub3A_508 : vector<16xf32>
      %sub3A_510 = arith.subf %select_n3A_434, %max3A_497 : vector<16xf32>
      %exp3A_511 = math.exp %sub3A_510 : vector<16xf32>
      %sub3A_512 = arith.subf %select_n3A_440, %max3A_497 : vector<16xf32>
      %exp3A_513 = math.exp %sub3A_512 : vector<16xf32>
      %sub3A_514 = arith.subf %select_n3A_446, %max3A_497 : vector<16xf32>
      %exp3A_515 = math.exp %sub3A_514 : vector<16xf32>
      %sub3A_516 = arith.subf %select_n3A_452, %max3A_497 : vector<16xf32>
      %exp3A_517 = math.exp %sub3A_516 : vector<16xf32>
      %sub3A_518 = arith.subf %select_n3A_458, %max3A_497 : vector<16xf32>
      %exp3A_519 = math.exp %sub3A_518 : vector<16xf32>
      %sub3A_520 = arith.subf %select_n3A_464, %max3A_497 : vector<16xf32>
      %exp3A_521 = math.exp %sub3A_520 : vector<16xf32>
      %sub3A_522 = arith.subf %select_n3A_470, %max3A_497 : vector<16xf32>
      %exp3A_523 = math.exp %sub3A_522 : vector<16xf32>
      %sub3A_524 = arith.subf %select_n3A_476, %max3A_497 : vector<16xf32>
      %exp3A_525 = math.exp %sub3A_524 : vector<16xf32>
      %sub3A_526 = arith.subf %select_n3A_482, %max3A_497 : vector<16xf32>
      %exp3A_527 = math.exp %sub3A_526 : vector<16xf32>
      %add3A_528 = arith.addf %exp3A, %exp3A_499 : vector<16xf32>
      %add3A_529 = arith.addf %add3A_528, %exp3A_501 : vector<16xf32>
      %add3A_530 = arith.addf %add3A_529, %exp3A_503 : vector<16xf32>
      %add3A_531 = arith.addf %add3A_530, %exp3A_505 : vector<16xf32>
      %add3A_532 = arith.addf %add3A_531, %exp3A_507 : vector<16xf32>
      %add3A_533 = arith.addf %add3A_532, %exp3A_509 : vector<16xf32>
      %add3A_534 = arith.addf %add3A_533, %exp3A_511 : vector<16xf32>
      %add3A_535 = arith.addf %add3A_534, %exp3A_513 : vector<16xf32>
      %add3A_536 = arith.addf %add3A_535, %exp3A_515 : vector<16xf32>
      %add3A_537 = arith.addf %add3A_536, %exp3A_517 : vector<16xf32>
      %add3A_538 = arith.addf %add3A_537, %exp3A_519 : vector<16xf32>
      %add3A_539 = arith.addf %add3A_538, %exp3A_521 : vector<16xf32>
      %add3A_540 = arith.addf %add3A_539, %exp3A_523 : vector<16xf32>
      %add3A_541 = arith.addf %add3A_540, %exp3A_525 : vector<16xf32>
      %add3A_542 = arith.addf %add3A_541, %exp3A_527 : vector<16xf32>
      %div3A = arith.constant 1.000000e+00 : f32
      %div3A_543 = vector.broadcast %div3A : f32 to vector<16xf32>
      %div3A_544 = arith.divf %div3A_543, %add3A_542 : vector<16xf32>
      %add3A_545 = arith.addi %mul3A_18, %broadcast_in_dim3A_20 : vector<16xi32>
      %mul3A_546 = arith.mulf %exp3A, %div3A_544 : vector<16xf32>
      tpu.vector_store_idx %arg6[%add3A_545], %mul3A_546 : memref<4096xf32, #tpu.memory_space<vmem>>[vector<16xi32>], vector<16xf32>,
      %add3A_547 = arith.addi %mul3A_18, %broadcast_in_dim3A_20 : vector<16xi32>
      %jit3A_548 = arith.constant 1.000000e+00 : f32
      %jit3A_549 = arith.constant 0.000000e+00 : f32
      %broadcast_in_dim3A_550 = vector.broadcast %jit3A_548 : f32 to vector<16xf32>
      %broadcast_in_dim3A_551 = vector.broadcast %jit3A_549 : f32 to vector<16xf32>
      %select_n3A_552 = arith.select %select_n3A_391, %broadcast_in_dim3A_550, %broadcast_in_dim3A_551 : vector<16xi1>, vector<16xf32>
      tpu.vector_store_idx %arg7[%add3A_547], %select_n3A_552 : memref<4096xf32, #tpu.memory_space<vmem>>[vector<16xi32>], vector<16xf32>,
      %add3A_553 = arith.addi %mul3A_18, %broadcast_in_dim3A_22 : vector<16xi32>
      %mul3A_554 = arith.mulf %exp3A_499, %div3A_544 : vector<16xf32>
      tpu.vector_store_idx %arg6[%add3A_553], %mul3A_554 : memref<4096xf32, #tpu.memory_space<vmem>>[vector<16xi32>], vector<16xf32>,
      %add3A_555 = arith.addi %mul3A_18, %broadcast_in_dim3A_22 : vector<16xi32>
      %jit3A_556 = arith.constant 1.000000e+00 : f32
      %jit3A_557 = arith.constant 0.000000e+00 : f32
      %broadcast_in_dim3A_558 = vector.broadcast %jit3A_556 : f32 to vector<16xf32>
      %broadcast_in_dim3A_559 = vector.broadcast %jit3A_557 : f32 to vector<16xf32>
      %select_n3A_560 = arith.select %select_n3A_396, %broadcast_in_dim3A_558, %broadcast_in_dim3A_559 : vector<16xi1>, vector<16xf32>
      tpu.vector_store_idx %arg7[%add3A_555], %select_n3A_560 : memref<4096xf32, #tpu.memory_space<vmem>>[vector<16xi32>], vector<16xf32>,
      %add3A_561 = arith.addi %mul3A_18, %broadcast_in_dim3A_24 : vector<16xi32>
      %mul3A_562 = arith.mulf %exp3A_501, %div3A_544 : vector<16xf32>
      tpu.vector_store_idx %arg6[%add3A_561], %mul3A_562 : memref<4096xf32, #tpu.memory_space<vmem>>[vector<16xi32>], vector<16xf32>,
      %add3A_563 = arith.addi %mul3A_18, %broadcast_in_dim3A_24 : vector<16xi32>
      %jit3A_564 = arith.constant 1.000000e+00 : f32
      %jit3A_565 = arith.constant 0.000000e+00 : f32
      %broadcast_in_dim3A_566 = vector.broadcast %jit3A_564 : f32 to vector<16xf32>
      %broadcast_in_dim3A_567 = vector.broadcast %jit3A_565 : f32 to vector<16xf32>
      %select_n3A_568 = arith.select %select_n3A_402, %broadcast_in_dim3A_566, %broadcast_in_dim3A_567 : vector<16xi1>, vector<16xf32>
      tpu.vector_store_idx %arg7[%add3A_563], %select_n3A_568 : memref<4096xf32, #tpu.memory_space<vmem>>[vector<16xi32>], vector<16xf32>,
      %add3A_569 = arith.addi %mul3A_18, %broadcast_in_dim3A_26 : vector<16xi32>
      %mul3A_570 = arith.mulf %exp3A_503, %div3A_544 : vector<16xf32>
      tpu.vector_store_idx %arg6[%add3A_569], %mul3A_570 : memref<4096xf32, #tpu.memory_space<vmem>>[vector<16xi32>], vector<16xf32>,
      %add3A_571 = arith.addi %mul3A_18, %broadcast_in_dim3A_26 : vector<16xi32>
      %jit3A_572 = arith.constant 1.000000e+00 : f32
      %jit3A_573 = arith.constant 0.000000e+00 : f32
      %broadcast_in_dim3A_574 = vector.broadcast %jit3A_572 : f32 to vector<16xf32>
      %broadcast_in_dim3A_575 = vector.broadcast %jit3A_573 : f32 to vector<16xf32>
      %select_n3A_576 = arith.select %select_n3A_408, %broadcast_in_dim3A_574, %broadcast_in_dim3A_575 : vector<16xi1>, vector<16xf32>
      tpu.vector_store_idx %arg7[%add3A_571], %select_n3A_576 : memref<4096xf32, #tpu.memory_space<vmem>>[vector<16xi32>], vector<16xf32>,
      %add3A_577 = arith.addi %mul3A_18, %broadcast_in_dim3A_28 : vector<16xi32>
      %mul3A_578 = arith.mulf %exp3A_505, %div3A_544 : vector<16xf32>
      tpu.vector_store_idx %arg6[%add3A_577], %mul3A_578 : memref<4096xf32, #tpu.memory_space<vmem>>[vector<16xi32>], vector<16xf32>,
      %add3A_579 = arith.addi %mul3A_18, %broadcast_in_dim3A_28 : vector<16xi32>
      %jit3A_580 = arith.constant 1.000000e+00 : f32
      %jit3A_581 = arith.constant 0.000000e+00 : f32
      %broadcast_in_dim3A_582 = vector.broadcast %jit3A_580 : f32 to vector<16xf32>
      %broadcast_in_dim3A_583 = vector.broadcast %jit3A_581 : f32 to vector<16xf32>
      %select_n3A_584 = arith.select %select_n3A_414, %broadcast_in_dim3A_582, %broadcast_in_dim3A_583 : vector<16xi1>, vector<16xf32>
      tpu.vector_store_idx %arg7[%add3A_579], %select_n3A_584 : memref<4096xf32, #tpu.memory_space<vmem>>[vector<16xi32>], vector<16xf32>,
      %add3A_585 = arith.addi %mul3A_18, %broadcast_in_dim3A_30 : vector<16xi32>
      %mul3A_586 = arith.mulf %exp3A_507, %div3A_544 : vector<16xf32>
      tpu.vector_store_idx %arg6[%add3A_585], %mul3A_586 : memref<4096xf32, #tpu.memory_space<vmem>>[vector<16xi32>], vector<16xf32>,
      %add3A_587 = arith.addi %mul3A_18, %broadcast_in_dim3A_30 : vector<16xi32>
      %jit3A_588 = arith.constant 1.000000e+00 : f32
      %jit3A_589 = arith.constant 0.000000e+00 : f32
      %broadcast_in_dim3A_590 = vector.broadcast %jit3A_588 : f32 to vector<16xf32>
      %broadcast_in_dim3A_591 = vector.broadcast %jit3A_589 : f32 to vector<16xf32>
      %select_n3A_592 = arith.select %select_n3A_420, %broadcast_in_dim3A_590, %broadcast_in_dim3A_591 : vector<16xi1>, vector<16xf32>
      tpu.vector_store_idx %arg7[%add3A_587], %select_n3A_592 : memref<4096xf32, #tpu.memory_space<vmem>>[vector<16xi32>], vector<16xf32>,
      %add3A_593 = arith.addi %mul3A_18, %broadcast_in_dim3A_32 : vector<16xi32>
      %mul3A_594 = arith.mulf %exp3A_509, %div3A_544 : vector<16xf32>
      tpu.vector_store_idx %arg6[%add3A_593], %mul3A_594 : memref<4096xf32, #tpu.memory_space<vmem>>[vector<16xi32>], vector<16xf32>,
      %add3A_595 = arith.addi %mul3A_18, %broadcast_in_dim3A_32 : vector<16xi32>
      %jit3A_596 = arith.constant 1.000000e+00 : f32
      %jit3A_597 = arith.constant 0.000000e+00 : f32
      %broadcast_in_dim3A_598 = vector.broadcast %jit3A_596 : f32 to vector<16xf32>
      %broadcast_in_dim3A_599 = vector.broadcast %jit3A_597 : f32 to vector<16xf32>
      %select_n3A_600 = arith.select %select_n3A_426, %broadcast_in_dim3A_598, %broadcast_in_dim3A_599 : vector<16xi1>, vector<16xf32>
      tpu.vector_store_idx %arg7[%add3A_595], %select_n3A_600 : memref<4096xf32, #tpu.memory_space<vmem>>[vector<16xi32>], vector<16xf32>,
      %add3A_601 = arith.addi %mul3A_18, %broadcast_in_dim3A_34 : vector<16xi32>
      %mul3A_602 = arith.mulf %exp3A_511, %div3A_544 : vector<16xf32>
      tpu.vector_store_idx %arg6[%add3A_601], %mul3A_602 : memref<4096xf32, #tpu.memory_space<vmem>>[vector<16xi32>], vector<16xf32>,
      %add3A_603 = arith.addi %mul3A_18, %broadcast_in_dim3A_34 : vector<16xi32>
      %jit3A_604 = arith.constant 1.000000e+00 : f32
      %jit3A_605 = arith.constant 0.000000e+00 : f32
      %broadcast_in_dim3A_606 = vector.broadcast %jit3A_604 : f32 to vector<16xf32>
      %broadcast_in_dim3A_607 = vector.broadcast %jit3A_605 : f32 to vector<16xf32>
      %select_n3A_608 = arith.select %select_n3A_432, %broadcast_in_dim3A_606, %broadcast_in_dim3A_607 : vector<16xi1>, vector<16xf32>
      tpu.vector_store_idx %arg7[%add3A_603], %select_n3A_608 : memref<4096xf32, #tpu.memory_space<vmem>>[vector<16xi32>], vector<16xf32>,
      %add3A_609 = arith.addi %mul3A_18, %broadcast_in_dim3A_36 : vector<16xi32>
      %mul3A_610 = arith.mulf %exp3A_513, %div3A_544 : vector<16xf32>
      tpu.vector_store_idx %arg6[%add3A_609], %mul3A_610 : memref<4096xf32, #tpu.memory_space<vmem>>[vector<16xi32>], vector<16xf32>,
      %add3A_611 = arith.addi %mul3A_18, %broadcast_in_dim3A_36 : vector<16xi32>
      %jit3A_612 = arith.constant 1.000000e+00 : f32
      %jit3A_613 = arith.constant 0.000000e+00 : f32
      %broadcast_in_dim3A_614 = vector.broadcast %jit3A_612 : f32 to vector<16xf32>
      %broadcast_in_dim3A_615 = vector.broadcast %jit3A_613 : f32 to vector<16xf32>
      %select_n3A_616 = arith.select %select_n3A_438, %broadcast_in_dim3A_614, %broadcast_in_dim3A_615 : vector<16xi1>, vector<16xf32>
      tpu.vector_store_idx %arg7[%add3A_611], %select_n3A_616 : memref<4096xf32, #tpu.memory_space<vmem>>[vector<16xi32>], vector<16xf32>,
      %add3A_617 = arith.addi %mul3A_18, %broadcast_in_dim3A_38 : vector<16xi32>
      %mul3A_618 = arith.mulf %exp3A_515, %div3A_544 : vector<16xf32>
      tpu.vector_store_idx %arg6[%add3A_617], %mul3A_618 : memref<4096xf32, #tpu.memory_space<vmem>>[vector<16xi32>], vector<16xf32>,
      %add3A_619 = arith.addi %mul3A_18, %broadcast_in_dim3A_38 : vector<16xi32>
      %jit3A_620 = arith.constant 1.000000e+00 : f32
      %jit3A_621 = arith.constant 0.000000e+00 : f32
      %broadcast_in_dim3A_622 = vector.broadcast %jit3A_620 : f32 to vector<16xf32>
      %broadcast_in_dim3A_623 = vector.broadcast %jit3A_621 : f32 to vector<16xf32>
      %select_n3A_624 = arith.select %select_n3A_444, %broadcast_in_dim3A_622, %broadcast_in_dim3A_623 : vector<16xi1>, vector<16xf32>
      tpu.vector_store_idx %arg7[%add3A_619], %select_n3A_624 : memref<4096xf32, #tpu.memory_space<vmem>>[vector<16xi32>], vector<16xf32>,
      %add3A_625 = arith.addi %mul3A_18, %broadcast_in_dim3A_40 : vector<16xi32>
      %mul3A_626 = arith.mulf %exp3A_517, %div3A_544 : vector<16xf32>
      tpu.vector_store_idx %arg6[%add3A_625], %mul3A_626 : memref<4096xf32, #tpu.memory_space<vmem>>[vector<16xi32>], vector<16xf32>,
      %add3A_627 = arith.addi %mul3A_18, %broadcast_in_dim3A_40 : vector<16xi32>
      %jit3A_628 = arith.constant 1.000000e+00 : f32
      %jit3A_629 = arith.constant 0.000000e+00 : f32
      %broadcast_in_dim3A_630 = vector.broadcast %jit3A_628 : f32 to vector<16xf32>
      %broadcast_in_dim3A_631 = vector.broadcast %jit3A_629 : f32 to vector<16xf32>
      %select_n3A_632 = arith.select %select_n3A_450, %broadcast_in_dim3A_630, %broadcast_in_dim3A_631 : vector<16xi1>, vector<16xf32>
      tpu.vector_store_idx %arg7[%add3A_627], %select_n3A_632 : memref<4096xf32, #tpu.memory_space<vmem>>[vector<16xi32>], vector<16xf32>,
      %add3A_633 = arith.addi %mul3A_18, %broadcast_in_dim3A_42 : vector<16xi32>
      %mul3A_634 = arith.mulf %exp3A_519, %div3A_544 : vector<16xf32>
      tpu.vector_store_idx %arg6[%add3A_633], %mul3A_634 : memref<4096xf32, #tpu.memory_space<vmem>>[vector<16xi32>], vector<16xf32>,
      %add3A_635 = arith.addi %mul3A_18, %broadcast_in_dim3A_42 : vector<16xi32>
      %jit3A_636 = arith.constant 1.000000e+00 : f32
      %jit3A_637 = arith.constant 0.000000e+00 : f32
      %broadcast_in_dim3A_638 = vector.broadcast %jit3A_636 : f32 to vector<16xf32>
      %broadcast_in_dim3A_639 = vector.broadcast %jit3A_637 : f32 to vector<16xf32>
      %select_n3A_640 = arith.select %select_n3A_456, %broadcast_in_dim3A_638, %broadcast_in_dim3A_639 : vector<16xi1>, vector<16xf32>
      tpu.vector_store_idx %arg7[%add3A_635], %select_n3A_640 : memref<4096xf32, #tpu.memory_space<vmem>>[vector<16xi32>], vector<16xf32>,
      %add3A_641 = arith.addi %mul3A_18, %broadcast_in_dim3A_44 : vector<16xi32>
      %mul3A_642 = arith.mulf %exp3A_521, %div3A_544 : vector<16xf32>
      tpu.vector_store_idx %arg6[%add3A_641], %mul3A_642 : memref<4096xf32, #tpu.memory_space<vmem>>[vector<16xi32>], vector<16xf32>,
      %add3A_643 = arith.addi %mul3A_18, %broadcast_in_dim3A_44 : vector<16xi32>
      %jit3A_644 = arith.constant 1.000000e+00 : f32
      %jit3A_645 = arith.constant 0.000000e+00 : f32
      %broadcast_in_dim3A_646 = vector.broadcast %jit3A_644 : f32 to vector<16xf32>
      %broadcast_in_dim3A_647 = vector.broadcast %jit3A_645 : f32 to vector<16xf32>
      %select_n3A_648 = arith.select %select_n3A_462, %broadcast_in_dim3A_646, %broadcast_in_dim3A_647 : vector<16xi1>, vector<16xf32>
      tpu.vector_store_idx %arg7[%add3A_643], %select_n3A_648 : memref<4096xf32, #tpu.memory_space<vmem>>[vector<16xi32>], vector<16xf32>,
      %add3A_649 = arith.addi %mul3A_18, %broadcast_in_dim3A_46 : vector<16xi32>
      %mul3A_650 = arith.mulf %exp3A_523, %div3A_544 : vector<16xf32>
      tpu.vector_store_idx %arg6[%add3A_649], %mul3A_650 : memref<4096xf32, #tpu.memory_space<vmem>>[vector<16xi32>], vector<16xf32>,
      %add3A_651 = arith.addi %mul3A_18, %broadcast_in_dim3A_46 : vector<16xi32>
      %jit3A_652 = arith.constant 1.000000e+00 : f32
      %jit3A_653 = arith.constant 0.000000e+00 : f32
      %broadcast_in_dim3A_654 = vector.broadcast %jit3A_652 : f32 to vector<16xf32>
      %broadcast_in_dim3A_655 = vector.broadcast %jit3A_653 : f32 to vector<16xf32>
      %select_n3A_656 = arith.select %select_n3A_468, %broadcast_in_dim3A_654, %broadcast_in_dim3A_655 : vector<16xi1>, vector<16xf32>
      tpu.vector_store_idx %arg7[%add3A_651], %select_n3A_656 : memref<4096xf32, #tpu.memory_space<vmem>>[vector<16xi32>], vector<16xf32>,
      %add3A_657 = arith.addi %mul3A_18, %broadcast_in_dim3A_48 : vector<16xi32>
      %mul3A_658 = arith.mulf %exp3A_525, %div3A_544 : vector<16xf32>
      tpu.vector_store_idx %arg6[%add3A_657], %mul3A_658 : memref<4096xf32, #tpu.memory_space<vmem>>[vector<16xi32>], vector<16xf32>,
      %add3A_659 = arith.addi %mul3A_18, %broadcast_in_dim3A_48 : vector<16xi32>
      %jit3A_660 = arith.constant 1.000000e+00 : f32
      %jit3A_661 = arith.constant 0.000000e+00 : f32
      %broadcast_in_dim3A_662 = vector.broadcast %jit3A_660 : f32 to vector<16xf32>
      %broadcast_in_dim3A_663 = vector.broadcast %jit3A_661 : f32 to vector<16xf32>
      %select_n3A_664 = arith.select %select_n3A_474, %broadcast_in_dim3A_662, %broadcast_in_dim3A_663 : vector<16xi1>, vector<16xf32>
      tpu.vector_store_idx %arg7[%add3A_659], %select_n3A_664 : memref<4096xf32, #tpu.memory_space<vmem>>[vector<16xi32>], vector<16xf32>,
      %add3A_665 = arith.addi %mul3A_18, %broadcast_in_dim3A_50 : vector<16xi32>
      %mul3A_666 = arith.mulf %exp3A_527, %div3A_544 : vector<16xf32>
      tpu.vector_store_idx %arg6[%add3A_665], %mul3A_666 : memref<4096xf32, #tpu.memory_space<vmem>>[vector<16xi32>], vector<16xf32>,
      %add3A_667 = arith.addi %mul3A_18, %broadcast_in_dim3A_50 : vector<16xi32>
      %jit3A_668 = arith.constant 1.000000e+00 : f32
      %jit3A_669 = arith.constant 0.000000e+00 : f32
      %broadcast_in_dim3A_670 = vector.broadcast %jit3A_668 : f32 to vector<16xf32>
      %broadcast_in_dim3A_671 = vector.broadcast %jit3A_669 : f32 to vector<16xf32>
      %select_n3A_672 = arith.select %select_n3A_480, %broadcast_in_dim3A_670, %broadcast_in_dim3A_671 : vector<16xi1>, vector<16xf32>
      tpu.vector_store_idx %arg7[%add3A_667], %select_n3A_672 : memref<4096xf32, #tpu.memory_space<vmem>>[vector<16xi32>], vector<16xf32>,
    }
    %scan3A_10 = arith.constant 16 : i32
    "tpu.region"() ({
      %run_scoped3A = tpu.sem_alloc : memref<!tpu.dma_semaphore, #tpu.memory_space<semaphore_mem>>
      %dma_start3A = tpu.memref_slice %arg3[%mul3A_2] : memref<131072xf32, #tpu.memory_space<hbm>> -> memref<4096xf32, #tpu.memory_space<hbm>>
      %dma_start3A_11 = tpu.memref_slice %arg3[%mul3A_2] : memref<131072xf32, #tpu.memory_space<hbm>> -> memref<4096xf32, #tpu.memory_space<hbm>>
      tpu.enqueue_dma source(%arg6 : memref<4096xf32, #tpu.memory_space<vmem>>) target(%dma_start3A_11 : memref<4096xf32, #tpu.memory_space<hbm>>) target_semaphore(%run_scoped3A : memref<!tpu.dma_semaphore, #tpu.memory_space<semaphore_mem>>)
      %dma_wait3A = tpu.memref_slice %arg3[%mul3A_2] : memref<131072xf32, #tpu.memory_space<hbm>> -> memref<4096xf32, #tpu.memory_space<hbm>>
      %dma_wait3A_12 = tpu.memref_slice %arg3[%mul3A_2] : memref<131072xf32, #tpu.memory_space<hbm>> -> memref<4096xf32, #tpu.memory_space<hbm>>
      tpu.wait_dma2 semaphore(%run_scoped3A : memref<!tpu.dma_semaphore, #tpu.memory_space<semaphore_mem>>) src(%arg6 : memref<4096xf32, #tpu.memory_space<vmem>>) dst(%dma_wait3A_12 : memref<4096xf32, #tpu.memory_space<hbm>>)
      tpu.yield
    }) : () -> ()
    "tpu.region"() ({
      %run_scoped3A = tpu.sem_alloc : memref<!tpu.dma_semaphore, #tpu.memory_space<semaphore_mem>>
      %dma_start3A = tpu.memref_slice %arg4[%mul3A_2] : memref<131072xf32, #tpu.memory_space<hbm>> -> memref<4096xf32, #tpu.memory_space<hbm>>
      %dma_start3A_11 = tpu.memref_slice %arg4[%mul3A_2] : memref<131072xf32, #tpu.memory_space<hbm>> -> memref<4096xf32, #tpu.memory_space<hbm>>
      tpu.enqueue_dma source(%arg7 : memref<4096xf32, #tpu.memory_space<vmem>>) target(%dma_start3A_11 : memref<4096xf32, #tpu.memory_space<hbm>>) target_semaphore(%run_scoped3A : memref<!tpu.dma_semaphore, #tpu.memory_space<semaphore_mem>>)
      %dma_wait3A = tpu.memref_slice %arg4[%mul3A_2] : memref<131072xf32, #tpu.memory_space<hbm>> -> memref<4096xf32, #tpu.memory_space<hbm>>
      %dma_wait3A_12 = tpu.memref_slice %arg4[%mul3A_2] : memref<131072xf32, #tpu.memory_space<hbm>> -> memref<4096xf32, #tpu.memory_space<hbm>>
      tpu.wait_dma2 semaphore(%run_scoped3A : memref<!tpu.dma_semaphore, #tpu.memory_space<semaphore_mem>>) src(%arg7 : memref<4096xf32, #tpu.memory_space<vmem>>) dst(%dma_wait3A_12 : memref<4096xf32, #tpu.memory_space<hbm>>)
      tpu.yield
    }) : () -> ()
    return
  }
}

#map = affine_map<(d0, d1) -> (0)>
module attributes {stable_mosaic.version = 14 : i64} {
  func.func @routing(%arg0: i32, %arg1: i32, %arg2: memref<131072xf32, #tpu.memory_space<hbm>>, %arg3: memref<131072xf32, #tpu.memory_space<hbm>>, %arg4: memref<131072xf32, #tpu.memory_space<hbm>>, %arg5: memref<4096xf32, #tpu.memory_space<vmem>>, %arg6: memref<4096xf32, #tpu.memory_space<vmem>>, %arg7: memref<4096xf32, #tpu.memory_space<vmem>>) attributes {dimension_semantics = [#tpu.dimension_semantics<core_parallel>, #tpu.dimension_semantics<subcore_parallel>], iteration_bounds = array<i64: 2, 16>, scalar_prefetch = 0 : i64, scratch_operands = 3 : i64, tpu.core_type = #tpu.core_type<sc_vector_subcore>, window_params = [{transform_indices = #map}, {transform_indices = #map}, {transform_indices = #map}]} {
    %mul3A = arith.constant 2 : i32
    %mul3A_0 = arith.muli %arg1, %mul3A : i32
    %add3A = arith.addi %mul3A_0, %arg0 : i32
    %mul3A_1 = arith.constant 4096 : i32
    %mul3A_2 = arith.muli %add3A, %mul3A_1 : i32
    "tpu.region"() ({
      %run_scoped3A = tpu.sem_alloc : memref<!tpu.dma_semaphore, #tpu.memory_space<semaphore_mem>>
      %dma_start3A = tpu.memref_slice %arg2[%mul3A_2] : memref<131072xf32, #tpu.memory_space<hbm>> -> memref<4096xf32, #tpu.memory_space<hbm>>
      %dma_start3A_11 = tpu.memref_slice %arg2[%mul3A_2] : memref<131072xf32, #tpu.memory_space<hbm>> -> memref<4096xf32, #tpu.memory_space<hbm>>
      tpu.enqueue_dma source(%dma_start3A_11 : memref<4096xf32, #tpu.memory_space<hbm>>) target(%arg5 : memref<4096xf32, #tpu.memory_space<vmem>>) target_semaphore(%run_scoped3A : memref<!tpu.dma_semaphore, #tpu.memory_space<semaphore_mem>>)
      %dma_wait3A = tpu.memref_slice %arg2[%mul3A_2] : memref<131072xf32, #tpu.memory_space<hbm>> -> memref<4096xf32, #tpu.memory_space<hbm>>
      %dma_wait3A_12 = tpu.memref_slice %arg2[%mul3A_2] : memref<131072xf32, #tpu.memory_space<hbm>> -> memref<4096xf32, #tpu.memory_space<hbm>>
      tpu.wait_dma2 semaphore(%run_scoped3A : memref<!tpu.dma_semaphore, #tpu.memory_space<semaphore_mem>>) src(%dma_wait3A_12 : memref<4096xf32, #tpu.memory_space<hbm>>) dst(%arg5 : memref<4096xf32, #tpu.memory_space<vmem>>)
      tpu.yield
    }) : () -> ()
    %iota3A = tpu.iota {dimensions = array<i32: 0>} : vector<16xi32>
    %broadcast_in_dim3A = arith.constant 0xFF800000 : f32
    %broadcast_in_dim3A_3 = vector.broadcast %broadcast_in_dim3A : f32 to vector<16xf32>
    %broadcast_in_dim3A_4 = arith.constant 0.000000e+00 : f32
    %broadcast_in_dim3A_5 = vector.broadcast %broadcast_in_dim3A_4 : f32 to vector<16xf32>
    %scan3A = arith.constant 0 : i32
    %scan3A_6 = arith.constant 0 : i32
    %scan3A_7 = arith.constant 16 : i32
    %scan3A_8 = arith.addi %scan3A_6, %scan3A_7 : i32
    %scan3A_9 = arith.constant 1 : i32
    scf.for %scan3A_11 = %scan3A_6 to %scan3A_8 step %scan3A_9  : i32 {
      %mul3A_12 = arith.constant 16 : i32
      %mul3A_13 = arith.muli %scan3A_11, %mul3A_12 : i32
      %add3A_14 = vector.broadcast %mul3A_13 : i32 to vector<16xi32>
      %add3A_15 = arith.addi %add3A_14, %iota3A : vector<16xi32>
      %mul3A_16 = arith.constant 16 : i32
      %mul3A_17 = vector.broadcast %mul3A_16 : i32 to vector<16xi32>
      %mul3A_18 = arith.muli %add3A_15, %mul3A_17 : vector<16xi32>
      %broadcast_in_dim3A_19 = arith.constant 0 : i32
      %broadcast_in_dim3A_20 = vector.broadcast %broadcast_in_dim3A_19 : i32 to vector<16xi32>
      %broadcast_in_dim3A_21 = arith.constant 1 : i32
      %broadcast_in_dim3A_22 = vector.broadcast %broadcast_in_dim3A_21 : i32 to vector<16xi32>
      %broadcast_in_dim3A_23 = arith.constant 2 : i32
      %broadcast_in_dim3A_24 = vector.broadcast %broadcast_in_dim3A_23 : i32 to vector<16xi32>
      %broadcast_in_dim3A_25 = arith.constant 3 : i32
      %broadcast_in_dim3A_26 = vector.broadcast %broadcast_in_dim3A_25 : i32 to vector<16xi32>
      %broadcast_in_dim3A_27 = arith.constant 4 : i32
      %broadcast_in_dim3A_28 = vector.broadcast %broadcast_in_dim3A_27 : i32 to vector<16xi32>
      %broadcast_in_dim3A_29 = arith.constant 5 : i32
      %broadcast_in_dim3A_30 = vector.broadcast %broadcast_in_dim3A_29 : i32 to vector<16xi32>
      %broadcast_in_dim3A_31 = arith.constant 6 : i32
      %broadcast_in_dim3A_32 = vector.broadcast %broadcast_in_dim3A_31 : i32 to vector<16xi32>
      %broadcast_in_dim3A_33 = arith.constant 7 : i32
      %broadcast_in_dim3A_34 = vector.broadcast %broadcast_in_dim3A_33 : i32 to vector<16xi32>
      %broadcast_in_dim3A_35 = arith.constant 8 : i32
      %broadcast_in_dim3A_36 = vector.broadcast %broadcast_in_dim3A_35 : i32 to vector<16xi32>
      %broadcast_in_dim3A_37 = arith.constant 9 : i32
      %broadcast_in_dim3A_38 = vector.broadcast %broadcast_in_dim3A_37 : i32 to vector<16xi32>
      %broadcast_in_dim3A_39 = arith.constant 10 : i32
      %broadcast_in_dim3A_40 = vector.broadcast %broadcast_in_dim3A_39 : i32 to vector<16xi32>
      %broadcast_in_dim3A_41 = arith.constant 11 : i32
      %broadcast_in_dim3A_42 = vector.broadcast %broadcast_in_dim3A_41 : i32 to vector<16xi32>
      %broadcast_in_dim3A_43 = arith.constant 12 : i32
      %broadcast_in_dim3A_44 = vector.broadcast %broadcast_in_dim3A_43 : i32 to vector<16xi32>
      %broadcast_in_dim3A_45 = arith.constant 13 : i32
      %broadcast_in_dim3A_46 = vector.broadcast %broadcast_in_dim3A_45 : i32 to vector<16xi32>
      %broadcast_in_dim3A_47 = arith.constant 14 : i32
      %broadcast_in_dim3A_48 = vector.broadcast %broadcast_in_dim3A_47 : i32 to vector<16xi32>
      %broadcast_in_dim3A_49 = arith.constant 15 : i32
      %broadcast_in_dim3A_50 = vector.broadcast %broadcast_in_dim3A_49 : i32 to vector<16xi32>
      %add3A_51 = arith.addi %mul3A_18, %broadcast_in_dim3A_20 : vector<16xi32>
      %gather3A = tpu.vector_load_idx %arg5[%add3A_51] : memref<4096xf32, #tpu.memory_space<vmem>>[vector<16xi32>], vector<16xf32>,
      %add3A_52 = arith.addi %mul3A_18, %broadcast_in_dim3A_22 : vector<16xi32>
      %gather3A_53 = tpu.vector_load_idx %arg5[%add3A_52] : memref<4096xf32, #tpu.memory_space<vmem>>[vector<16xi32>], vector<16xf32>,
      %add3A_54 = arith.addi %mul3A_18, %broadcast_in_dim3A_24 : vector<16xi32>
      %gather3A_55 = tpu.vector_load_idx %arg5[%add3A_54] : memref<4096xf32, #tpu.memory_space<vmem>>[vector<16xi32>], vector<16xf32>,
      %add3A_56 = arith.addi %mul3A_18, %broadcast_in_dim3A_26 : vector<16xi32>
      %gather3A_57 = tpu.vector_load_idx %arg5[%add3A_56] : memref<4096xf32, #tpu.memory_space<vmem>>[vector<16xi32>], vector<16xf32>,
      %add3A_58 = arith.addi %mul3A_18, %broadcast_in_dim3A_28 : vector<16xi32>
      %gather3A_59 = tpu.vector_load_idx %arg5[%add3A_58] : memref<4096xf32, #tpu.memory_space<vmem>>[vector<16xi32>], vector<16xf32>,
      %add3A_60 = arith.addi %mul3A_18, %broadcast_in_dim3A_30 : vector<16xi32>
      %gather3A_61 = tpu.vector_load_idx %arg5[%add3A_60] : memref<4096xf32, #tpu.memory_space<vmem>>[vector<16xi32>], vector<16xf32>,
      %add3A_62 = arith.addi %mul3A_18, %broadcast_in_dim3A_32 : vector<16xi32>
      %gather3A_63 = tpu.vector_load_idx %arg5[%add3A_62] : memref<4096xf32, #tpu.memory_space<vmem>>[vector<16xi32>], vector<16xf32>,
      %add3A_64 = arith.addi %mul3A_18, %broadcast_in_dim3A_34 : vector<16xi32>
      %gather3A_65 = tpu.vector_load_idx %arg5[%add3A_64] : memref<4096xf32, #tpu.memory_space<vmem>>[vector<16xi32>], vector<16xf32>,
      %add3A_66 = arith.addi %mul3A_18, %broadcast_in_dim3A_36 : vector<16xi32>
      %gather3A_67 = tpu.vector_load_idx %arg5[%add3A_66] : memref<4096xf32, #tpu.memory_space<vmem>>[vector<16xi32>], vector<16xf32>,
      %add3A_68 = arith.addi %mul3A_18, %broadcast_in_dim3A_38 : vector<16xi32>
      %gather3A_69 = tpu.vector_load_idx %arg5[%add3A_68] : memref<4096xf32, #tpu.memory_space<vmem>>[vector<16xi32>], vector<16xf32>,
      %add3A_70 = arith.addi %mul3A_18, %broadcast_in_dim3A_40 : vector<16xi32>
      %gather3A_71 = tpu.vector_load_idx %arg5[%add3A_70] : memref<4096xf32, #tpu.memory_space<vmem>>[vector<16xi32>], vector<16xf32>,
      %add3A_72 = arith.addi %mul3A_18, %broadcast_in_dim3A_42 : vector<16xi32>
      %gather3A_73 = tpu.vector_load_idx %arg5[%add3A_72] : memref<4096xf32, #tpu.memory_space<vmem>>[vector<16xi32>], vector<16xf32>,
      %add3A_74 = arith.addi %mul3A_18, %broadcast_in_dim3A_44 : vector<16xi32>
      %gather3A_75 = tpu.vector_load_idx %arg5[%add3A_74] : memref<4096xf32, #tpu.memory_space<vmem>>[vector<16xi32>], vector<16xf32>,
      %add3A_76 = arith.addi %mul3A_18, %broadcast_in_dim3A_46 : vector<16xi32>
      %gather3A_77 = tpu.vector_load_idx %arg5[%add3A_76] : memref<4096xf32, #tpu.memory_space<vmem>>[vector<16xi32>], vector<16xf32>,
      %add3A_78 = arith.addi %mul3A_18, %broadcast_in_dim3A_48 : vector<16xi32>
      %gather3A_79 = tpu.vector_load_idx %arg5[%add3A_78] : memref<4096xf32, #tpu.memory_space<vmem>>[vector<16xi32>], vector<16xf32>,
      %add3A_80 = arith.addi %mul3A_18, %broadcast_in_dim3A_50 : vector<16xi32>
      %gather3A_81 = tpu.vector_load_idx %arg5[%add3A_80] : memref<4096xf32, #tpu.memory_space<vmem>>[vector<16xi32>], vector<16xf32>,
      %gt3A = arith.cmpf ogt, %gather3A, %broadcast_in_dim3A_5 : vector<16xf32>
      %gt3A_82 = arith.cmpf ogt, %gather3A_53, %broadcast_in_dim3A_5 : vector<16xf32>
      %gt3A_83 = arith.cmpf ogt, %gather3A_55, %broadcast_in_dim3A_5 : vector<16xf32>
      %gt3A_84 = arith.cmpf ogt, %gather3A_57, %broadcast_in_dim3A_5 : vector<16xf32>
      %gt3A_85 = arith.cmpf ogt, %gather3A_59, %broadcast_in_dim3A_5 : vector<16xf32>
      %gt3A_86 = arith.cmpf ogt, %gather3A_61, %broadcast_in_dim3A_5 : vector<16xf32>
      %gt3A_87 = arith.cmpf ogt, %gather3A_63, %broadcast_in_dim3A_5 : vector<16xf32>
      %gt3A_88 = arith.cmpf ogt, %gather3A_65, %broadcast_in_dim3A_5 : vector<16xf32>
      %gt3A_89 = arith.cmpf ogt, %gather3A_67, %broadcast_in_dim3A_5 : vector<16xf32>
      %gt3A_90 = arith.cmpf ogt, %gather3A_69, %broadcast_in_dim3A_5 : vector<16xf32>
      %gt3A_91 = arith.cmpf ogt, %gather3A_71, %broadcast_in_dim3A_5 : vector<16xf32>
      %gt3A_92 = arith.cmpf ogt, %gather3A_73, %broadcast_in_dim3A_5 : vector<16xf32>
      %gt3A_93 = arith.cmpf ogt, %gather3A_75, %broadcast_in_dim3A_5 : vector<16xf32>
      %gt3A_94 = arith.cmpf ogt, %gather3A_77, %broadcast_in_dim3A_5 : vector<16xf32>
      %gt3A_95 = arith.cmpf ogt, %gather3A_79, %broadcast_in_dim3A_5 : vector<16xf32>
      %gt3A_96 = arith.cmpf ogt, %gather3A_81, %broadcast_in_dim3A_5 : vector<16xf32>
      %broadcast_in_dim3A_97 = arith.constant 0.000000e+00 : f32
      %broadcast_in_dim3A_98 = vector.broadcast %broadcast_in_dim3A_97 : f32 to vector<16xf32>
      %jit3A = arith.constant 1.000000e+00 : f32
      %jit3A_99 = arith.constant 0.000000e+00 : f32
      %broadcast_in_dim3A_100 = vector.broadcast %jit3A : f32 to vector<16xf32>
      %broadcast_in_dim3A_101 = vector.broadcast %jit3A_99 : f32 to vector<16xf32>
      %select_n3A = arith.select %gt3A, %broadcast_in_dim3A_100, %broadcast_in_dim3A_101 : vector<16xi1>, vector<16xf32>
      %add3A_102 = arith.addf %broadcast_in_dim3A_98, %select_n3A : vector<16xf32>
      %jit3A_103 = arith.constant 1.000000e+00 : f32
      %jit3A_104 = arith.constant 0.000000e+00 : f32
      %broadcast_in_dim3A_105 = vector.broadcast %jit3A_103 : f32 to vector<16xf32>
      %broadcast_in_dim3A_106 = vector.broadcast %jit3A_104 : f32 to vector<16xf32>
      %select_n3A_107 = arith.select %gt3A_82, %broadcast_in_dim3A_105, %broadcast_in_dim3A_106 : vector<16xi1>, vector<16xf32>
      %add3A_108 = arith.addf %add3A_102, %select_n3A_107 : vector<16xf32>
      %jit3A_109 = arith.constant 1.000000e+00 : f32
      %jit3A_110 = arith.constant 0.000000e+00 : f32
      %broadcast_in_dim3A_111 = vector.broadcast %jit3A_109 : f32 to vector<16xf32>
      %broadcast_in_dim3A_112 = vector.broadcast %jit3A_110 : f32 to vector<16xf32>
      %select_n3A_113 = arith.select %gt3A_83, %broadcast_in_dim3A_111, %broadcast_in_dim3A_112 : vector<16xi1>, vector<16xf32>
      %add3A_114 = arith.addf %add3A_108, %select_n3A_113 : vector<16xf32>
      %jit3A_115 = arith.constant 1.000000e+00 : f32
      %jit3A_116 = arith.constant 0.000000e+00 : f32
      %broadcast_in_dim3A_117 = vector.broadcast %jit3A_115 : f32 to vector<16xf32>
      %broadcast_in_dim3A_118 = vector.broadcast %jit3A_116 : f32 to vector<16xf32>
      %select_n3A_119 = arith.select %gt3A_84, %broadcast_in_dim3A_117, %broadcast_in_dim3A_118 : vector<16xi1>, vector<16xf32>
      %add3A_120 = arith.addf %add3A_114, %select_n3A_119 : vector<16xf32>
      %jit3A_121 = arith.constant 1.000000e+00 : f32
      %jit3A_122 = arith.constant 0.000000e+00 : f32
      %broadcast_in_dim3A_123 = vector.broadcast %jit3A_121 : f32 to vector<16xf32>
      %broadcast_in_dim3A_124 = vector.broadcast %jit3A_122 : f32 to vector<16xf32>
      %select_n3A_125 = arith.select %gt3A_85, %broadcast_in_dim3A_123, %broadcast_in_dim3A_124 : vector<16xi1>, vector<16xf32>
      %add3A_126 = arith.addf %add3A_120, %select_n3A_125 : vector<16xf32>
      %jit3A_127 = arith.constant 1.000000e+00 : f32
      %jit3A_128 = arith.constant 0.000000e+00 : f32
      %broadcast_in_dim3A_129 = vector.broadcast %jit3A_127 : f32 to vector<16xf32>
      %broadcast_in_dim3A_130 = vector.broadcast %jit3A_128 : f32 to vector<16xf32>
      %select_n3A_131 = arith.select %gt3A_86, %broadcast_in_dim3A_129, %broadcast_in_dim3A_130 : vector<16xi1>, vector<16xf32>
      %add3A_132 = arith.addf %add3A_126, %select_n3A_131 : vector<16xf32>
      %jit3A_133 = arith.constant 1.000000e+00 : f32
      %jit3A_134 = arith.constant 0.000000e+00 : f32
      %broadcast_in_dim3A_135 = vector.broadcast %jit3A_133 : f32 to vector<16xf32>
      %broadcast_in_dim3A_136 = vector.broadcast %jit3A_134 : f32 to vector<16xf32>
      %select_n3A_137 = arith.select %gt3A_87, %broadcast_in_dim3A_135, %broadcast_in_dim3A_136 : vector<16xi1>, vector<16xf32>
      %add3A_138 = arith.addf %add3A_132, %select_n3A_137 : vector<16xf32>
      %jit3A_139 = arith.constant 1.000000e+00 : f32
      %jit3A_140 = arith.constant 0.000000e+00 : f32
      %broadcast_in_dim3A_141 = vector.broadcast %jit3A_139 : f32 to vector<16xf32>
      %broadcast_in_dim3A_142 = vector.broadcast %jit3A_140 : f32 to vector<16xf32>
      %select_n3A_143 = arith.select %gt3A_88, %broadcast_in_dim3A_141, %broadcast_in_dim3A_142 : vector<16xi1>, vector<16xf32>
      %add3A_144 = arith.addf %add3A_138, %select_n3A_143 : vector<16xf32>
      %jit3A_145 = arith.constant 1.000000e+00 : f32
      %jit3A_146 = arith.constant 0.000000e+00 : f32
      %broadcast_in_dim3A_147 = vector.broadcast %jit3A_145 : f32 to vector<16xf32>
      %broadcast_in_dim3A_148 = vector.broadcast %jit3A_146 : f32 to vector<16xf32>
      %select_n3A_149 = arith.select %gt3A_89, %broadcast_in_dim3A_147, %broadcast_in_dim3A_148 : vector<16xi1>, vector<16xf32>
      %add3A_150 = arith.addf %add3A_144, %select_n3A_149 : vector<16xf32>
      %jit3A_151 = arith.constant 1.000000e+00 : f32
      %jit3A_152 = arith.constant 0.000000e+00 : f32
      %broadcast_in_dim3A_153 = vector.broadcast %jit3A_151 : f32 to vector<16xf32>
      %broadcast_in_dim3A_154 = vector.broadcast %jit3A_152 : f32 to vector<16xf32>
      %select_n3A_155 = arith.select %gt3A_90, %broadcast_in_dim3A_153, %broadcast_in_dim3A_154 : vector<16xi1>, vector<16xf32>
      %add3A_156 = arith.addf %add3A_150, %select_n3A_155 : vector<16xf32>
      %jit3A_157 = arith.constant 1.000000e+00 : f32
      %jit3A_158 = arith.constant 0.000000e+00 : f32
      %broadcast_in_dim3A_159 = vector.broadcast %jit3A_157 : f32 to vector<16xf32>
      %broadcast_in_dim3A_160 = vector.broadcast %jit3A_158 : f32 to vector<16xf32>
      %select_n3A_161 = arith.select %gt3A_91, %broadcast_in_dim3A_159, %broadcast_in_dim3A_160 : vector<16xi1>, vector<16xf32>
      %add3A_162 = arith.addf %add3A_156, %select_n3A_161 : vector<16xf32>
      %jit3A_163 = arith.constant 1.000000e+00 : f32
      %jit3A_164 = arith.constant 0.000000e+00 : f32
      %broadcast_in_dim3A_165 = vector.broadcast %jit3A_163 : f32 to vector<16xf32>
      %broadcast_in_dim3A_166 = vector.broadcast %jit3A_164 : f32 to vector<16xf32>
      %select_n3A_167 = arith.select %gt3A_92, %broadcast_in_dim3A_165, %broadcast_in_dim3A_166 : vector<16xi1>, vector<16xf32>
      %add3A_168 = arith.addf %add3A_162, %select_n3A_167 : vector<16xf32>
      %jit3A_169 = arith.constant 1.000000e+00 : f32
      %jit3A_170 = arith.constant 0.000000e+00 : f32
      %broadcast_in_dim3A_171 = vector.broadcast %jit3A_169 : f32 to vector<16xf32>
      %broadcast_in_dim3A_172 = vector.broadcast %jit3A_170 : f32 to vector<16xf32>
      %select_n3A_173 = arith.select %gt3A_93, %broadcast_in_dim3A_171, %broadcast_in_dim3A_172 : vector<16xi1>, vector<16xf32>
      %add3A_174 = arith.addf %add3A_168, %select_n3A_173 : vector<16xf32>
      %jit3A_175 = arith.constant 1.000000e+00 : f32
      %jit3A_176 = arith.constant 0.000000e+00 : f32
      %broadcast_in_dim3A_177 = vector.broadcast %jit3A_175 : f32 to vector<16xf32>
      %broadcast_in_dim3A_178 = vector.broadcast %jit3A_176 : f32 to vector<16xf32>
      %select_n3A_179 = arith.select %gt3A_94, %broadcast_in_dim3A_177, %broadcast_in_dim3A_178 : vector<16xi1>, vector<16xf32>
      %add3A_180 = arith.addf %add3A_174, %select_n3A_179 : vector<16xf32>
      %jit3A_181 = arith.constant 1.000000e+00 : f32
      %jit3A_182 = arith.constant 0.000000e+00 : f32
      %broadcast_in_dim3A_183 = vector.broadcast %jit3A_181 : f32 to vector<16xf32>
      %broadcast_in_dim3A_184 = vector.broadcast %jit3A_182 : f32 to vector<16xf32>
      %select_n3A_185 = arith.select %gt3A_95, %broadcast_in_dim3A_183, %broadcast_in_dim3A_184 : vector<16xi1>, vector<16xf32>
      %add3A_186 = arith.addf %add3A_180, %select_n3A_185 : vector<16xf32>
      %jit3A_187 = arith.constant 1.000000e+00 : f32
      %jit3A_188 = arith.constant 0.000000e+00 : f32
      %broadcast_in_dim3A_189 = vector.broadcast %jit3A_187 : f32 to vector<16xf32>
      %broadcast_in_dim3A_190 = vector.broadcast %jit3A_188 : f32 to vector<16xf32>
      %select_n3A_191 = arith.select %gt3A_96, %broadcast_in_dim3A_189, %broadcast_in_dim3A_190 : vector<16xi1>, vector<16xf32>
      %add3A_192 = arith.addf %add3A_186, %select_n3A_191 : vector<16xf32>
      %eq3A = arith.cmpf oeq, %add3A_192, %broadcast_in_dim3A_5 : vector<16xf32>
      %broadcast_in_dim3A_193 = arith.constant 0 : i32
      %broadcast_in_dim3A_194 = vector.broadcast %broadcast_in_dim3A_193 : i32 to vector<16xi32>
      %broadcast_in_dim3A_195 = arith.constant 0 : i32
      %broadcast_in_dim3A_196 = vector.broadcast %broadcast_in_dim3A_195 : i32 to vector<16xi32>
      %gt3A_197 = arith.cmpf ogt, %gather3A, %broadcast_in_dim3A_3 : vector<16xf32>
      %gt3A_198 = arith.cmpf ogt, %gather3A, %broadcast_in_dim3A_3 : vector<16xf32>
      %broadcast_in_dim3A_199 = arith.constant 0 : i32
      %broadcast_in_dim3A_200 = vector.broadcast %broadcast_in_dim3A_199 : i32 to vector<16xi32>
      %select_n3A_201 = arith.select %gt3A_198, %broadcast_in_dim3A_200, %broadcast_in_dim3A_196 : vector<16xi1>, vector<16xi32>
      %select_n3A_202 = arith.select %gt3A_197, %broadcast_in_dim3A_194, %select_n3A_201 : vector<16xi1>, vector<16xi32>
      %select_n3A_203 = arith.select %gt3A_198, %gather3A, %broadcast_in_dim3A_3 : vector<16xi1>, vector<16xf32>
      %select_n3A_204 = arith.select %gt3A_197, %broadcast_in_dim3A_3, %select_n3A_203 : vector<16xi1>, vector<16xf32>
      %select_n3A_205 = arith.select %gt3A_197, %broadcast_in_dim3A_200, %broadcast_in_dim3A_194 : vector<16xi1>, vector<16xi32>
      %select_n3A_206 = arith.select %gt3A_197, %gather3A, %broadcast_in_dim3A_3 : vector<16xi1>, vector<16xf32>
      %gt3A_207 = arith.cmpf ogt, %gather3A_53, %select_n3A_206 : vector<16xf32>
      %gt3A_208 = arith.cmpf ogt, %gather3A_53, %select_n3A_204 : vector<16xf32>
      %broadcast_in_dim3A_209 = arith.constant 1 : i32
      %broadcast_in_dim3A_210 = vector.broadcast %broadcast_in_dim3A_209 : i32 to vector<16xi32>
      %select_n3A_211 = arith.select %gt3A_208, %broadcast_in_dim3A_210, %select_n3A_202 : vector<16xi1>, vector<16xi32>
      %select_n3A_212 = arith.select %gt3A_207, %select_n3A_205, %select_n3A_211 : vector<16xi1>, vector<16xi32>
      %select_n3A_213 = arith.select %gt3A_208, %gather3A_53, %select_n3A_204 : vector<16xi1>, vector<16xf32>
      %select_n3A_214 = arith.select %gt3A_207, %select_n3A_206, %select_n3A_213 : vector<16xi1>, vector<16xf32>
      %select_n3A_215 = arith.select %gt3A_207, %broadcast_in_dim3A_210, %select_n3A_205 : vector<16xi1>, vector<16xi32>
      %select_n3A_216 = arith.select %gt3A_207, %gather3A_53, %select_n3A_206 : vector<16xi1>, vector<16xf32>
      %gt3A_217 = arith.cmpf ogt, %gather3A_55, %select_n3A_216 : vector<16xf32>
      %gt3A_218 = arith.cmpf ogt, %gather3A_55, %select_n3A_214 : vector<16xf32>
      %broadcast_in_dim3A_219 = arith.constant 2 : i32
      %broadcast_in_dim3A_220 = vector.broadcast %broadcast_in_dim3A_219 : i32 to vector<16xi32>
      %select_n3A_221 = arith.select %gt3A_218, %broadcast_in_dim3A_220, %select_n3A_212 : vector<16xi1>, vector<16xi32>
      %select_n3A_222 = arith.select %gt3A_217, %select_n3A_215, %select_n3A_221 : vector<16xi1>, vector<16xi32>
      %select_n3A_223 = arith.select %gt3A_218, %gather3A_55, %select_n3A_214 : vector<16xi1>, vector<16xf32>
      %select_n3A_224 = arith.select %gt3A_217, %select_n3A_216, %select_n3A_223 : vector<16xi1>, vector<16xf32>
      %select_n3A_225 = arith.select %gt3A_217, %broadcast_in_dim3A_220, %select_n3A_215 : vector<16xi1>, vector<16xi32>
      %select_n3A_226 = arith.select %gt3A_217, %gather3A_55, %select_n3A_216 : vector<16xi1>, vector<16xf32>
      %gt3A_227 = arith.cmpf ogt, %gather3A_57, %select_n3A_226 : vector<16xf32>
      %gt3A_228 = arith.cmpf ogt, %gather3A_57, %select_n3A_224 : vector<16xf32>
      %broadcast_in_dim3A_229 = arith.constant 3 : i32
      %broadcast_in_dim3A_230 = vector.broadcast %broadcast_in_dim3A_229 : i32 to vector<16xi32>
      %select_n3A_231 = arith.select %gt3A_228, %broadcast_in_dim3A_230, %select_n3A_222 : vector<16xi1>, vector<16xi32>
      %select_n3A_232 = arith.select %gt3A_227, %select_n3A_225, %select_n3A_231 : vector<16xi1>, vector<16xi32>
      %select_n3A_233 = arith.select %gt3A_228, %gather3A_57, %select_n3A_224 : vector<16xi1>, vector<16xf32>
      %select_n3A_234 = arith.select %gt3A_227, %select_n3A_226, %select_n3A_233 : vector<16xi1>, vector<16xf32>
      %select_n3A_235 = arith.select %gt3A_227, %broadcast_in_dim3A_230, %select_n3A_225 : vector<16xi1>, vector<16xi32>
      %select_n3A_236 = arith.select %gt3A_227, %gather3A_57, %select_n3A_226 : vector<16xi1>, vector<16xf32>
      %gt3A_237 = arith.cmpf ogt, %gather3A_59, %select_n3A_236 : vector<16xf32>
      %gt3A_238 = arith.cmpf ogt, %gather3A_59, %select_n3A_234 : vector<16xf32>
      %broadcast_in_dim3A_239 = arith.constant 4 : i32
      %broadcast_in_dim3A_240 = vector.broadcast %broadcast_in_dim3A_239 : i32 to vector<16xi32>
      %select_n3A_241 = arith.select %gt3A_238, %broadcast_in_dim3A_240, %select_n3A_232 : vector<16xi1>, vector<16xi32>
      %select_n3A_242 = arith.select %gt3A_237, %select_n3A_235, %select_n3A_241 : vector<16xi1>, vector<16xi32>
      %select_n3A_243 = arith.select %gt3A_238, %gather3A_59, %select_n3A_234 : vector<16xi1>, vector<16xf32>
      %select_n3A_244 = arith.select %gt3A_237, %select_n3A_236, %select_n3A_243 : vector<16xi1>, vector<16xf32>
      %select_n3A_245 = arith.select %gt3A_237, %broadcast_in_dim3A_240, %select_n3A_235 : vector<16xi1>, vector<16xi32>
      %select_n3A_246 = arith.select %gt3A_237, %gather3A_59, %select_n3A_236 : vector<16xi1>, vector<16xf32>
      %gt3A_247 = arith.cmpf ogt, %gather3A_61, %select_n3A_246 : vector<16xf32>
      %gt3A_248 = arith.cmpf ogt, %gather3A_61, %select_n3A_244 : vector<16xf32>
      %broadcast_in_dim3A_249 = arith.constant 5 : i32
      %broadcast_in_dim3A_250 = vector.broadcast %broadcast_in_dim3A_249 : i32 to vector<16xi32>
      %select_n3A_251 = arith.select %gt3A_248, %broadcast_in_dim3A_250, %select_n3A_242 : vector<16xi1>, vector<16xi32>
      %select_n3A_252 = arith.select %gt3A_247, %select_n3A_245, %select_n3A_251 : vector<16xi1>, vector<16xi32>
      %select_n3A_253 = arith.select %gt3A_248, %gather3A_61, %select_n3A_244 : vector<16xi1>, vector<16xf32>
      %select_n3A_254 = arith.select %gt3A_247, %select_n3A_246, %select_n3A_253 : vector<16xi1>, vector<16xf32>
      %select_n3A_255 = arith.select %gt3A_247, %broadcast_in_dim3A_250, %select_n3A_245 : vector<16xi1>, vector<16xi32>
      %select_n3A_256 = arith.select %gt3A_247, %gather3A_61, %select_n3A_246 : vector<16xi1>, vector<16xf32>
      %gt3A_257 = arith.cmpf ogt, %gather3A_63, %select_n3A_256 : vector<16xf32>
      %gt3A_258 = arith.cmpf ogt, %gather3A_63, %select_n3A_254 : vector<16xf32>
      %broadcast_in_dim3A_259 = arith.constant 6 : i32
      %broadcast_in_dim3A_260 = vector.broadcast %broadcast_in_dim3A_259 : i32 to vector<16xi32>
      %select_n3A_261 = arith.select %gt3A_258, %broadcast_in_dim3A_260, %select_n3A_252 : vector<16xi1>, vector<16xi32>
      %select_n3A_262 = arith.select %gt3A_257, %select_n3A_255, %select_n3A_261 : vector<16xi1>, vector<16xi32>
      %select_n3A_263 = arith.select %gt3A_258, %gather3A_63, %select_n3A_254 : vector<16xi1>, vector<16xf32>
      %select_n3A_264 = arith.select %gt3A_257, %select_n3A_256, %select_n3A_263 : vector<16xi1>, vector<16xf32>
      %select_n3A_265 = arith.select %gt3A_257, %broadcast_in_dim3A_260, %select_n3A_255 : vector<16xi1>, vector<16xi32>
      %select_n3A_266 = arith.select %gt3A_257, %gather3A_63, %select_n3A_256 : vector<16xi1>, vector<16xf32>
      %gt3A_267 = arith.cmpf ogt, %gather3A_65, %select_n3A_266 : vector<16xf32>
      %gt3A_268 = arith.cmpf ogt, %gather3A_65, %select_n3A_264 : vector<16xf32>
      %broadcast_in_dim3A_269 = arith.constant 7 : i32
      %broadcast_in_dim3A_270 = vector.broadcast %broadcast_in_dim3A_269 : i32 to vector<16xi32>
      %select_n3A_271 = arith.select %gt3A_268, %broadcast_in_dim3A_270, %select_n3A_262 : vector<16xi1>, vector<16xi32>
      %select_n3A_272 = arith.select %gt3A_267, %select_n3A_265, %select_n3A_271 : vector<16xi1>, vector<16xi32>
      %select_n3A_273 = arith.select %gt3A_268, %gather3A_65, %select_n3A_264 : vector<16xi1>, vector<16xf32>
      %select_n3A_274 = arith.select %gt3A_267, %select_n3A_266, %select_n3A_273 : vector<16xi1>, vector<16xf32>
      %select_n3A_275 = arith.select %gt3A_267, %broadcast_in_dim3A_270, %select_n3A_265 : vector<16xi1>, vector<16xi32>
      %select_n3A_276 = arith.select %gt3A_267, %gather3A_65, %select_n3A_266 : vector<16xi1>, vector<16xf32>
      %gt3A_277 = arith.cmpf ogt, %gather3A_67, %select_n3A_276 : vector<16xf32>
      %gt3A_278 = arith.cmpf ogt, %gather3A_67, %select_n3A_274 : vector<16xf32>
      %broadcast_in_dim3A_279 = arith.constant 8 : i32
      %broadcast_in_dim3A_280 = vector.broadcast %broadcast_in_dim3A_279 : i32 to vector<16xi32>
      %select_n3A_281 = arith.select %gt3A_278, %broadcast_in_dim3A_280, %select_n3A_272 : vector<16xi1>, vector<16xi32>
      %select_n3A_282 = arith.select %gt3A_277, %select_n3A_275, %select_n3A_281 : vector<16xi1>, vector<16xi32>
      %select_n3A_283 = arith.select %gt3A_278, %gather3A_67, %select_n3A_274 : vector<16xi1>, vector<16xf32>
      %select_n3A_284 = arith.select %gt3A_277, %select_n3A_276, %select_n3A_283 : vector<16xi1>, vector<16xf32>
      %select_n3A_285 = arith.select %gt3A_277, %broadcast_in_dim3A_280, %select_n3A_275 : vector<16xi1>, vector<16xi32>
      %select_n3A_286 = arith.select %gt3A_277, %gather3A_67, %select_n3A_276 : vector<16xi1>, vector<16xf32>
      %gt3A_287 = arith.cmpf ogt, %gather3A_69, %select_n3A_286 : vector<16xf32>
      %gt3A_288 = arith.cmpf ogt, %gather3A_69, %select_n3A_284 : vector<16xf32>
      %broadcast_in_dim3A_289 = arith.constant 9 : i32
      %broadcast_in_dim3A_290 = vector.broadcast %broadcast_in_dim3A_289 : i32 to vector<16xi32>
      %select_n3A_291 = arith.select %gt3A_288, %broadcast_in_dim3A_290, %select_n3A_282 : vector<16xi1>, vector<16xi32>
      %select_n3A_292 = arith.select %gt3A_287, %select_n3A_285, %select_n3A_291 : vector<16xi1>, vector<16xi32>
      %select_n3A_293 = arith.select %gt3A_288, %gather3A_69, %select_n3A_284 : vector<16xi1>, vector<16xf32>
      %select_n3A_294 = arith.select %gt3A_287, %select_n3A_286, %select_n3A_293 : vector<16xi1>, vector<16xf32>
      %select_n3A_295 = arith.select %gt3A_287, %broadcast_in_dim3A_290, %select_n3A_285 : vector<16xi1>, vector<16xi32>
      %select_n3A_296 = arith.select %gt3A_287, %gather3A_69, %select_n3A_286 : vector<16xi1>, vector<16xf32>
      %gt3A_297 = arith.cmpf ogt, %gather3A_71, %select_n3A_296 : vector<16xf32>
      %gt3A_298 = arith.cmpf ogt, %gather3A_71, %select_n3A_294 : vector<16xf32>
      %broadcast_in_dim3A_299 = arith.constant 10 : i32
      %broadcast_in_dim3A_300 = vector.broadcast %broadcast_in_dim3A_299 : i32 to vector<16xi32>
      %select_n3A_301 = arith.select %gt3A_298, %broadcast_in_dim3A_300, %select_n3A_292 : vector<16xi1>, vector<16xi32>
      %select_n3A_302 = arith.select %gt3A_297, %select_n3A_295, %select_n3A_301 : vector<16xi1>, vector<16xi32>
      %select_n3A_303 = arith.select %gt3A_298, %gather3A_71, %select_n3A_294 : vector<16xi1>, vector<16xf32>
      %select_n3A_304 = arith.select %gt3A_297, %select_n3A_296, %select_n3A_303 : vector<16xi1>, vector<16xf32>
      %select_n3A_305 = arith.select %gt3A_297, %broadcast_in_dim3A_300, %select_n3A_295 : vector<16xi1>, vector<16xi32>
      %select_n3A_306 = arith.select %gt3A_297, %gather3A_71, %select_n3A_296 : vector<16xi1>, vector<16xf32>
      %gt3A_307 = arith.cmpf ogt, %gather3A_73, %select_n3A_306 : vector<16xf32>
      %gt3A_308 = arith.cmpf ogt, %gather3A_73, %select_n3A_304 : vector<16xf32>
      %broadcast_in_dim3A_309 = arith.constant 11 : i32
      %broadcast_in_dim3A_310 = vector.broadcast %broadcast_in_dim3A_309 : i32 to vector<16xi32>
      %select_n3A_311 = arith.select %gt3A_308, %broadcast_in_dim3A_310, %select_n3A_302 : vector<16xi1>, vector<16xi32>
      %select_n3A_312 = arith.select %gt3A_307, %select_n3A_305, %select_n3A_311 : vector<16xi1>, vector<16xi32>
      %select_n3A_313 = arith.select %gt3A_308, %gather3A_73, %select_n3A_304 : vector<16xi1>, vector<16xf32>
      %select_n3A_314 = arith.select %gt3A_307, %select_n3A_306, %select_n3A_313 : vector<16xi1>, vector<16xf32>
      %select_n3A_315 = arith.select %gt3A_307, %broadcast_in_dim3A_310, %select_n3A_305 : vector<16xi1>, vector<16xi32>
      %select_n3A_316 = arith.select %gt3A_307, %gather3A_73, %select_n3A_306 : vector<16xi1>, vector<16xf32>
      %gt3A_317 = arith.cmpf ogt, %gather3A_75, %select_n3A_316 : vector<16xf32>
      %gt3A_318 = arith.cmpf ogt, %gather3A_75, %select_n3A_314 : vector<16xf32>
      %broadcast_in_dim3A_319 = arith.constant 12 : i32
      %broadcast_in_dim3A_320 = vector.broadcast %broadcast_in_dim3A_319 : i32 to vector<16xi32>
      %select_n3A_321 = arith.select %gt3A_318, %broadcast_in_dim3A_320, %select_n3A_312 : vector<16xi1>, vector<16xi32>
      %select_n3A_322 = arith.select %gt3A_317, %select_n3A_315, %select_n3A_321 : vector<16xi1>, vector<16xi32>
      %select_n3A_323 = arith.select %gt3A_318, %gather3A_75, %select_n3A_314 : vector<16xi1>, vector<16xf32>
      %select_n3A_324 = arith.select %gt3A_317, %select_n3A_316, %select_n3A_323 : vector<16xi1>, vector<16xf32>
      %select_n3A_325 = arith.select %gt3A_317, %broadcast_in_dim3A_320, %select_n3A_315 : vector<16xi1>, vector<16xi32>
      %select_n3A_326 = arith.select %gt3A_317, %gather3A_75, %select_n3A_316 : vector<16xi1>, vector<16xf32>
      %gt3A_327 = arith.cmpf ogt, %gather3A_77, %select_n3A_326 : vector<16xf32>
      %gt3A_328 = arith.cmpf ogt, %gather3A_77, %select_n3A_324 : vector<16xf32>
      %broadcast_in_dim3A_329 = arith.constant 13 : i32
      %broadcast_in_dim3A_330 = vector.broadcast %broadcast_in_dim3A_329 : i32 to vector<16xi32>
      %select_n3A_331 = arith.select %gt3A_328, %broadcast_in_dim3A_330, %select_n3A_322 : vector<16xi1>, vector<16xi32>
      %select_n3A_332 = arith.select %gt3A_327, %select_n3A_325, %select_n3A_331 : vector<16xi1>, vector<16xi32>
      %select_n3A_333 = arith.select %gt3A_328, %gather3A_77, %select_n3A_324 : vector<16xi1>, vector<16xf32>
      %select_n3A_334 = arith.select %gt3A_327, %select_n3A_326, %select_n3A_333 : vector<16xi1>, vector<16xf32>
      %select_n3A_335 = arith.select %gt3A_327, %broadcast_in_dim3A_330, %select_n3A_325 : vector<16xi1>, vector<16xi32>
      %select_n3A_336 = arith.select %gt3A_327, %gather3A_77, %select_n3A_326 : vector<16xi1>, vector<16xf32>
      %gt3A_337 = arith.cmpf ogt, %gather3A_79, %select_n3A_336 : vector<16xf32>
      %gt3A_338 = arith.cmpf ogt, %gather3A_79, %select_n3A_334 : vector<16xf32>
      %broadcast_in_dim3A_339 = arith.constant 14 : i32
      %broadcast_in_dim3A_340 = vector.broadcast %broadcast_in_dim3A_339 : i32 to vector<16xi32>
      %select_n3A_341 = arith.select %gt3A_338, %broadcast_in_dim3A_340, %select_n3A_332 : vector<16xi1>, vector<16xi32>
      %select_n3A_342 = arith.select %gt3A_337, %select_n3A_335, %select_n3A_341 : vector<16xi1>, vector<16xi32>
      %select_n3A_343 = arith.select %gt3A_338, %gather3A_79, %select_n3A_334 : vector<16xi1>, vector<16xf32>
      %select_n3A_344 = arith.select %gt3A_337, %select_n3A_336, %select_n3A_343 : vector<16xi1>, vector<16xf32>
      %select_n3A_345 = arith.select %gt3A_337, %broadcast_in_dim3A_340, %select_n3A_335 : vector<16xi1>, vector<16xi32>
      %select_n3A_346 = arith.select %gt3A_337, %gather3A_79, %select_n3A_336 : vector<16xi1>, vector<16xf32>
      %gt3A_347 = arith.cmpf ogt, %gather3A_81, %select_n3A_346 : vector<16xf32>
      %gt3A_348 = arith.cmpf ogt, %gather3A_81, %select_n3A_344 : vector<16xf32>
      %broadcast_in_dim3A_349 = arith.constant 15 : i32
      %broadcast_in_dim3A_350 = vector.broadcast %broadcast_in_dim3A_349 : i32 to vector<16xi32>
      %select_n3A_351 = arith.select %gt3A_348, %broadcast_in_dim3A_350, %select_n3A_342 : vector<16xi1>, vector<16xi32>
      %select_n3A_352 = arith.select %gt3A_347, %select_n3A_345, %select_n3A_351 : vector<16xi1>, vector<16xi32>
      %select_n3A_353 = arith.select %gt3A_348, %gather3A_81, %select_n3A_344 : vector<16xi1>, vector<16xf32>
      %select_n3A_354 = arith.select %gt3A_347, %select_n3A_346, %select_n3A_353 : vector<16xi1>, vector<16xf32>
      %select_n3A_355 = arith.select %gt3A_347, %broadcast_in_dim3A_350, %select_n3A_345 : vector<16xi1>, vector<16xi32>
      %select_n3A_356 = arith.select %gt3A_347, %gather3A_81, %select_n3A_346 : vector<16xi1>, vector<16xf32>
      %broadcast_in_dim3A_357 = arith.constant 0 : i32
      %broadcast_in_dim3A_358 = vector.broadcast %broadcast_in_dim3A_357 : i32 to vector<16xi32>
      %broadcast_in_dim3A_359 = arith.constant 1 : i32
      %broadcast_in_dim3A_360 = vector.broadcast %broadcast_in_dim3A_359 : i32 to vector<16xi32>
      %broadcast_in_dim3A_361 = arith.constant 2 : i32
      %broadcast_in_dim3A_362 = vector.broadcast %broadcast_in_dim3A_361 : i32 to vector<16xi32>
      %broadcast_in_dim3A_363 = arith.constant 3 : i32
      %broadcast_in_dim3A_364 = vector.broadcast %broadcast_in_dim3A_363 : i32 to vector<16xi32>
      %broadcast_in_dim3A_365 = arith.constant 4 : i32
      %broadcast_in_dim3A_366 = vector.broadcast %broadcast_in_dim3A_365 : i32 to vector<16xi32>
      %broadcast_in_dim3A_367 = arith.constant 5 : i32
      %broadcast_in_dim3A_368 = vector.broadcast %broadcast_in_dim3A_367 : i32 to vector<16xi32>
      %broadcast_in_dim3A_369 = arith.constant 6 : i32
      %broadcast_in_dim3A_370 = vector.broadcast %broadcast_in_dim3A_369 : i32 to vector<16xi32>
      %broadcast_in_dim3A_371 = arith.constant 7 : i32
      %broadcast_in_dim3A_372 = vector.broadcast %broadcast_in_dim3A_371 : i32 to vector<16xi32>
      %broadcast_in_dim3A_373 = arith.constant 8 : i32
      %broadcast_in_dim3A_374 = vector.broadcast %broadcast_in_dim3A_373 : i32 to vector<16xi32>
      %broadcast_in_dim3A_375 = arith.constant 9 : i32
      %broadcast_in_dim3A_376 = vector.broadcast %broadcast_in_dim3A_375 : i32 to vector<16xi32>
      %broadcast_in_dim3A_377 = arith.constant 10 : i32
      %broadcast_in_dim3A_378 = vector.broadcast %broadcast_in_dim3A_377 : i32 to vector<16xi32>
      %broadcast_in_dim3A_379 = arith.constant 11 : i32
      %broadcast_in_dim3A_380 = vector.broadcast %broadcast_in_dim3A_379 : i32 to vector<16xi32>
      %broadcast_in_dim3A_381 = arith.constant 12 : i32
      %broadcast_in_dim3A_382 = vector.broadcast %broadcast_in_dim3A_381 : i32 to vector<16xi32>
      %broadcast_in_dim3A_383 = arith.constant 13 : i32
      %broadcast_in_dim3A_384 = vector.broadcast %broadcast_in_dim3A_383 : i32 to vector<16xi32>
      %broadcast_in_dim3A_385 = arith.constant 14 : i32
      %broadcast_in_dim3A_386 = vector.broadcast %broadcast_in_dim3A_385 : i32 to vector<16xi32>
      %broadcast_in_dim3A_387 = arith.constant 15 : i32
      %broadcast_in_dim3A_388 = vector.broadcast %broadcast_in_dim3A_387 : i32 to vector<16xi32>
      %eq3A_389 = arith.cmpi eq, %select_n3A_355, %broadcast_in_dim3A_358 : vector<16xi32>
      %eq3A_390 = arith.cmpi eq, %select_n3A_352, %broadcast_in_dim3A_358 : vector<16xi32>
      %or3A = arith.ori %eq3A_389, %eq3A_390 : vector<16xi1>
      %select_n3A_391 = arith.select %eq3A, %or3A, %gt3A : vector<16xi1>, vector<16xi1>
      %max3A = arith.maximumf %gather3A, %broadcast_in_dim3A_5 : vector<16xf32>
      %select_n3A_392 = arith.select %select_n3A_391, %max3A, %broadcast_in_dim3A_3 : vector<16xi1>, vector<16xf32>
      %eq3A_393 = arith.cmpi eq, %select_n3A_355, %broadcast_in_dim3A_360 : vector<16xi32>
      %eq3A_394 = arith.cmpi eq, %select_n3A_352, %broadcast_in_dim3A_360 : vector<16xi32>
      %or3A_395 = arith.ori %eq3A_393, %eq3A_394 : vector<16xi1>
      %select_n3A_396 = arith.select %eq3A, %or3A_395, %gt3A_82 : vector<16xi1>, vector<16xi1>
      %max3A_397 = arith.maximumf %gather3A_53, %broadcast_in_dim3A_5 : vector<16xf32>
      %select_n3A_398 = arith.select %select_n3A_396, %max3A_397, %broadcast_in_dim3A_3 : vector<16xi1>, vector<16xf32>
      %eq3A_399 = arith.cmpi eq, %select_n3A_355, %broadcast_in_dim3A_362 : vector<16xi32>
      %eq3A_400 = arith.cmpi eq, %select_n3A_352, %broadcast_in_dim3A_362 : vector<16xi32>
      %or3A_401 = arith.ori %eq3A_399, %eq3A_400 : vector<16xi1>
      %select_n3A_402 = arith.select %eq3A, %or3A_401, %gt3A_83 : vector<16xi1>, vector<16xi1>
      %max3A_403 = arith.maximumf %gather3A_55, %broadcast_in_dim3A_5 : vector<16xf32>
      %select_n3A_404 = arith.select %select_n3A_402, %max3A_403, %broadcast_in_dim3A_3 : vector<16xi1>, vector<16xf32>
      %eq3A_405 = arith.cmpi eq, %select_n3A_355, %broadcast_in_dim3A_364 : vector<16xi32>
      %eq3A_406 = arith.cmpi eq, %select_n3A_352, %broadcast_in_dim3A_364 : vector<16xi32>
      %or3A_407 = arith.ori %eq3A_405, %eq3A_406 : vector<16xi1>
      %select_n3A_408 = arith.select %eq3A, %or3A_407, %gt3A_84 : vector<16xi1>, vector<16xi1>
      %max3A_409 = arith.maximumf %gather3A_57, %broadcast_in_dim3A_5 : vector<16xf32>
      %select_n3A_410 = arith.select %select_n3A_408, %max3A_409, %broadcast_in_dim3A_3 : vector<16xi1>, vector<16xf32>
      %eq3A_411 = arith.cmpi eq, %select_n3A_355, %broadcast_in_dim3A_366 : vector<16xi32>
      %eq3A_412 = arith.cmpi eq, %select_n3A_352, %broadcast_in_dim3A_366 : vector<16xi32>
      %or3A_413 = arith.ori %eq3A_411, %eq3A_412 : vector<16xi1>
      %select_n3A_414 = arith.select %eq3A, %or3A_413, %gt3A_85 : vector<16xi1>, vector<16xi1>
      %max3A_415 = arith.maximumf %gather3A_59, %broadcast_in_dim3A_5 : vector<16xf32>
      %select_n3A_416 = arith.select %select_n3A_414, %max3A_415, %broadcast_in_dim3A_3 : vector<16xi1>, vector<16xf32>
      %eq3A_417 = arith.cmpi eq, %select_n3A_355, %broadcast_in_dim3A_368 : vector<16xi32>
      %eq3A_418 = arith.cmpi eq, %select_n3A_352, %broadcast_in_dim3A_368 : vector<16xi32>
      %or3A_419 = arith.ori %eq3A_417, %eq3A_418 : vector<16xi1>
      %select_n3A_420 = arith.select %eq3A, %or3A_419, %gt3A_86 : vector<16xi1>, vector<16xi1>
      %max3A_421 = arith.maximumf %gather3A_61, %broadcast_in_dim3A_5 : vector<16xf32>
      %select_n3A_422 = arith.select %select_n3A_420, %max3A_421, %broadcast_in_dim3A_3 : vector<16xi1>, vector<16xf32>
      %eq3A_423 = arith.cmpi eq, %select_n3A_355, %broadcast_in_dim3A_370 : vector<16xi32>
      %eq3A_424 = arith.cmpi eq, %select_n3A_352, %broadcast_in_dim3A_370 : vector<16xi32>
      %or3A_425 = arith.ori %eq3A_423, %eq3A_424 : vector<16xi1>
      %select_n3A_426 = arith.select %eq3A, %or3A_425, %gt3A_87 : vector<16xi1>, vector<16xi1>
      %max3A_427 = arith.maximumf %gather3A_63, %broadcast_in_dim3A_5 : vector<16xf32>
      %select_n3A_428 = arith.select %select_n3A_426, %max3A_427, %broadcast_in_dim3A_3 : vector<16xi1>, vector<16xf32>
      %eq3A_429 = arith.cmpi eq, %select_n3A_355, %broadcast_in_dim3A_372 : vector<16xi32>
      %eq3A_430 = arith.cmpi eq, %select_n3A_352, %broadcast_in_dim3A_372 : vector<16xi32>
      %or3A_431 = arith.ori %eq3A_429, %eq3A_430 : vector<16xi1>
      %select_n3A_432 = arith.select %eq3A, %or3A_431, %gt3A_88 : vector<16xi1>, vector<16xi1>
      %max3A_433 = arith.maximumf %gather3A_65, %broadcast_in_dim3A_5 : vector<16xf32>
      %select_n3A_434 = arith.select %select_n3A_432, %max3A_433, %broadcast_in_dim3A_3 : vector<16xi1>, vector<16xf32>
      %eq3A_435 = arith.cmpi eq, %select_n3A_355, %broadcast_in_dim3A_374 : vector<16xi32>
      %eq3A_436 = arith.cmpi eq, %select_n3A_352, %broadcast_in_dim3A_374 : vector<16xi32>
      %or3A_437 = arith.ori %eq3A_435, %eq3A_436 : vector<16xi1>
      %select_n3A_438 = arith.select %eq3A, %or3A_437, %gt3A_89 : vector<16xi1>, vector<16xi1>
      %max3A_439 = arith.maximumf %gather3A_67, %broadcast_in_dim3A_5 : vector<16xf32>
      %select_n3A_440 = arith.select %select_n3A_438, %max3A_439, %broadcast_in_dim3A_3 : vector<16xi1>, vector<16xf32>
      %eq3A_441 = arith.cmpi eq, %select_n3A_355, %broadcast_in_dim3A_376 : vector<16xi32>
      %eq3A_442 = arith.cmpi eq, %select_n3A_352, %broadcast_in_dim3A_376 : vector<16xi32>
      %or3A_443 = arith.ori %eq3A_441, %eq3A_442 : vector<16xi1>
      %select_n3A_444 = arith.select %eq3A, %or3A_443, %gt3A_90 : vector<16xi1>, vector<16xi1>
      %max3A_445 = arith.maximumf %gather3A_69, %broadcast_in_dim3A_5 : vector<16xf32>
      %select_n3A_446 = arith.select %select_n3A_444, %max3A_445, %broadcast_in_dim3A_3 : vector<16xi1>, vector<16xf32>
      %eq3A_447 = arith.cmpi eq, %select_n3A_355, %broadcast_in_dim3A_378 : vector<16xi32>
      %eq3A_448 = arith.cmpi eq, %select_n3A_352, %broadcast_in_dim3A_378 : vector<16xi32>
      %or3A_449 = arith.ori %eq3A_447, %eq3A_448 : vector<16xi1>
      %select_n3A_450 = arith.select %eq3A, %or3A_449, %gt3A_91 : vector<16xi1>, vector<16xi1>
      %max3A_451 = arith.maximumf %gather3A_71, %broadcast_in_dim3A_5 : vector<16xf32>
      %select_n3A_452 = arith.select %select_n3A_450, %max3A_451, %broadcast_in_dim3A_3 : vector<16xi1>, vector<16xf32>
      %eq3A_453 = arith.cmpi eq, %select_n3A_355, %broadcast_in_dim3A_380 : vector<16xi32>
      %eq3A_454 = arith.cmpi eq, %select_n3A_352, %broadcast_in_dim3A_380 : vector<16xi32>
      %or3A_455 = arith.ori %eq3A_453, %eq3A_454 : vector<16xi1>
      %select_n3A_456 = arith.select %eq3A, %or3A_455, %gt3A_92 : vector<16xi1>, vector<16xi1>
      %max3A_457 = arith.maximumf %gather3A_73, %broadcast_in_dim3A_5 : vector<16xf32>
      %select_n3A_458 = arith.select %select_n3A_456, %max3A_457, %broadcast_in_dim3A_3 : vector<16xi1>, vector<16xf32>
      %eq3A_459 = arith.cmpi eq, %select_n3A_355, %broadcast_in_dim3A_382 : vector<16xi32>
      %eq3A_460 = arith.cmpi eq, %select_n3A_352, %broadcast_in_dim3A_382 : vector<16xi32>
      %or3A_461 = arith.ori %eq3A_459, %eq3A_460 : vector<16xi1>
      %select_n3A_462 = arith.select %eq3A, %or3A_461, %gt3A_93 : vector<16xi1>, vector<16xi1>
      %max3A_463 = arith.maximumf %gather3A_75, %broadcast_in_dim3A_5 : vector<16xf32>
      %select_n3A_464 = arith.select %select_n3A_462, %max3A_463, %broadcast_in_dim3A_3 : vector<16xi1>, vector<16xf32>
      %eq3A_465 = arith.cmpi eq, %select_n3A_355, %broadcast_in_dim3A_384 : vector<16xi32>
      %eq3A_466 = arith.cmpi eq, %select_n3A_352, %broadcast_in_dim3A_384 : vector<16xi32>
      %or3A_467 = arith.ori %eq3A_465, %eq3A_466 : vector<16xi1>
      %select_n3A_468 = arith.select %eq3A, %or3A_467, %gt3A_94 : vector<16xi1>, vector<16xi1>
      %max3A_469 = arith.maximumf %gather3A_77, %broadcast_in_dim3A_5 : vector<16xf32>
      %select_n3A_470 = arith.select %select_n3A_468, %max3A_469, %broadcast_in_dim3A_3 : vector<16xi1>, vector<16xf32>
      %eq3A_471 = arith.cmpi eq, %select_n3A_355, %broadcast_in_dim3A_386 : vector<16xi32>
      %eq3A_472 = arith.cmpi eq, %select_n3A_352, %broadcast_in_dim3A_386 : vector<16xi32>
      %or3A_473 = arith.ori %eq3A_471, %eq3A_472 : vector<16xi1>
      %select_n3A_474 = arith.select %eq3A, %or3A_473, %gt3A_95 : vector<16xi1>, vector<16xi1>
      %max3A_475 = arith.maximumf %gather3A_79, %broadcast_in_dim3A_5 : vector<16xf32>
      %select_n3A_476 = arith.select %select_n3A_474, %max3A_475, %broadcast_in_dim3A_3 : vector<16xi1>, vector<16xf32>
      %eq3A_477 = arith.cmpi eq, %select_n3A_355, %broadcast_in_dim3A_388 : vector<16xi32>
      %eq3A_478 = arith.cmpi eq, %select_n3A_352, %broadcast_in_dim3A_388 : vector<16xi32>
      %or3A_479 = arith.ori %eq3A_477, %eq3A_478 : vector<16xi1>
      %select_n3A_480 = arith.select %eq3A, %or3A_479, %gt3A_96 : vector<16xi1>, vector<16xi1>
      %max3A_481 = arith.maximumf %gather3A_81, %broadcast_in_dim3A_5 : vector<16xf32>
      %select_n3A_482 = arith.select %select_n3A_480, %max3A_481, %broadcast_in_dim3A_3 : vector<16xi1>, vector<16xf32>
      %max3A_483 = arith.maximumf %select_n3A_392, %select_n3A_398 : vector<16xf32>
      %max3A_484 = arith.maximumf %max3A_483, %select_n3A_404 : vector<16xf32>
      %max3A_485 = arith.maximumf %max3A_484, %select_n3A_410 : vector<16xf32>
      %max3A_486 = arith.maximumf %max3A_485, %select_n3A_416 : vector<16xf32>
      %max3A_487 = arith.maximumf %max3A_486, %select_n3A_422 : vector<16xf32>
      %max3A_488 = arith.maximumf %max3A_487, %select_n3A_428 : vector<16xf32>
      %max3A_489 = arith.maximumf %max3A_488, %select_n3A_434 : vector<16xf32>
      %max3A_490 = arith.maximumf %max3A_489, %select_n3A_440 : vector<16xf32>
      %max3A_491 = arith.maximumf %max3A_490, %select_n3A_446 : vector<16xf32>
      %max3A_492 = arith.maximumf %max3A_491, %select_n3A_452 : vector<16xf32>
      %max3A_493 = arith.maximumf %max3A_492, %select_n3A_458 : vector<16xf32>
      %max3A_494 = arith.maximumf %max3A_493, %select_n3A_464 : vector<16xf32>
      %max3A_495 = arith.maximumf %max3A_494, %select_n3A_470 : vector<16xf32>
      %max3A_496 = arith.maximumf %max3A_495, %select_n3A_476 : vector<16xf32>
      %max3A_497 = arith.maximumf %max3A_496, %select_n3A_482 : vector<16xf32>
      %sub3A = arith.subf %select_n3A_392, %max3A_497 : vector<16xf32>
      %exp3A = math.exp %sub3A : vector<16xf32>
      %sub3A_498 = arith.subf %select_n3A_398, %max3A_497 : vector<16xf32>
      %exp3A_499 = math.exp %sub3A_498 : vector<16xf32>
      %sub3A_500 = arith.subf %select_n3A_404, %max3A_497 : vector<16xf32>
      %exp3A_501 = math.exp %sub3A_500 : vector<16xf32>
      %sub3A_502 = arith.subf %select_n3A_410, %max3A_497 : vector<16xf32>
      %exp3A_503 = math.exp %sub3A_502 : vector<16xf32>
      %sub3A_504 = arith.subf %select_n3A_416, %max3A_497 : vector<16xf32>
      %exp3A_505 = math.exp %sub3A_504 : vector<16xf32>
      %sub3A_506 = arith.subf %select_n3A_422, %max3A_497 : vector<16xf32>
      %exp3A_507 = math.exp %sub3A_506 : vector<16xf32>
      %sub3A_508 = arith.subf %select_n3A_428, %max3A_497 : vector<16xf32>
      %exp3A_509 = math.exp %sub3A_508 : vector<16xf32>
      %sub3A_510 = arith.subf %select_n3A_434, %max3A_497 : vector<16xf32>
      %exp3A_511 = math.exp %sub3A_510 : vector<16xf32>
      %sub3A_512 = arith.subf %select_n3A_440, %max3A_497 : vector<16xf32>
      %exp3A_513 = math.exp %sub3A_512 : vector<16xf32>
      %sub3A_514 = arith.subf %select_n3A_446, %max3A_497 : vector<16xf32>
      %exp3A_515 = math.exp %sub3A_514 : vector<16xf32>
      %sub3A_516 = arith.subf %select_n3A_452, %max3A_497 : vector<16xf32>
      %exp3A_517 = math.exp %sub3A_516 : vector<16xf32>
      %sub3A_518 = arith.subf %select_n3A_458, %max3A_497 : vector<16xf32>
      %exp3A_519 = math.exp %sub3A_518 : vector<16xf32>
      %sub3A_520 = arith.subf %select_n3A_464, %max3A_497 : vector<16xf32>
      %exp3A_521 = math.exp %sub3A_520 : vector<16xf32>
      %sub3A_522 = arith.subf %select_n3A_470, %max3A_497 : vector<16xf32>
      %exp3A_523 = math.exp %sub3A_522 : vector<16xf32>
      %sub3A_524 = arith.subf %select_n3A_476, %max3A_497 : vector<16xf32>
      %exp3A_525 = math.exp %sub3A_524 : vector<16xf32>
      %sub3A_526 = arith.subf %select_n3A_482, %max3A_497 : vector<16xf32>
      %exp3A_527 = math.exp %sub3A_526 : vector<16xf32>
      %add3A_528 = arith.addf %exp3A, %exp3A_499 : vector<16xf32>
      %add3A_529 = arith.addf %add3A_528, %exp3A_501 : vector<16xf32>
      %add3A_530 = arith.addf %add3A_529, %exp3A_503 : vector<16xf32>
      %add3A_531 = arith.addf %add3A_530, %exp3A_505 : vector<16xf32>
      %add3A_532 = arith.addf %add3A_531, %exp3A_507 : vector<16xf32>
      %add3A_533 = arith.addf %add3A_532, %exp3A_509 : vector<16xf32>
      %add3A_534 = arith.addf %add3A_533, %exp3A_511 : vector<16xf32>
      %add3A_535 = arith.addf %add3A_534, %exp3A_513 : vector<16xf32>
      %add3A_536 = arith.addf %add3A_535, %exp3A_515 : vector<16xf32>
      %add3A_537 = arith.addf %add3A_536, %exp3A_517 : vector<16xf32>
      %add3A_538 = arith.addf %add3A_537, %exp3A_519 : vector<16xf32>
      %add3A_539 = arith.addf %add3A_538, %exp3A_521 : vector<16xf32>
      %add3A_540 = arith.addf %add3A_539, %exp3A_523 : vector<16xf32>
      %add3A_541 = arith.addf %add3A_540, %exp3A_525 : vector<16xf32>
      %add3A_542 = arith.addf %add3A_541, %exp3A_527 : vector<16xf32>
      %div3A = arith.constant 1.000000e+00 : f32
      %div3A_543 = vector.broadcast %div3A : f32 to vector<16xf32>
      %div3A_544 = arith.divf %div3A_543, %add3A_542 : vector<16xf32>
      %add3A_545 = arith.addi %mul3A_18, %broadcast_in_dim3A_20 : vector<16xi32>
      %mul3A_546 = arith.mulf %exp3A, %div3A_544 : vector<16xf32>
      tpu.vector_store_idx %arg6[%add3A_545], %mul3A_546 : memref<4096xf32, #tpu.memory_space<vmem>>[vector<16xi32>], vector<16xf32>,
      %add3A_547 = arith.addi %mul3A_18, %broadcast_in_dim3A_20 : vector<16xi32>
      %jit3A_548 = arith.constant 1.000000e+00 : f32
      %jit3A_549 = arith.constant 0.000000e+00 : f32
      %broadcast_in_dim3A_550 = vector.broadcast %jit3A_548 : f32 to vector<16xf32>
      %broadcast_in_dim3A_551 = vector.broadcast %jit3A_549 : f32 to vector<16xf32>
      %select_n3A_552 = arith.select %select_n3A_391, %broadcast_in_dim3A_550, %broadcast_in_dim3A_551 : vector<16xi1>, vector<16xf32>
      tpu.vector_store_idx %arg7[%add3A_547], %select_n3A_552 : memref<4096xf32, #tpu.memory_space<vmem>>[vector<16xi32>], vector<16xf32>,
      %add3A_553 = arith.addi %mul3A_18, %broadcast_in_dim3A_22 : vector<16xi32>
      %mul3A_554 = arith.mulf %exp3A_499, %div3A_544 : vector<16xf32>
      tpu.vector_store_idx %arg6[%add3A_553], %mul3A_554 : memref<4096xf32, #tpu.memory_space<vmem>>[vector<16xi32>], vector<16xf32>,
      %add3A_555 = arith.addi %mul3A_18, %broadcast_in_dim3A_22 : vector<16xi32>
      %jit3A_556 = arith.constant 1.000000e+00 : f32
      %jit3A_557 = arith.constant 0.000000e+00 : f32
      %broadcast_in_dim3A_558 = vector.broadcast %jit3A_556 : f32 to vector<16xf32>
      %broadcast_in_dim3A_559 = vector.broadcast %jit3A_557 : f32 to vector<16xf32>
      %select_n3A_560 = arith.select %select_n3A_396, %broadcast_in_dim3A_558, %broadcast_in_dim3A_559 : vector<16xi1>, vector<16xf32>
      tpu.vector_store_idx %arg7[%add3A_555], %select_n3A_560 : memref<4096xf32, #tpu.memory_space<vmem>>[vector<16xi32>], vector<16xf32>,
      %add3A_561 = arith.addi %mul3A_18, %broadcast_in_dim3A_24 : vector<16xi32>
      %mul3A_562 = arith.mulf %exp3A_501, %div3A_544 : vector<16xf32>
      tpu.vector_store_idx %arg6[%add3A_561], %mul3A_562 : memref<4096xf32, #tpu.memory_space<vmem>>[vector<16xi32>], vector<16xf32>,
      %add3A_563 = arith.addi %mul3A_18, %broadcast_in_dim3A_24 : vector<16xi32>
      %jit3A_564 = arith.constant 1.000000e+00 : f32
      %jit3A_565 = arith.constant 0.000000e+00 : f32
      %broadcast_in_dim3A_566 = vector.broadcast %jit3A_564 : f32 to vector<16xf32>
      %broadcast_in_dim3A_567 = vector.broadcast %jit3A_565 : f32 to vector<16xf32>
      %select_n3A_568 = arith.select %select_n3A_402, %broadcast_in_dim3A_566, %broadcast_in_dim3A_567 : vector<16xi1>, vector<16xf32>
      tpu.vector_store_idx %arg7[%add3A_563], %select_n3A_568 : memref<4096xf32, #tpu.memory_space<vmem>>[vector<16xi32>], vector<16xf32>,
      %add3A_569 = arith.addi %mul3A_18, %broadcast_in_dim3A_26 : vector<16xi32>
      %mul3A_570 = arith.mulf %exp3A_503, %div3A_544 : vector<16xf32>
      tpu.vector_store_idx %arg6[%add3A_569], %mul3A_570 : memref<4096xf32, #tpu.memory_space<vmem>>[vector<16xi32>], vector<16xf32>,
      %add3A_571 = arith.addi %mul3A_18, %broadcast_in_dim3A_26 : vector<16xi32>
      %jit3A_572 = arith.constant 1.000000e+00 : f32
      %jit3A_573 = arith.constant 0.000000e+00 : f32
      %broadcast_in_dim3A_574 = vector.broadcast %jit3A_572 : f32 to vector<16xf32>
      %broadcast_in_dim3A_575 = vector.broadcast %jit3A_573 : f32 to vector<16xf32>
      %select_n3A_576 = arith.select %select_n3A_408, %broadcast_in_dim3A_574, %broadcast_in_dim3A_575 : vector<16xi1>, vector<16xf32>
      tpu.vector_store_idx %arg7[%add3A_571], %select_n3A_576 : memref<4096xf32, #tpu.memory_space<vmem>>[vector<16xi32>], vector<16xf32>,
      %add3A_577 = arith.addi %mul3A_18, %broadcast_in_dim3A_28 : vector<16xi32>
      %mul3A_578 = arith.mulf %exp3A_505, %div3A_544 : vector<16xf32>
      tpu.vector_store_idx %arg6[%add3A_577], %mul3A_578 : memref<4096xf32, #tpu.memory_space<vmem>>[vector<16xi32>], vector<16xf32>,
      %add3A_579 = arith.addi %mul3A_18, %broadcast_in_dim3A_28 : vector<16xi32>
      %jit3A_580 = arith.constant 1.000000e+00 : f32
      %jit3A_581 = arith.constant 0.000000e+00 : f32
      %broadcast_in_dim3A_582 = vector.broadcast %jit3A_580 : f32 to vector<16xf32>
      %broadcast_in_dim3A_583 = vector.broadcast %jit3A_581 : f32 to vector<16xf32>
      %select_n3A_584 = arith.select %select_n3A_414, %broadcast_in_dim3A_582, %broadcast_in_dim3A_583 : vector<16xi1>, vector<16xf32>
      tpu.vector_store_idx %arg7[%add3A_579], %select_n3A_584 : memref<4096xf32, #tpu.memory_space<vmem>>[vector<16xi32>], vector<16xf32>,
      %add3A_585 = arith.addi %mul3A_18, %broadcast_in_dim3A_30 : vector<16xi32>
      %mul3A_586 = arith.mulf %exp3A_507, %div3A_544 : vector<16xf32>
      tpu.vector_store_idx %arg6[%add3A_585], %mul3A_586 : memref<4096xf32, #tpu.memory_space<vmem>>[vector<16xi32>], vector<16xf32>,
      %add3A_587 = arith.addi %mul3A_18, %broadcast_in_dim3A_30 : vector<16xi32>
      %jit3A_588 = arith.constant 1.000000e+00 : f32
      %jit3A_589 = arith.constant 0.000000e+00 : f32
      %broadcast_in_dim3A_590 = vector.broadcast %jit3A_588 : f32 to vector<16xf32>
      %broadcast_in_dim3A_591 = vector.broadcast %jit3A_589 : f32 to vector<16xf32>
      %select_n3A_592 = arith.select %select_n3A_420, %broadcast_in_dim3A_590, %broadcast_in_dim3A_591 : vector<16xi1>, vector<16xf32>
      tpu.vector_store_idx %arg7[%add3A_587], %select_n3A_592 : memref<4096xf32, #tpu.memory_space<vmem>>[vector<16xi32>], vector<16xf32>,
      %add3A_593 = arith.addi %mul3A_18, %broadcast_in_dim3A_32 : vector<16xi32>
      %mul3A_594 = arith.mulf %exp3A_509, %div3A_544 : vector<16xf32>
      tpu.vector_store_idx %arg6[%add3A_593], %mul3A_594 : memref<4096xf32, #tpu.memory_space<vmem>>[vector<16xi32>], vector<16xf32>,
      %add3A_595 = arith.addi %mul3A_18, %broadcast_in_dim3A_32 : vector<16xi32>
      %jit3A_596 = arith.constant 1.000000e+00 : f32
      %jit3A_597 = arith.constant 0.000000e+00 : f32
      %broadcast_in_dim3A_598 = vector.broadcast %jit3A_596 : f32 to vector<16xf32>
      %broadcast_in_dim3A_599 = vector.broadcast %jit3A_597 : f32 to vector<16xf32>
      %select_n3A_600 = arith.select %select_n3A_426, %broadcast_in_dim3A_598, %broadcast_in_dim3A_599 : vector<16xi1>, vector<16xf32>
      tpu.vector_store_idx %arg7[%add3A_595], %select_n3A_600 : memref<4096xf32, #tpu.memory_space<vmem>>[vector<16xi32>], vector<16xf32>,
      %add3A_601 = arith.addi %mul3A_18, %broadcast_in_dim3A_34 : vector<16xi32>
      %mul3A_602 = arith.mulf %exp3A_511, %div3A_544 : vector<16xf32>
      tpu.vector_store_idx %arg6[%add3A_601], %mul3A_602 : memref<4096xf32, #tpu.memory_space<vmem>>[vector<16xi32>], vector<16xf32>,
      %add3A_603 = arith.addi %mul3A_18, %broadcast_in_dim3A_34 : vector<16xi32>
      %jit3A_604 = arith.constant 1.000000e+00 : f32
      %jit3A_605 = arith.constant 0.000000e+00 : f32
      %broadcast_in_dim3A_606 = vector.broadcast %jit3A_604 : f32 to vector<16xf32>
      %broadcast_in_dim3A_607 = vector.broadcast %jit3A_605 : f32 to vector<16xf32>
      %select_n3A_608 = arith.select %select_n3A_432, %broadcast_in_dim3A_606, %broadcast_in_dim3A_607 : vector<16xi1>, vector<16xf32>
      tpu.vector_store_idx %arg7[%add3A_603], %select_n3A_608 : memref<4096xf32, #tpu.memory_space<vmem>>[vector<16xi32>], vector<16xf32>,
      %add3A_609 = arith.addi %mul3A_18, %broadcast_in_dim3A_36 : vector<16xi32>
      %mul3A_610 = arith.mulf %exp3A_513, %div3A_544 : vector<16xf32>
      tpu.vector_store_idx %arg6[%add3A_609], %mul3A_610 : memref<4096xf32, #tpu.memory_space<vmem>>[vector<16xi32>], vector<16xf32>,
      %add3A_611 = arith.addi %mul3A_18, %broadcast_in_dim3A_36 : vector<16xi32>
      %jit3A_612 = arith.constant 1.000000e+00 : f32
      %jit3A_613 = arith.constant 0.000000e+00 : f32
      %broadcast_in_dim3A_614 = vector.broadcast %jit3A_612 : f32 to vector<16xf32>
      %broadcast_in_dim3A_615 = vector.broadcast %jit3A_613 : f32 to vector<16xf32>
      %select_n3A_616 = arith.select %select_n3A_438, %broadcast_in_dim3A_614, %broadcast_in_dim3A_615 : vector<16xi1>, vector<16xf32>
      tpu.vector_store_idx %arg7[%add3A_611], %select_n3A_616 : memref<4096xf32, #tpu.memory_space<vmem>>[vector<16xi32>], vector<16xf32>,
      %add3A_617 = arith.addi %mul3A_18, %broadcast_in_dim3A_38 : vector<16xi32>
      %mul3A_618 = arith.mulf %exp3A_515, %div3A_544 : vector<16xf32>
      tpu.vector_store_idx %arg6[%add3A_617], %mul3A_618 : memref<4096xf32, #tpu.memory_space<vmem>>[vector<16xi32>], vector<16xf32>,
      %add3A_619 = arith.addi %mul3A_18, %broadcast_in_dim3A_38 : vector<16xi32>
      %jit3A_620 = arith.constant 1.000000e+00 : f32
      %jit3A_621 = arith.constant 0.000000e+00 : f32
      %broadcast_in_dim3A_622 = vector.broadcast %jit3A_620 : f32 to vector<16xf32>
      %broadcast_in_dim3A_623 = vector.broadcast %jit3A_621 : f32 to vector<16xf32>
      %select_n3A_624 = arith.select %select_n3A_444, %broadcast_in_dim3A_622, %broadcast_in_dim3A_623 : vector<16xi1>, vector<16xf32>
      tpu.vector_store_idx %arg7[%add3A_619], %select_n3A_624 : memref<4096xf32, #tpu.memory_space<vmem>>[vector<16xi32>], vector<16xf32>,
      %add3A_625 = arith.addi %mul3A_18, %broadcast_in_dim3A_40 : vector<16xi32>
      %mul3A_626 = arith.mulf %exp3A_517, %div3A_544 : vector<16xf32>
      tpu.vector_store_idx %arg6[%add3A_625], %mul3A_626 : memref<4096xf32, #tpu.memory_space<vmem>>[vector<16xi32>], vector<16xf32>,
      %add3A_627 = arith.addi %mul3A_18, %broadcast_in_dim3A_40 : vector<16xi32>
      %jit3A_628 = arith.constant 1.000000e+00 : f32
      %jit3A_629 = arith.constant 0.000000e+00 : f32
      %broadcast_in_dim3A_630 = vector.broadcast %jit3A_628 : f32 to vector<16xf32>
      %broadcast_in_dim3A_631 = vector.broadcast %jit3A_629 : f32 to vector<16xf32>
      %select_n3A_632 = arith.select %select_n3A_450, %broadcast_in_dim3A_630, %broadcast_in_dim3A_631 : vector<16xi1>, vector<16xf32>
      tpu.vector_store_idx %arg7[%add3A_627], %select_n3A_632 : memref<4096xf32, #tpu.memory_space<vmem>>[vector<16xi32>], vector<16xf32>,
      %add3A_633 = arith.addi %mul3A_18, %broadcast_in_dim3A_42 : vector<16xi32>
      %mul3A_634 = arith.mulf %exp3A_519, %div3A_544 : vector<16xf32>
      tpu.vector_store_idx %arg6[%add3A_633], %mul3A_634 : memref<4096xf32, #tpu.memory_space<vmem>>[vector<16xi32>], vector<16xf32>,
      %add3A_635 = arith.addi %mul3A_18, %broadcast_in_dim3A_42 : vector<16xi32>
      %jit3A_636 = arith.constant 1.000000e+00 : f32
      %jit3A_637 = arith.constant 0.000000e+00 : f32
      %broadcast_in_dim3A_638 = vector.broadcast %jit3A_636 : f32 to vector<16xf32>
      %broadcast_in_dim3A_639 = vector.broadcast %jit3A_637 : f32 to vector<16xf32>
      %select_n3A_640 = arith.select %select_n3A_456, %broadcast_in_dim3A_638, %broadcast_in_dim3A_639 : vector<16xi1>, vector<16xf32>
      tpu.vector_store_idx %arg7[%add3A_635], %select_n3A_640 : memref<4096xf32, #tpu.memory_space<vmem>>[vector<16xi32>], vector<16xf32>,
      %add3A_641 = arith.addi %mul3A_18, %broadcast_in_dim3A_44 : vector<16xi32>
      %mul3A_642 = arith.mulf %exp3A_521, %div3A_544 : vector<16xf32>
      tpu.vector_store_idx %arg6[%add3A_641], %mul3A_642 : memref<4096xf32, #tpu.memory_space<vmem>>[vector<16xi32>], vector<16xf32>,
      %add3A_643 = arith.addi %mul3A_18, %broadcast_in_dim3A_44 : vector<16xi32>
      %jit3A_644 = arith.constant 1.000000e+00 : f32
      %jit3A_645 = arith.constant 0.000000e+00 : f32
      %broadcast_in_dim3A_646 = vector.broadcast %jit3A_644 : f32 to vector<16xf32>
      %broadcast_in_dim3A_647 = vector.broadcast %jit3A_645 : f32 to vector<16xf32>
      %select_n3A_648 = arith.select %select_n3A_462, %broadcast_in_dim3A_646, %broadcast_in_dim3A_647 : vector<16xi1>, vector<16xf32>
      tpu.vector_store_idx %arg7[%add3A_643], %select_n3A_648 : memref<4096xf32, #tpu.memory_space<vmem>>[vector<16xi32>], vector<16xf32>,
      %add3A_649 = arith.addi %mul3A_18, %broadcast_in_dim3A_46 : vector<16xi32>
      %mul3A_650 = arith.mulf %exp3A_523, %div3A_544 : vector<16xf32>
      tpu.vector_store_idx %arg6[%add3A_649], %mul3A_650 : memref<4096xf32, #tpu.memory_space<vmem>>[vector<16xi32>], vector<16xf32>,
      %add3A_651 = arith.addi %mul3A_18, %broadcast_in_dim3A_46 : vector<16xi32>
      %jit3A_652 = arith.constant 1.000000e+00 : f32
      %jit3A_653 = arith.constant 0.000000e+00 : f32
      %broadcast_in_dim3A_654 = vector.broadcast %jit3A_652 : f32 to vector<16xf32>
      %broadcast_in_dim3A_655 = vector.broadcast %jit3A_653 : f32 to vector<16xf32>
      %select_n3A_656 = arith.select %select_n3A_468, %broadcast_in_dim3A_654, %broadcast_in_dim3A_655 : vector<16xi1>, vector<16xf32>
      tpu.vector_store_idx %arg7[%add3A_651], %select_n3A_656 : memref<4096xf32, #tpu.memory_space<vmem>>[vector<16xi32>], vector<16xf32>,
      %add3A_657 = arith.addi %mul3A_18, %broadcast_in_dim3A_48 : vector<16xi32>
      %mul3A_658 = arith.mulf %exp3A_525, %div3A_544 : vector<16xf32>
      tpu.vector_store_idx %arg6[%add3A_657], %mul3A_658 : memref<4096xf32, #tpu.memory_space<vmem>>[vector<16xi32>], vector<16xf32>,
      %add3A_659 = arith.addi %mul3A_18, %broadcast_in_dim3A_48 : vector<16xi32>
      %jit3A_660 = arith.constant 1.000000e+00 : f32
      %jit3A_661 = arith.constant 0.000000e+00 : f32
      %broadcast_in_dim3A_662 = vector.broadcast %jit3A_660 : f32 to vector<16xf32>
      %broadcast_in_dim3A_663 = vector.broadcast %jit3A_661 : f32 to vector<16xf32>
      %select_n3A_664 = arith.select %select_n3A_474, %broadcast_in_dim3A_662, %broadcast_in_dim3A_663 : vector<16xi1>, vector<16xf32>
      tpu.vector_store_idx %arg7[%add3A_659], %select_n3A_664 : memref<4096xf32, #tpu.memory_space<vmem>>[vector<16xi32>], vector<16xf32>,
      %add3A_665 = arith.addi %mul3A_18, %broadcast_in_dim3A_50 : vector<16xi32>
      %mul3A_666 = arith.mulf %exp3A_527, %div3A_544 : vector<16xf32>
      tpu.vector_store_idx %arg6[%add3A_665], %mul3A_666 : memref<4096xf32, #tpu.memory_space<vmem>>[vector<16xi32>], vector<16xf32>,
      %add3A_667 = arith.addi %mul3A_18, %broadcast_in_dim3A_50 : vector<16xi32>
      %jit3A_668 = arith.constant 1.000000e+00 : f32
      %jit3A_669 = arith.constant 0.000000e+00 : f32
      %broadcast_in_dim3A_670 = vector.broadcast %jit3A_668 : f32 to vector<16xf32>
      %broadcast_in_dim3A_671 = vector.broadcast %jit3A_669 : f32 to vector<16xf32>
      %select_n3A_672 = arith.select %select_n3A_480, %broadcast_in_dim3A_670, %broadcast_in_dim3A_671 : vector<16xi1>, vector<16xf32>
      tpu.vector_store_idx %arg7[%add3A_667], %select_n3A_672 : memref<4096xf32, #tpu.memory_space<vmem>>[vector<16xi32>], vector<16xf32>,
    }
    %scan3A_10 = arith.constant 16 : i32
    "tpu.region"() ({
      %run_scoped3A = tpu.sem_alloc : memref<!tpu.dma_semaphore, #tpu.memory_space<semaphore_mem>>
      %dma_start3A = tpu.memref_slice %arg3[%mul3A_2] : memref<131072xf32, #tpu.memory_space<hbm>> -> memref<4096xf32, #tpu.memory_space<hbm>>
      %dma_start3A_11 = tpu.memref_slice %arg3[%mul3A_2] : memref<131072xf32, #tpu.memory_space<hbm>> -> memref<4096xf32, #tpu.memory_space<hbm>>
      tpu.enqueue_dma source(%arg6 : memref<4096xf32, #tpu.memory_space<vmem>>) target(%dma_start3A_11 : memref<4096xf32, #tpu.memory_space<hbm>>) target_semaphore(%run_scoped3A : memref<!tpu.dma_semaphore, #tpu.memory_space<semaphore_mem>>)
      %dma_wait3A = tpu.memref_slice %arg3[%mul3A_2] : memref<131072xf32, #tpu.memory_space<hbm>> -> memref<4096xf32, #tpu.memory_space<hbm>>
      %dma_wait3A_12 = tpu.memref_slice %arg3[%mul3A_2] : memref<131072xf32, #tpu.memory_space<hbm>> -> memref<4096xf32, #tpu.memory_space<hbm>>
      tpu.wait_dma2 semaphore(%run_scoped3A : memref<!tpu.dma_semaphore, #tpu.memory_space<semaphore_mem>>) src(%arg6 : memref<4096xf32, #tpu.memory_space<vmem>>) dst(%dma_wait3A_12 : memref<4096xf32, #tpu.memory_space<hbm>>)
      tpu.yield
    }) : () -> ()
    "tpu.region"() ({
      %run_scoped3A = tpu.sem_alloc : memref<!tpu.dma_semaphore, #tpu.memory_space<semaphore_mem>>
      %dma_start3A = tpu.memref_slice %arg4[%mul3A_2] : memref<131072xf32, #tpu.memory_space<hbm>> -> memref<4096xf32, #tpu.memory_space<hbm>>
      %dma_start3A_11 = tpu.memref_slice %arg4[%mul3A_2] : memref<131072xf32, #tpu.memory_space<hbm>> -> memref<4096xf32, #tpu.memory_space<hbm>>
      tpu.enqueue_dma source(%arg7 : memref<4096xf32, #tpu.memory_space<vmem>>) target(%dma_start3A_11 : memref<4096xf32, #tpu.memory_space<hbm>>) target_semaphore(%run_scoped3A : memref<!tpu.dma_semaphore, #tpu.memory_space<semaphore_mem>>)
      %dma_wait3A = tpu.memref_slice %arg4[%mul3A_2] : memref<131072xf32, #tpu.memory_space<hbm>> -> memref<4096xf32, #tpu.memory_space<hbm>>
      %dma_wait3A_12 = tpu.memref_slice %arg4[%mul3A_2] : memref<131072xf32, #tpu.memory_space<hbm>> -> memref<4096xf32, #tpu.memory_space<hbm>>
      tpu.wait_dma2 semaphore(%run_scoped3A : memref<!tpu.dma_semaphore, #tpu.memory_space<semaphore_mem>>) src(%arg7 : memref<4096xf32, #tpu.memory_space<vmem>>) dst(%dma_wait3A_12 : memref<4096xf32, #tpu.memory_space<hbm>>)
      tpu.yield
    }) : () -> ()
    return
  }
}

module attributes {stable_mosaic.version = 14 : i64} {
  func.func @_logits_body(%arg0: i32, %arg1: memref<1024x2048xf32, #tpu.memory_space<vmem>>, %arg2: memref<2048x16xf32, #tpu.memory_space<vmem>>, %arg3: memref<1x16xf32, #tpu.memory_space<vmem>>, %arg4: memref<1024x16xf32, #tpu.memory_space<vmem>>) attributes {dimension_semantics = [#tpu.dimension_semantics<parallel>], iteration_bounds = array<i64: 8>, scalar_prefetch = 0 : i64, scratch_operands = 0 : i64, tpu.core_type = #tpu.core_type<tc>, window_params = [{transform_indices = @transform_0, window_bounds = array<i64: 1024, 2048>}, {pipeline_mode = #tpu.pipeline_mode<synchronous>, transform_indices = @transform_1, window_bounds = array<i64: 2048, 16>}, {pipeline_mode = #tpu.pipeline_mode<synchronous>, transform_indices = @transform_2, window_bounds = array<i64: 1, 16>}, {transform_indices = @transform_3, window_bounds = array<i64: 1024, 16>}]} {
    %get3A = arith.constant 0 : index
    %get3A_0 = arith.constant 0 : index
    %get3A_1 = vector.load %arg1[%get3A, %get3A_0] : memref<1024x2048xf32, #tpu.memory_space<vmem>>, vector<1024x2048xf32>
    %get3A_2 = arith.constant 0 : index
    %get3A_3 = arith.constant 0 : index
    %get3A_4 = vector.load %arg2[%get3A_2, %get3A_3] : memref<2048x16xf32, #tpu.memory_space<vmem>>, vector<2048x16xf32>
    %get3A_5 = arith.constant 0 : index
    %get3A_6 = arith.constant 0 : index
    %get3A_7 = vector.load %arg3[%get3A_5, %get3A_6] : memref<1x16xf32, #tpu.memory_space<vmem>>, vector<1x16xf32>
    %slice3A = vector.extract_strided_slice %get3A_1 {offsets = [0, 0], sizes = [1024, 128], strides = [1, 1]} : vector<1024x2048xf32> to vector<1024x128xf32>
    %slice3A_8 = vector.extract_strided_slice %get3A_1 {offsets = [0, 0], sizes = [1024, 128], strides = [1, 1]} : vector<1024x2048xf32> to vector<1024x128xf32>
    %mul3A = arith.mulf %slice3A, %slice3A_8 : vector<1024x128xf32>
    %slice3A_9 = vector.extract_strided_slice %get3A_1 {offsets = [0, 128], sizes = [1024, 128], strides = [1, 1]} : vector<1024x2048xf32> to vector<1024x128xf32>
    %mul3A_10 = arith.mulf %slice3A_9, %slice3A_9 : vector<1024x128xf32>
    %add3A = arith.addf %mul3A, %mul3A_10 : vector<1024x128xf32>
    %slice3A_11 = vector.extract_strided_slice %get3A_1 {offsets = [0, 256], sizes = [1024, 128], strides = [1, 1]} : vector<1024x2048xf32> to vector<1024x128xf32>
    %mul3A_12 = arith.mulf %slice3A_11, %slice3A_11 : vector<1024x128xf32>
    %add3A_13 = arith.addf %add3A, %mul3A_12 : vector<1024x128xf32>
    %slice3A_14 = vector.extract_strided_slice %get3A_1 {offsets = [0, 384], sizes = [1024, 128], strides = [1, 1]} : vector<1024x2048xf32> to vector<1024x128xf32>
    %mul3A_15 = arith.mulf %slice3A_14, %slice3A_14 : vector<1024x128xf32>
    %add3A_16 = arith.addf %add3A_13, %mul3A_15 : vector<1024x128xf32>
    %slice3A_17 = vector.extract_strided_slice %get3A_1 {offsets = [0, 512], sizes = [1024, 128], strides = [1, 1]} : vector<1024x2048xf32> to vector<1024x128xf32>
    %mul3A_18 = arith.mulf %slice3A_17, %slice3A_17 : vector<1024x128xf32>
    %add3A_19 = arith.addf %add3A_16, %mul3A_18 : vector<1024x128xf32>
    %slice3A_20 = vector.extract_strided_slice %get3A_1 {offsets = [0, 640], sizes = [1024, 128], strides = [1, 1]} : vector<1024x2048xf32> to vector<1024x128xf32>
    %mul3A_21 = arith.mulf %slice3A_20, %slice3A_20 : vector<1024x128xf32>
    %add3A_22 = arith.addf %add3A_19, %mul3A_21 : vector<1024x128xf32>
    %slice3A_23 = vector.extract_strided_slice %get3A_1 {offsets = [0, 768], sizes = [1024, 128], strides = [1, 1]} : vector<1024x2048xf32> to vector<1024x128xf32>
    %mul3A_24 = arith.mulf %slice3A_23, %slice3A_23 : vector<1024x128xf32>
    %add3A_25 = arith.addf %add3A_22, %mul3A_24 : vector<1024x128xf32>
    %slice3A_26 = vector.extract_strided_slice %get3A_1 {offsets = [0, 896], sizes = [1024, 128], strides = [1, 1]} : vector<1024x2048xf32> to vector<1024x128xf32>
    %mul3A_27 = arith.mulf %slice3A_26, %slice3A_26 : vector<1024x128xf32>
    %add3A_28 = arith.addf %add3A_25, %mul3A_27 : vector<1024x128xf32>
    %slice3A_29 = vector.extract_strided_slice %get3A_1 {offsets = [0, 1024], sizes = [1024, 128], strides = [1, 1]} : vector<1024x2048xf32> to vector<1024x128xf32>
    %mul3A_30 = arith.mulf %slice3A_29, %slice3A_29 : vector<1024x128xf32>
    %add3A_31 = arith.addf %add3A_28, %mul3A_30 : vector<1024x128xf32>
    %slice3A_32 = vector.extract_strided_slice %get3A_1 {offsets = [0, 1152], sizes = [1024, 128], strides = [1, 1]} : vector<1024x2048xf32> to vector<1024x128xf32>
    %mul3A_33 = arith.mulf %slice3A_32, %slice3A_32 : vector<1024x128xf32>
    %add3A_34 = arith.addf %add3A_31, %mul3A_33 : vector<1024x128xf32>
    %slice3A_35 = vector.extract_strided_slice %get3A_1 {offsets = [0, 1280], sizes = [1024, 128], strides = [1, 1]} : vector<1024x2048xf32> to vector<1024x128xf32>
    %mul3A_36 = arith.mulf %slice3A_35, %slice3A_35 : vector<1024x128xf32>
    %add3A_37 = arith.addf %add3A_34, %mul3A_36 : vector<1024x128xf32>
    %slice3A_38 = vector.extract_strided_slice %get3A_1 {offsets = [0, 1408], sizes = [1024, 128], strides = [1, 1]} : vector<1024x2048xf32> to vector<1024x128xf32>
    %mul3A_39 = arith.mulf %slice3A_38, %slice3A_38 : vector<1024x128xf32>
    %add3A_40 = arith.addf %add3A_37, %mul3A_39 : vector<1024x128xf32>
    %slice3A_41 = vector.extract_strided_slice %get3A_1 {offsets = [0, 1536], sizes = [1024, 128], strides = [1, 1]} : vector<1024x2048xf32> to vector<1024x128xf32>
    %mul3A_42 = arith.mulf %slice3A_41, %slice3A_41 : vector<1024x128xf32>
    %add3A_43 = arith.addf %add3A_40, %mul3A_42 : vector<1024x128xf32>
    %slice3A_44 = vector.extract_strided_slice %get3A_1 {offsets = [0, 1664], sizes = [1024, 128], strides = [1, 1]} : vector<1024x2048xf32> to vector<1024x128xf32>
    %mul3A_45 = arith.mulf %slice3A_44, %slice3A_44 : vector<1024x128xf32>
    %add3A_46 = arith.addf %add3A_43, %mul3A_45 : vector<1024x128xf32>
    %slice3A_47 = vector.extract_strided_slice %get3A_1 {offsets = [0, 1792], sizes = [1024, 128], strides = [1, 1]} : vector<1024x2048xf32> to vector<1024x128xf32>
    %mul3A_48 = arith.mulf %slice3A_47, %slice3A_47 : vector<1024x128xf32>
    %add3A_49 = arith.addf %add3A_46, %mul3A_48 : vector<1024x128xf32>
    %slice3A_50 = vector.extract_strided_slice %get3A_1 {offsets = [0, 1920], sizes = [1024, 128], strides = [1, 1]} : vector<1024x2048xf32> to vector<1024x128xf32>
    %mul3A_51 = arith.mulf %slice3A_50, %slice3A_50 : vector<1024x128xf32>
    %add3A_52 = arith.addf %add3A_49, %mul3A_51 : vector<1024x128xf32>
    %reduce_sum3A = arith.constant dense<0.000000e+00> : vector<1024xf32>
    %reduce_sum3A_53 = vector.multi_reduction <add>, %add3A_52, %reduce_sum3A [1] : vector<1024x128xf32> to vector<1024xf32>
    %broadcast_in_dim3A = vector.shape_cast %reduce_sum3A_53 : vector<1024xf32> to vector<1024x1xf32>
    %sqrt3A = math.sqrt %broadcast_in_dim3A : vector<1024x1xf32>
    %max3A = arith.constant 9.99999996E-13 : f32
    %max3A_54 = vector.broadcast %max3A : f32 to vector<1024x1xf32>
    %max3A_55 = arith.maximumf %sqrt3A, %max3A_54 : vector<1024x1xf32>
    %div3A = vector.broadcast %max3A_55 : vector<1024x1xf32> to vector<1024x2048xf32>
    %div3A_56 = arith.divf %get3A_1, %div3A : vector<1024x2048xf32>
    %dot_general3A = arith.constant dense<0.000000e+00> : vector<1024x16xf32>
    %dot_general3A_57 = tpu.matmul %div3A_56, %get3A_4, %dot_general3A {dimension_numbers = #tpu.dot_dimension_numbers<[1], [0], [0], [1], [0, 0, 1, 1], [], []>, transpose_lhs_hint = false} : vector<1024x2048xf32>, vector<2048x16xf32>, vector<1024x16xf32> -> vector<1024x16xf32>
    %sub3A = vector.broadcast %get3A_7 : vector<1x16xf32> to vector<1024x16xf32>
    %sub3A_58 = arith.subf %dot_general3A_57, %sub3A : vector<1024x16xf32>
    %swap3A = arith.constant 0 : index
    %swap3A_59 = arith.constant 0 : index
    %swap3A_60 = vector.load %arg4[%swap3A, %swap3A_59] : memref<1024x16xf32, #tpu.memory_space<vmem>>, vector<1024x16xf32>
    tpu.vector_store %arg4[%swap3A, %swap3A_59], %sub3A_58 {strides = array<i32>} : memref<1024x16xf32, #tpu.memory_space<vmem>>, vector<1024x16xf32>,
    return
  }
  func.func @transform_0(%arg0: i32) -> (i32, i32) {
    %c0_i32 = arith.constant 0 : i32
    %c0_i32_0 = arith.constant 0 : i32
    return %arg0, %c0_i32 : i32, i32
  }
  func.func @transform_1(%arg0: i32) -> (i32, i32) {
    %c0_i32 = arith.constant 0 : i32
    %c0_i32_0 = arith.constant 0 : i32
    %c0_i32_1 = arith.constant 0 : i32
    return %c0_i32, %c0_i32_0 : i32, i32
  }
  func.func @transform_2(%arg0: i32) -> (i32, i32) {
    %c0_i32 = arith.constant 0 : i32
    %c0_i32_0 = arith.constant 0 : i32
    %c0_i32_1 = arith.constant 0 : i32
    return %c0_i32, %c0_i32_0 : i32, i32
  }
  func.func @transform_3(%arg0: i32) -> (i32, i32) {
    %c0_i32 = arith.constant 0 : i32
    %c0_i32_0 = arith.constant 0 : i32
    return %arg0, %c0_i32 : i32, i32
  }
}

</mosaic_0001>

<sc_bundles>
// kernel: kernel.6.cloned.1.call-start
scs
__scs_entry_jumppad:
0x0: {  	(pc) =	sbr.rel $0x88, $3  }
0x1: {  	(tag) =	ssettag $0x0;
	lr =	simm.s32 $0x1  }
0x2: {  	[smem:$0x3F9E] =	sst lr;
	_ =	strace $0xD0000000  }
0x3: {  	_ = 	snop  }
0x4: {  	_ = 	snop  }
0x5: {  	_ = 	snop  }
0x6: {  	_ = 	snop  }
0x7: {  	_ = 	snop  }
__scs_overlays_trampoline_lowered:
0x8: {  	[smem:$0x3FAD] =	sst s0  }
0x9: {  	[smem:$0x3FAE] =	sst s1  }
0xa: {  	[smem:$0x3FAF] =	sst s2  }
0xb: {  	[smem:$0x3FB0] =	sst s3  }
0xc: {  	[smem:$0x3FB1] =	sst s4  }
0xd: {  	[smem:$0x3FB2] =	sst s5  }
0xe: {  	[smem:$0x3FB3] =	sst s6  }
0xf: {  	[smem:$0x3FB4] =	sst s7  }
0x10: {  	[smem:$0x3FB5] =	sst s8  }
0x11: {  	[smem:$0x3FB6] =	sst s9;
	s0 =	simm.s32 @!p0 $0x0  }
0x12: {  	s1 =	sld [smem:$0x3F9C];
	s0 =	simm.s32 @p0 $0x1  }
0x13: {  	[smem:$0x3FB7] =	sst s0;
	s0 =	simm.s32 @!p1 $0x0  }
0x14: {  	s2 =	sld [smem:$0x3F9B];
	s0 =	simm.s32 @p1 $0x1  }
0x15: {  	[smem:$0x3FB8] =	sst s0;
	s0 =	simm.s32 @!p2 $0x0  }
0x16: {  	s3 =	sld [smem:$0x3FDB];
	s0 =	simm.s32 @p2 $0x1  }
0x17: {  	s4 =	simm.s32 $0x1BF5;
	[smem:$0x3FBA] =	sst s0  }
0x18: {  	s0 =	sld [smem:$0x3F9D];
	_ =	swait.ge [sflag:s4], $0x0  }
0x19: {  	s7 =	sld [smem:$0x3F9E]  }
0x1a: {  	s8 =	sadd.s32 $0xFFFFE003, lr  }
0x1b: {  	s9 =	sadd.s32 $0xFFFFFEF7, lr;
	s5 =	simm.s32 $0xFFFFFFFF;
	p2 =	slt.u32 s8, $0xFFFFF086  }
0x1c: {  	p1 =	slt.u32 s9, $0xF7A;
	s5 =	simm.s32 @!p2 $0x0  }
0x1d: {  	s5 =	simm.s32 @p1 $0x1;
	p0 =	seq.s32 s7, s2  }
0x1e: {  	s7 =	smul.u32 @!p0 $0xF7A, s2;
	p2 =	seq.s32 @!p0 s5, $0x0  }
0x1f: {  	s9 =	smul.u32 $0xF7A, s1;
	s8 =	simm.s32 @!p0 $0x1BF5;
	p2 =	por !p2, p0  }
0x20: {  	[sflag:s8] =	ssyncset.s32 @!p0 $0xFFFFF086;
	s6 =	sadd.s32 @!p0 s3, s7;
	s7 =	simm.s32 @!p0 $0x108  }
0x21: {  	s3 =	sadd.s32 s3, s9;
	s6 =	sadd.s32 @!p0 $0x88, s6;
	s7 =	simm.s32 @p2 $0x1082  }
0x22: {  	[simem:s7], [sflag:s8] =	dma.local @!p0 [hbm:s6], $0xF7A  }
0x23: {  	s9 =	sor.u32 $0xD0000000, s2;
	s6 =	simm.s32 $0x108;
	_ =	swait.ge @!p0 [sflag:s8], $0x0  }
0x24: {  	s3 =	sadd.s32 $0x88, s3;
	s6 =	simm.s32 @!p1 $0x1082;
	[sflag:s4] =	ssyncset.s32 $0xFFFFF086  }
0x25: {  	[simem:s6], [sflag:s4] =	dma.local [hbm:s3], $0xF7A  }
0x26: {  	[smem:$0x3F9E] =	sst s1;
	(tag) =	ssettag s2;
	_ =	strace s9  }
0x27: {  	s1 =	sld [smem:$0x3FAE]  }
0x28: {  	s2 =	sld [smem:$0x3FAF]  }
0x29: {  	s4 =	sld [smem:$0x3FB1]  }
0x2a: {  	p0 =	seq.s32 s5, $0x0;
	s5 =	sld [smem:$0x3FB2]  }
0x2b: {  	s6 =	sld [smem:$0x3FB3]  }
0x2c: {  	s7 =	sld [smem:$0x3FB4]  }
0x2d: {  	s3 =	simm.s32 $0x108;
	s8 =	sld [smem:$0x3FB5]  }
0x2e: {  	s3 =	simm.s32 @!p0 $0x1082;
	s9 =	sld [smem:$0x3FB6]  }
0x2f: {  	lr =	sadd.s32 s0, s3;
	s0 =	sld [smem:$0x3FAD]  }
0x30: {  	s3 =	sld [smem:$0x3FB0]  }
0x31: {  	[smem:$0x3FB9] =	sst s10  }
0x32: {  	s10 =	sld [smem:$0x3FB7];
	_ =	sdelay $0x3  }
0x33: {  	p0 =	seq.s32 s10, $0x1;
	s10 =	sld [smem:$0x3FB9];
	_ =	sdelay $0x3  }
0x34: {  	[smem:$0x3FB9] =	sst s10  }
0x35: {  	s10 =	sld [smem:$0x3FB8];
	_ =	sdelay $0x3  }
0x36: {  	p1 =	seq.s32 s10, $0x1;
	s10 =	sld [smem:$0x3FB9];
	_ =	sdelay $0x3  }
0x37: {  	[smem:$0x3FB9] =	sst s10  }
0x38: {  	s10 =	sld [smem:$0x3FBA]  }
0x39: {  	_ = 	snop;
	(pc) =	sbr.ind lr, $3  }
0x3a: {  	_ = 	snop  }
0x3b: {  	_ = 	snop  }
0x3c: {  	p2 =	seq.s32 s10, $0x1;
	s10 =	sld [smem:$0x3FB9]  }
0x3d: {  	_ =	shalt  }
0x3e: {  	_ =	shalt  }
0x3f: {  	_ =	shalt  }
0x40: {  	_ =	shalt  }
0x41: {  	_ =	shalt  }
0x42: {  	_ =	shalt  }
0x43: {  	_ =	shalt  }
0x44: {  	_ =	shalt  }
0x45: {  	_ =	shalt  }
0x46: {  	_ =	shalt  }
0x47: {  	_ =	shalt  }
0x48: {  	_ =	shalt  }
0x49: {  	_ =	shalt  }
0x4a: {  	_ =	shalt  }
0x4b: {  	_ =	shalt  }
0x4c: {  	_ =	shalt  }
0x4d: {  	_ =	shalt  }
0x4e: {  	_ =	shalt  }
0x4f: {  	_ =	shalt  }
0x50: {  	_ =	shalt  }
0x51: {  	_ =	shalt  }
0x52: {  	_ =	shalt  }
0x53: {  	_ =	shalt  }
0x54: {  	_ =	shalt  }
0x55: {  	_ =	shalt  }
0x56: {  	_ =	shalt  }
0x57: {  	_ =	shalt  }
0x58: {  	_ =	shalt  }
0x59: {  	_ =	shalt  }
0x5a: {  	_ =	shalt  }
0x5b: {  	_ =	shalt  }
0x5c: {  	_ =	shalt  }
0x5d: {  	_ =	shalt  }
0x5e: {  	_ =	shalt  }
0x5f: {  	_ =	shalt  }
0x60: {  	_ =	shalt  }
0x61: {  	_ =	shalt  }
0x62: {  	_ =	shalt  }
0x63: {  	_ =	shalt  }
0x64: {  	_ =	shalt  }
0x65: {  	_ =	shalt  }
0x66: {  	_ =	shalt  }
0x67: {  	_ =	shalt  }
0x68: {  	_ =	shalt  }
0x69: {  	_ =	shalt  }
0x6a: {  	_ =	shalt  }
0x6b: {  	_ =	shalt  }
0x6c: {  	_ =	shalt  }
0x6d: {  	_ =	shalt  }
0x6e: {  	_ =	shalt  }
0x6f: {  	_ =	shalt  }
0x70: {  	_ =	shalt  }
0x71: {  	_ =	shalt  }
0x72: {  	_ =	shalt  }
0x73: {  	_ =	shalt  }
0x74: {  	_ =	shalt  }
0x75: {  	_ =	shalt  }
0x76: {  	_ =	shalt  }
0x77: {  	_ =	shalt  }
0x78: {  	_ =	shalt  }
0x79: {  	_ =	shalt  }
0x7a: {  	_ =	shalt  }
0x7b: {  	_ =	shalt  }
0x7c: {  	_ =	shalt  }
0x7d: {  	_ =	shalt  }
0x7e: {  	_ =	shalt  }
0x7f: {  	_ =	shalt  }
0x80: {  	_ =	shalt  }
0x81: {  	_ =	shalt  }
0x82: {  	_ =	shalt  }
0x83: {  	_ =	shalt  }
0x84: {  	_ =	shalt  }
0x85: {  	_ =	shalt  }
0x86: {  	_ =	shalt  }
0x87: {  	_ =	shalt  }
.Lfunc_end0:
.L_simem_size_0:
called_computation_lowered:
.L_overlay_start_0:
0x88: {  	s2 =	sld [smem:$0x3FD9]  }
0x89: {  	s3 =	sld [smem:$0x3FFE];
	_ =	sdelay $0x1  }
0x8a: {  	s1 =	srdreg.scid  }
0x8b: {  	s0 =	sand.u32 $0x1, s1  }
0x8c: {  	s15 =	sshll.u32 s0, $0xA;
	s2 =	sadd.s32 s3, s2  }
0x8d: {  	s2 =	sadd.s32 s2, s15  }
0x8e: {  	[smem:$0x3FC5] =	sst s2  }
0x8f: {  	_ = 	snop  }
0x90: {  	s2 =	sld [smem:$0x3FD0];
	_ =	sdelay $0x2  }
0x91: {  	s4 =	simm.s32 $0xB;
	s16 =	simm.s32 $0x10  }
0x92: {  	[smem:s16], [sflag:s4] =	dma.local [hbm:s2], $0x1  }
0x93: {  	_ =	swait.eq [sflag:s4], $0x1  }
0x94: {  	[sflag:s4] =	ssyncset.done $0x0  }
0x95: {  	s17 =	sld [smem:$0x10];
	[sflag:s4] =	ssyncadd.s32 $0xFFFFFFFF  }
0x96: {  	s18 =	sld [smem:$0x11];
	(tm) =	ssettm $0x1  }
0x97: {  	s19 =	sld [smem:$0x3FFB];
	_ =	sdelay $0x3  }
0x98: {  	_ =	strace s19  }
0x99: {  	s2 =	sld [smem:$0x3FFC];
	_ =	sdelay $0x3  }
0x9a: {  	_ =	strace s2  }
0x9b: {  	s2 =	sld [smem:$0x3FFD];
	_ =	sdelay $0x3  }
0x9c: {  	_ =	strace s2  }
0x9d: {  	_ =	strace $0x8FFFFFFF  }
0x9e: {  	s20 =	sld [smem:$0x3FDB];
	_ =	sdelay $0x1  }
0x9f: {  	s5 =	simm.s32 $_scs_section_size  }
0xa0: {  	s6 =	simm.s32 $_size__tile_overlayer_lowered;
	s7 =	simm.s32 $_tile_overlayer_lowered  }
0xa1: {  	s8 =	simm.s32 $0x1BFF;
	s21 =	sshll.u32 s7, $0x1;
	s5 =	sadd.s32 s5, s20  }
0xa2: {  	s22 =	simm.s32 $0x0;
	s6 =	sshll.u32 s6, $0x1;
	s7 =	sadd.s32 s21, s5  }
0xa3: {  	[timem:s22], [sflag:s8] =	dma.local [hbm:s7], s6  }
0xa4: {  	_ =	swait.ge [sflag:s8], s6  }
0xa5: {  	s6 =	ssub.s32 $0x0, s6;
	[sflag:s8] =	ssyncset.done $0x0  }
0xa6: {  	[sflag:s8] =	ssyncadd.s32 s6;
	_ =	sdelay $0x1  }
0xa7: {  	s23 =	simm.s32 $0x1B8B  }
0xa8: {  	_ =	swait.ge [sflag:s23], $0x1  }
0xa9: {  	[sflag:s23] =	ssyncset.done $0x0  }
0xaa: {  	[sflag:s23] =	ssyncadd.s32 $0xFFFFFFFF  }
0xab: {  	s6 =	sld [smem:$0x0]  }
0xac: {  	s7 =	sand.u32 $0xFFFFFFFE, s1  }
0xad: {  	p0 =	sne.s32 s1, s7  }
0xae: {  	s7 =	sshll.u32 @p0 s7, $0xE  }
0xaf: {  	s7 =	sadd.s32 @p0 $0x11B8D, s7;
	s8 =	sshll.u32 @p0 s6, $0x11  }
0xb0: {  	s7 =	sor.u32 @p0 s8, s7  }
0xb1: {  	[sflag:s7] =	ssyncadd.remote.s32 @p0 $0x1;
	_ =	sdelay $0x1  }
0xb2: {  	s7 =	simm.s32 @p0 $0x1B8D  }
0xb3: {  	_ =	swait.eq @p0 [sflag:s7], $0x1  }
0xb4: {  	[sflag:s7] =	ssyncadd.s32 @p0 $0xFFFFFFFF  }
0xb5: {  	s8 =	sshll.u32 @!p0 s1, $0xE  }
0xb6: {  	s8 =	sor.u32 @!p0 $0x4000, s8;
	s7 =	simm.s32 @!p0 $0x1B8D  }
0xb7: {  	s6 =	sshll.u32 @!p0 s6, $0x11;
	s8 =	sadd.s32 @!p0 $0x11B8D, s8;
	_ =	swait.eq @!p0 [sflag:s7], $0x1  }
0xb8: {  	s6 =	sor.u32 @!p0 s6, s8;
	[sflag:s7] =	ssyncadd.s32 @!p0 $0xFFFFFFFF  }
0xb9: {  	s25 =	simm.s32 $0x1B8E;
	s24 =	sld [smem:$0x3FFE];
	[sflag:s6] =	ssyncadd.remote.s32 @!p0 $0x1  }
0xba: {  	s26 =	simm.s32 $execute0_lowered;
	[smem:$0x3FD2] =	sst s25  }
0xbb: {  	s7 =	sshll.u32 s26, $0x1;
	_ =	strace $0x80000049;
	[dreg:$0x1] =	wrdreg $0xFFFFFFFF  }
0xbc: {  	s28 =	simm.s32 $_size_execute0_lowered;
	s5 =	sadd.s32 s5, s7;
	[dreg:$0x0] =	wrdreg $0x0  }
0xbd: {  	s7 =	sshll.u32 s28, $0x1;
	[dreg:$0x2] =	wrdreg s5  }
0xbe: {  	[dreg:$0x3] =	wrdreg s7  }
0xbf: {  	[dreg:$0x4] =	wrdreg $0xC0  }
0xc0: {  	_ =	task [dreg:s22], $0x5FFFF  }
0xc1: {  	[dreg:$0x1] =	wrdreg $0xFFFFFFFF  }
0xc2: {  	[dreg:$0x0] =	wrdreg $0x60  }
0xc3: {  	[dreg:$0x2] =	wrdreg s18  }
0xc4: {  	[dreg:$0x3] =	wrdreg s17  }
0xc5: {  	[dreg:$0x4] =	wrdreg s24  }
0xc6: {  	[dreg:$0x5] =	wrdreg $0x9  }
0xc7: {  	_ =	task.clear_ibuf [dreg:s22], $0x6FFFF;
	_ =	strace $0x90000049  }
0xc8: {  	s29 =	simm.s32 $0x9;
	_ =	strace $0x8000004B  }
0xc9: {  	_ =	swait.ge [sflag:s29], $0x1  }
0xca: {  	[sflag:s29] =	ssyncadd.s32 $0xFFFFFFFF  }
0xcb: {  	_ =	strace $0x9000004B  }
0xcc: {  	_ =	sfence  }
0xcd: {  	s30 =	sld [smem:$0x0];
	_ =	sdelay $0x2  }
0xce: {  	s31 =	sshll.u32 s1, $0xD;
	s1 =	sshrl.u32 s1, $0x2  }
0xcf: {  	s4 =	sand.u32 $0x4000, s31;
	s1 =	sadd.s32 s1, s30  }
0xd0: {  	s0 =	sor.u32 s4, s0;
	s1 =	sshll.u32 s1, $0x11  }
0xd1: {  	s0 =	sor.u32 s1, s0  }
0xd2: {  	s0 =	sadd.s32 $0x8F2B, s0  }
0xd3: {  	[sflag:s0] =	ssyncadd.remote.s32 $0x1  }
0xd4: {  	_ =	sfence.sel $0xFFFF  }
0xd5: {  	[dreg:$0x0] =	wrdreg $0xFFFFFFFF;
	(pc) =	sbr.abs _section_cstart, $3  }
0xd6: {  	[dreg:$0x1] =	wrdreg $0xFFFFFFFF  }
0xd7: {  	_ =	task.clear_ibuf [dreg:s22], $0x2FFFF;
	_ =	strace $0x9FFFFFFF  }
0xd8: {  	(tm) =	ssettm $0x7FFFFFFF  }
0xd9: {  	_ =	shalt  }
tec
execute0_lowered:
.L_overlay_start_1:
0x0: {  	(tag) =	ssettag $0x1  }
0x1: {  	s3 =	rddreg [dreg:$0x0]  }
0x2: {  	s4 =	rddreg [dreg:$0x1]  }
0x3: {  	s5 =	rddreg [dreg:$0x2];
	s2 =	srdreg.scid  }
0x4: {  	s0 =	rddreg [dreg:$0x3];
	s1 =	stileid.u32;
	s9 =	simm.s32 $0x2000  }
0x5: {  	s10 =	simm.s32 $0x0;
	s6 =	sand.u32 $0x1, s2;
	s2 =	simm.s32 $0x0  }
0x6: {  	s7 =	sshll.u32 s1, $0xA;
	s8 =	sshll.u32 s6, $0x9;
	[smem:$0x7FF] =	sst s2  }
0x7: {  	s6 =	ssub.s32 $0x2, s6;
	s7 =	sor.u32 s8, s7;
	_ =	strace $0x8000004A  }
0x8: {  	s31 =	sshrl.u32 s6, $0x1;
	s8 =	simm.s32 $0x1000;
	s5 =	sadd.s32 s7, s5  }
0x9: {  	v0 =	vlaneseq.u32;
	s6 =	ssub.s32 s6, s31;
	s3 =	sadd.s32 s3, s7;
	s4 =	sadd.s32 s4, s7  }
0xa: {  	v1 =	vimm.f32 $0.0e+00;
	v2 =	vimm.s32 $0x0;
	v0 =	vmul.u32 $0x10, v0;
	s7 =	simm.s32 $0x1;
	s5 =	sadd.s32 $0x9200, s5;
	s6 =	smax.u32 s6, $0x1  }
.LBB2_1:
0xb: {  	[tilespmem:s2], [sflag:$0x1] =	stream.linear.gather [hbm4b:s3+s2], $0x1000, $0x38;
	[tilespmem:$0x3000] =	vst v63  }
0xc: {  	_ =	swait.ge [sflag:s7], $0x1000  }
0xd: {  	[sflag:s7] =	ssyncset.done $0x0  }
0xe: {  	s11 =	simm.s32 $0x0;
	[sflag:s7] =	ssyncadd.s32 $0xFFFFF000  }
.LBB2_2:
0xf: {  	v3 =	vmov s11  }
0x10: {  	v3 =	vshll.u32 v3, $0x4  }
0x11: {  	v18 =	vor.u32 v0, v3  }
0x12: {  	v17 =	vor.u32 $0x1, v18  }
0x13: {  	v16 =	vor.u32 $0x2, v18  }
0x14: {  	v15 =	vor.u32 $0x3, v18  }
0x15: {  	v14 =	vor.u32 $0x4, v18  }
0x16: {  	v13 =	vor.u32 $0x5, v18;
	v25 =	vld.idx.msk [tilespmem:v18+s2+$0x0], $0xffff  }
0x17: {  	v12 =	vor.u32 $0x6, v18;
	v28 =	vld.idx.msk [tilespmem:v17+s2+$0x0], $0xffff  }
0x18: {  	v11 =	vor.u32 $0x7, v18;
	v26 =	vld.idx.msk [tilespmem:v16+s2+$0x0], $0xffff  }
0x19: {  	v10 =	vor.u32 $0x8, v18;
	v27 =	vld.idx.msk [tilespmem:v15+s2+$0x0], $0xffff  }
0x1a: {  	v9 =	vor.u32 $0x9, v18;
	v24 =	vld.idx.msk [tilespmem:v14+s2+$0x0], $0xffff  }
0x1b: {  	v23 =	vld.idx.msk [tilespmem:v13+s2+$0x0], $0xffff  }
0x1c: {  	v42 =	vimm.s32 $0x0;
	v32 =	vimm.s32 $0x0;
	v44 =	vimm.s32 $0x0;
	v20 =	vld.idx.msk [tilespmem:v12+s2+$0x0], $0xffff  }
0x1d: {  	v45 =	vimm.s32 $0x0;
	v37 =	vimm.s32 $0x0;
	v48 =	vimm.s32 $0x0;
	v19 =	vld.idx.msk [tilespmem:v11+s2+$0x0], $0xffff  }
0x1e: {  	v39 =	vimm.s32 $0x0;
	v51 =	vimm.s32 $0x0;
	v41 =	vimm.s32 $0x0;
	v21 =	vld.idx.msk [tilespmem:v10+s2+$0x0], $0xffff  }
0x1f: {  	v8 =	vor.u32 $0xA, v18;
	v5 =	vor.u32 $0xB, v18;
	v6 =	vor.u32 $0xC, v18;
	v22 =	vld.idx.msk [tilespmem:v9+s2+$0x0], $0xffff  }
0x20: {  	v7 =	vor.u32 $0xD, v18;
	vm6 =	vgt.f32 v25, $0.0e+00;
	vm0 =	vgt.f32 v25, $-Inf  }
0x21: {  	vm8 =	vgt.f32 v28, $0.0e+00;
	v3 =	vsel vm6, $0x3F800000, v1;
	vm10 =	vgt.f32 v26, $0.0e+00  }
0x22: {  	vm7 =	vgt.f32 v27, $0.0e+00;
	vm14 =	vgt.f32 v24, $0.0e+00;
	vm15 =	vgt.f32 v23, $0.0e+00  }
0x23: {  	vm9 =	vgt.f32 v20, $0.0e+00;
	vm13 =	vgt.f32 v19, $0.0e+00;
	vm3 =	vgt.f32 v21, $0.0e+00  }
0x24: {  	vm5 =	vgt.f32 v22, $0.0e+00;
	v36 =	vnsel vm0, $0xFF800000, v25;
	vm4 =	vlt.f32 v28, $-Inf  }
0x25: {  	vm2 =	vgt.f32 v28, $-Inf;
	v25 =	vmax.f32 v25, $0.0e+00;
	v4 =	vsel vm8, $0x3F800000, v1  }
0x26: {  	v30 =	vsel vm10, $0x3F800000, v1;
	v31 =	vsel vm7, $0x3F800000, v1;
	v32 =	vsel vm13, $0xFFFFFFFF, v32  }
0x27: {  	v33 =	vsel vm14, $0x3F800000, v1;
	v35 =	vsel vm15, $0x3F800000, v1;
	vm0 =	vgt.f32 v28, v36  }
0x28: {  	vm2 =	vmor vm2, vm4;
	v46 =	vsel vm9, $0x3F800000, v1;
	v49 =	vsel vm13, $0x3F800000, v1  }
0x29: {  	v52 =	vsel vm3, $0x3F800000, v1;
	vm13 =	vmmov vm3;
	v29 =	vadd.f32 v4, v3  }
0x2a: {  	v53 =	vsel vm5, $0x3F800000, v1;
	v4 =	vor.u32 $0xE, v18;
	v3 =	vor.u32 $0xF, v18  }
0x2b: {  	[tilespmem:$0x1FF40] =	vst v32;
	v32 =	vld.idx.msk [tilespmem:v7+s2+$0x0], $0xffff;
	vm1 =	vmneg vm0;
	v30 =	vadd.f32 v30, v29;
	v29 =	vsel vm9, $0xFFFFFFFF, v42  }
0x2c: {  	v38 =	vnsel vm2, $0xFF800000, v28;
	v50 =	vsel vm0, $0x1, v2;
	vm4 =	vmand vm2, vm1;
	[tilespmem:$0x1FF30] =	vst v29;
	v29 =	vld.idx.msk [tilespmem:v8+s2+$0x0], $0xffff  }
0x2d: {  	v38 =	vsel vm1, v38, v36;
	v36 =	vsel vm1, v36, v28;
	v28 =	vmax.f32 v28, $0.0e+00  }
0x2e: {  	vm0 =	vgt.f32 v26, v38;
	v43 =	vadd.f32 v31, v30;
	v30 =	vld.idx.msk [tilespmem:v5+s2+$0x0], $0xffff;
	v31 =	vsel vm5, $0xFFFFFFFF, v44  }
0x2f: {  	v47 =	vsel vm4, $0x1, v2;
	v42 =	vimm.s32 $0x0;
	v38 =	vsel vm0, v26, v38;
	[tilespmem:$0x1FF50] =	vst v31;
	v31 =	vld.idx.msk [tilespmem:v6+s2+$0x0], $0xffff  }
0x30: {  	v44 =	vimm.s32 $0x0;
	vm2 =	vgt.f32 v32, $0.0e+00;
	v34 =	vadd.f32 v33, v43  }
0x31: {  	v33 =	vld.idx.msk [tilespmem:v4+s2+$0x0], $0xffff;
	v39 =	vsel vm2, $0xFFFFFFFF, v39;
	v57 =	vsel vm2, $0x3F800000, v1;
	vm11 =	vgt.f32 v29, $0.0e+00  }
0x32: {  	v43 =	vimm.s32 $0x0;
	v34 =	vadd.f32 v35, v34;
	v35 =	vsel vm11, $0xFFFFFFFF, v45  }
0x33: {  	vm12 =	vgt.f32 v30, $0.0e+00;
	v54 =	vsel vm11, $0x3F800000, v1;
	v45 =	vimm.s32 $0x0  }
0x34: {  	v37 =	vsel vm12, $0xFFFFFFFF, v37;
	v34 =	vadd.f32 v46, v34;
	vm4 =	vgt.f32 v31, $0.0e+00  }
0x35: {  	[tilespmem:$0x1FF60] =	vst v35;
	v35 =	vsel vm0, $0x2, v47;
	vm0 =	vgt.f32 v26, v36;
	v55 =	vsel vm12, $0x3F800000, v1  }
0x36: {  	[tilespmem:$0x1FF70] =	vst v37;
	v37 =	vsel vm4, $0xFFFFFFFF, v48;
	vm9 =	vgt.f32 v33, $0.0e+00;
	v35 =	vsel vm0, v50, v35  }
0x37: {  	v38 =	vsel vm0, v36, v38;
	v36 =	vsel vm0, v26, v36;
	v56 =	vsel vm4, $0x3F800000, v1  }
0x38: {  	v26 =	vmax.f32 v26, $0.0e+00;
	[tilespmem:$0x1FF80] =	vst v37;
	v37 =	vsel vm0, $0x2, v50;
	vm5 =	vgt.f32 v27, v38  }
0x39: {  	v35 =	vsel vm5, $0x3, v35;
	v38 =	vsel vm5, v27, v38;
	vm5 =	vgt.f32 v27, v36  }
0x3a: {  	v34 =	vadd.f32 v49, v34;
	v35 =	vsel vm5, v37, v35;
	v38 =	vsel vm5, v36, v38  }
0x3b: {  	v37 =	vsel vm5, $0x3, v37;
	v36 =	vsel vm5, v27, v36;
	vm5 =	vgt.f32 v24, v38  }
0x3c: {  	v35 =	vsel vm5, $0x4, v35;
	v38 =	vsel vm5, v24, v38;
	vm5 =	vgt.f32 v24, v36  }
0x3d: {  	v34 =	vadd.f32 v52, v34;
	v35 =	vsel vm5, v37, v35;
	v38 =	vsel vm5, v36, v38  }
0x3e: {  	v37 =	vsel vm5, $0x4, v37;
	v36 =	vsel vm5, v24, v36;
	vm5 =	vgt.f32 v23, v38  }
0x3f: {  	[tilespmem:$0x1FF90] =	vst v39;
	v39 =	vsel vm9, $0xFFFFFFFF, v51;
	vm11 =	vgt.f32 v23, v36;
	v38 =	vsel vm5, v23, v38  }
0x40: {  	v34 =	vadd.f32 v53, v34;
	v35 =	vsel vm5, $0x5, v35;
	v38 =	vsel vm11, v36, v38  }
0x41: {  	v35 =	vsel vm11, v37, v35;
	v36 =	vsel vm11, v23, v36;
	vm5 =	vgt.f32 v20, v38  }
0x42: {  	v37 =	vsel vm11, $0x5, v37;
	vm11 =	vgt.f32 v20, v36;
	v38 =	vsel vm5, v20, v38  }
0x43: {  	v60 =	vsel vm9, $0x3F800000, v1;
	v27 =	vmax.f32 v27, $0.0e+00;
	v38 =	vsel vm11, v36, v38  }
0x44: {  	v34 =	vadd.f32 v54, v34;
	v36 =	vsel vm11, v20, v36;
	vm12 =	vgt.f32 v19, v38  }
0x45: {  	v35 =	vsel vm5, $0x6, v35;
	vm5 =	vgt.f32 v19, v36;
	v38 =	vsel vm12, v19, v38  }
0x46: {  	v34 =	vadd.f32 v55, v34;
	v35 =	vsel vm11, v37, v35;
	v38 =	vsel vm5, v36, v38  }
0x47: {  	v37 =	vsel vm11, $0x6, v37;
	v36 =	vsel vm5, v19, v36;
	vm11 =	vgt.f32 v21, v38  }
0x48: {  	v35 =	vsel vm12, $0x7, v35;
	vm12 =	vgt.f32 v21, v36;
	v38 =	vsel vm11, v21, v38  }
0x49: {  	v34 =	vadd.f32 v56, v34;
	v35 =	vsel vm5, v37, v35;
	v38 =	vsel vm12, v36, v38  }
0x4a: {  	v37 =	vsel vm5, $0x7, v37;
	v36 =	vsel vm12, v21, v36;
	vm4 =	vgt.f32 v22, v38  }
0x4b: {  	v35 =	vsel vm11, $0x8, v35;
	vm5 =	vgt.f32 v22, v36;
	v38 =	vsel vm4, v22, v38  }
0x4c: {  	[tilespmem:$0x1FFA0] =	vst v39;
	v39 =	vadd.f32 v57, v34;
	v35 =	vsel vm12, v37, v35;
	v38 =	vsel vm5, v36, v38  }
0x4d: {  	v37 =	vsel vm12, $0x8, v37;
	v36 =	vsel vm5, v22, v36;
	vm11 =	vgt.f32 v29, v38  }
0x4e: {  	v35 =	vsel vm4, $0x9, v35;
	vm12 =	vgt.f32 v29, v36;
	v38 =	vsel vm11, v29, v38  }
0x4f: {  	v35 =	vsel vm5, v37, v35;
	v37 =	vsel vm5, $0x9, v37;
	v38 =	vsel vm12, v36, v38  }
0x50: {  	v35 =	vsel vm11, $0xA, v35;
	v36 =	vsel vm12, v29, v36;
	vm4 =	vgt.f32 v30, v38  }
0x51: {  	v35 =	vsel vm12, v37, v35;
	vm5 =	vgt.f32 v30, v36;
	v38 =	vsel vm4, v30, v38  }
0x52: {  	v37 =	vsel vm12, $0xA, v37;
	v35 =	vsel vm4, $0xB, v35;
	v59 =	vsel vm5, v36, v38  }
0x53: {  	v61 =	vld.idx.msk [tilespmem:v3+s2+$0x0], $0xffff;
	v58 =	vsel vm5, v37, v35;
	v36 =	vsel vm5, v30, v36;
	vm11 =	vgt.f32 v31, v59  }
0x54: {  	v37 =	vsel vm5, $0xB, v37;
	vm12 =	vgt.f32 v31, v36;
	v35 =	vsel vm11, v31, v59  }
0x55: {  	v38 =	vadd.f32 v60, v39;
	v34 =	vsel vm11, $0xC, v58;
	v35 =	vsel vm12, v36, v35  }
0x56: {  	v40 =	vsel vm12, v37, v34;
	v36 =	vsel vm12, v31, v36;
	vm4 =	vgt.f32 v32, v35  }
0x57: {  	v37 =	vsel vm12, $0xC, v37;
	vm5 =	vgt.f32 v32, v36;
	v35 =	vsel vm4, v32, v35  }
0x58: {  	v40 =	vsel vm4, $0xD, v40;
	vm4 =	vgt.f32 v61, $0.0e+00;
	v35 =	vsel vm5, v36, v35  }
0x59: {  	v62 =	vsel vm5, v37, v40;
	v36 =	vsel vm5, v32, v36;
	vm9 =	vgt.f32 v33, v35  }
0x5a: {  	v37 =	vsel vm5, $0xD, v37;
	vm11 =	vgt.f32 v33, v36;
	v35 =	vsel vm9, v33, v35  }
0x5b: {  	v63 =	vsel vm4, $0x3F800000, v1;
	v39 =	vsel vm9, $0xE, v62;
	v35 =	vsel vm11, v36, v35  }
0x5c: {  	v39 =	vsel vm11, v37, v39;
	v36 =	vsel vm11, v33, v36;
	vm12 =	vgt.f32 v61, v35  }
0x5d: {  	v37 =	vsel vm11, $0xE, v37;
	vm5 =	vgt.f32 v61, v36;
	v35 =	vsel vm12, $0xF, v39  }
0x5e: {  	v40 =	vadd.f32 v63, v38;
	v36 =	vsel vm5, $0xF, v37;
	v35 =	vsel vm5, v37, v35  }
0x5f: {  	vm0 =	veq.s32 v36, $0x0;
	vm12 =	veq.s32 v36, $0x1;
	vm9 =	veq.s32 v35, $0x0  }
0x60: {  	vm11 =	vmor vm0, vm9;
	vm0 =	veq.f32 v40, $0.0e+00;
	vm9 =	veq.s32 v35, $0x1  }
0x61: {  	v24 =	vmax.f32 v24, $0.0e+00;
	vm1 =	vmneg vm0;
	vm2 =	vmor vm12, vm9  }
0x62: {  	vm3 =	vmand vm0, vm11;
	vm9 =	veq.s32 v36, $0x3;
	vm11 =	vmand vm1, vm6  }
0x63: {  	vm2 =	vmand vm0, vm2;
	vm12 =	vmand vm1, vm8;
	vm6 =	veq.s32 v36, $0x2  }
0x64: {  	vm8 =	veq.s32 v35, $0x2;
	vm14 =	vmand vm1, vm14;
	vm3 =	vmor vm3, vm11  }
0x65: {  	vm2 =	vmor vm2, vm12;
	vm11 =	veq.s32 v35, $0x3;
	vm12 =	vmand vm1, vm10  }
0x66: {  	v46 =	vld [tilespmem:$0x1FF30];
	vm10 =	veq.s32 v35, $0x4;
	v37 =	vsel vm3, $0xFFFFFFFF, v41;
	vm3 =	vmor vm9, vm11  }
0x67: {  	vm9 =	veq.s32 v36, $0x4;
	[tilespmem:$0x1FFB0] =	vst v37;
	v37 =	vsel vm2, $0xFFFFFFFF, v42;
	vm2 =	vmor vm6, vm8  }
0x68: {  	vm11 =	veq.s32 v36, $0x5;
	vm6 =	vmand vm0, vm3;
	vm2 =	vmand vm0, vm2  }
0x69: {  	vm8 =	vmand vm1, vm7;
	vm2 =	vmor vm2, vm12;
	vm12 =	veq.s32 v35, $0x5  }
0x6a: {  	[tilespmem:$0x1FFC0] =	vst v37;
	v37 =	vsel vm2, $0xFFFFFFFF, v43;
	vm2 =	vmor vm6, vm8;
	vm3 =	vmor vm11, vm12  }
0x6b: {  	vm8 =	vmand vm1, vm15;
	vm12 =	veq.s32 v36, $0x7;
	vm15 =	vnez.u8 v46  }
0x6c: {  	v47 =	vld [tilespmem:$0x1FF40];
	[tilespmem:$0x1FFD0] =	vst v37;
	v37 =	vsel vm2, $0xFFFFFFFF, v44;
	vm2 =	vmor vm9, vm10;
	vm7 =	vmand vm0, vm3  }
0x6d: {  	vm9 =	veq.s32 v36, $0x6;
	vm10 =	veq.s32 v35, $0x6;
	vm2 =	vmand vm0, vm2  }
0x6e: {  	vm5 =	vmand vm1, vm15;
	vm15 =	veq.s32 v36, $0x9;
	vm11 =	vmor vm2, vm14  }
0x6f: {  	v48 =	vld [tilespmem:$0x1FF50];
	vm2 =	vmor vm7, vm8;
	vm14 =	veq.s32 v35, $0x7;
	vm7 =	veq.s32 v35, $0xA  }
0x70: {  	[tilespmem:$0x1FFE0] =	vst v37;
	v37 =	vsel vm2, $0xFFFFFFFF, v45;
	vm2 =	vmor vm9, vm10;
	vm3 =	vmor vm12, vm14  }
0x71: {  	vm10 =	vnez.u8 v47;
	vm12 =	veq.s32 v36, $0x8;
	vm14 =	veq.s32 v35, $0x8  }
0x72: {  	v49 =	vld [tilespmem:$0x1FF60];
	vm2 =	vmand vm0, vm2;
	vm8 =	vmand vm0, vm3;
	vm3 =	vmand vm1, vm10  }
0x73: {  	v50 =	vld [tilespmem:$0x1FF70];
	vm10 =	vmand vm1, vm13;
	vm9 =	vmor vm2, vm5;
	vm6 =	vmor vm8, vm3  }
0x74: {  	vm2 =	vmor vm12, vm14;
	vm8 =	veq.s32 v35, $0x9;
	vm14 =	vnez.u8 v48  }
0x75: {  	vm3 =	vmor vm15, vm8;
	vm2 =	vmand vm0, vm2;
	vm15 =	veq.s32 v36, $0xA  }
0x76: {  	vm8 =	veq.s32 v36, $0xB;
	vm13 =	vmor vm2, vm10;
	vm12 =	vmand vm0, vm3  }
0x77: {  	v51 =	vld [tilespmem:$0x1FF80];
	vm3 =	vmand vm1, vm14;
	vm2 =	vmor vm15, vm7;
	vm10 =	veq.s32 v35, $0xB  }
0x78: {  	v52 =	vld [tilespmem:$0x1FF90];
	vm14 =	vnez.u8 v49;
	vm7 =	vnez.u8 v50;
	vm12 =	vmor vm12, vm3  }
0x79: {  	vm3 =	vmor vm8, vm10;
	vm2 =	vmand vm0, vm2;
	vm5 =	vmand vm1, vm14  }
0x7a: {  	vm8 =	veq.s32 v36, $0xC;
	vm10 =	veq.s32 v35, $0xC;
	vm14 =	vmor vm2, vm5  }
0x7b: {  	vm15 =	vmand vm0, vm3;
	vm3 =	vmand vm1, vm7;
	vm2 =	veq.s32 v36, $0xD  }
0x7c: {  	v53 =	vld [tilespmem:$0x1FFA0];
	vm7 =	veq.s32 v35, $0xD;
	vm15 =	vmor vm15, vm3;
	vm3 =	vmor vm8, vm10  }
0x7d: {  	vm5 =	vmor vm2, vm7;
	vm10 =	vnez.u8 v51;
	vm7 =	vnez.u8 v52  }
0x7e: {  	v54 =	vld [tilespmem:$0x1FFB0];
	vm3 =	vmand vm0, vm3;
	vm2 =	vmand vm1, vm10;
	vm8 =	vmand vm1, vm7  }
0x7f: {  	v55 =	vld [tilespmem:$0x1FFC0];
	vm7 =	veq.s32 v36, $0xF;
	vm10 =	vmor vm3, vm2;
	vm3 =	vmand vm0, vm5  }
0x80: {  	v56 =	vld [tilespmem:$0x1FFD0];
	vm5 =	veq.s32 v36, $0xE;
	vm2 =	veq.s32 v35, $0xE;
	vm3 =	vmor vm3, vm8  }
0x81: {  	v58 =	vld [tilespmem:$0x1FFE0];
	vm5 =	vmor vm5, vm2;
	vm2 =	veq.s32 v35, $0xF;
	vm8 =	vnez.u8 v53  }
0x82: {  	[tilespmem:$0x1FFF0] =	vst v37;
	vm7 =	vmor vm7, vm2;
	vm5 =	vmand vm0, vm5;
	vm2 =	vmand vm1, vm8  }
0x83: {  	v59 =	vld [tilespmem:$0x1FFF0];
	vm1 =	vmand vm1, vm4;
	vm4 =	vnez.u8 v54;
	vm0 =	vmand vm0, vm7  }
0x84: {  	vm5 =	vmor vm5, vm2;
	vm2 =	vmor vm0, vm1;
	vm1 =	vnez.u8 v55  }
0x85: {  	v25 =	vnsel vm4, $0xFF800000, v25;
	vm7 =	vnez.u8 v56;
	v28 =	vnsel vm1, $0xFF800000, v28  }
0x86: {  	v26 =	vnsel vm7, $0xFF800000, v26;
	vm0 =	vnez.u8 v58;
	v57 =	vmax.f32 v25, v28  }
0x87: {  	v23 =	vmax.f32 v23, $0.0e+00;
	v27 =	vnsel vm0, $0xFF800000, v27;
	v35 =	vmax.f32 v57, v26  }
0x88: {  	v24 =	vnsel vm11, $0xFF800000, v24;
	vm8 =	vnez.u8 v59;
	v35 =	vmax.f32 v35, v27  }
0x89: {  	v20 =	vmax.f32 v20, $0.0e+00;
	v23 =	vnsel vm8, $0xFF800000, v23;
	v35 =	vmax.f32 v35, v24  }
0x8a: {  	v19 =	vmax.f32 v19, $0.0e+00;
	v20 =	vnsel vm9, $0xFF800000, v20;
	v35 =	vmax.f32 v35, v23  }
0x8b: {  	v21 =	vmax.f32 v21, $0.0e+00;
	v19 =	vnsel vm6, $0xFF800000, v19;
	v35 =	vmax.f32 v35, v20  }
0x8c: {  	v22 =	vmax.f32 v22, $0.0e+00;
	v21 =	vnsel vm13, $0xFF800000, v21;
	v35 =	vmax.f32 v35, v19  }
0x8d: {  	v29 =	vmax.f32 v29, $0.0e+00;
	v22 =	vnsel vm12, $0xFF800000, v22;
	v35 =	vmax.f32 v35, v21  }
0x8e: {  	v30 =	vmax.f32 v30, $0.0e+00;
	v29 =	vnsel vm14, $0xFF800000, v29;
	v35 =	vmax.f32 v35, v22  }
0x8f: {  	v31 =	vmax.f32 v31, $0.0e+00;
	v30 =	vnsel vm15, $0xFF800000, v30;
	v35 =	vmax.f32 v35, v29  }
0x90: {  	v32 =	vmax.f32 v32, $0.0e+00;
	v31 =	vnsel vm10, $0xFF800000, v31;
	v35 =	vmax.f32 v35, v30  }
0x91: {  	v33 =	vmax.f32 v33, $0.0e+00;
	v32 =	vnsel vm3, $0xFF800000, v32;
	v35 =	vmax.f32 v35, v31  }
0x92: {  	v34 =	vmax.f32 v61, $0.0e+00;
	v33 =	vnsel vm5, $0xFF800000, v33;
	v35 =	vmax.f32 v35, v32  }
0x93: {  	v34 =	vnsel vm2, $0xFF800000, v34;
	v35 =	vmax.f32 v35, v33  }
0x94: {  	v35 =	vmax.f32 v35, v34  }
0x95: {  	v25 =	vsub.f32 v25, v35  }
0x96: {  	v28 =	vsub.f32 v28, v35  }
0x97: {  	v25 =	vmul.f32 $1.442695020e+00, v25  }
0x98: {  	v26 =	vsub.f32 v26, v35;
	v28 =	vmul.f32 $1.442695020e+00, v28  }
0x99: {  	(erf) = vpow2.f32 v25  }
0x9a: {  	v61 =	vsub.f32 v27, v35;
	v60 =	vmul.f32 $1.442695020e+00, v26;
	(erf) = vpow2.f32 v28;
	_ =	sdelay $0x1  }
0x9b: {  	v24 =	vsub.f32 v24, v35;
	v62 =	vmul.f32 $1.442695020e+00, v61;
	(erf) = vpow2.f32 v60  }
0x9c: {  	v23 =	vsub.f32 v23, v35  }
0x9d: {  	v24 =	vmul.f32 $1.442695020e+00, v24;
	(erf) = vpow2.f32 v62  }
0x9e: {  	v23 =	vmul.f32 $1.442695020e+00, v23  }
0x9f: {  	v20 =	vsub.f32 v20, v35;
	(erf) = vpow2.f32 v24;
	_ =	sdelay $0x1  }
0xa0: {  	v19 =	vsub.f32 v19, v35;
	v20 =	vmul.f32 $1.442695020e+00, v20;
	v63 =	vpop (erf);
	(erf) = vpow2.f32 v23  }
0xa1: {  	v36 =	vsub.f32 v21, v35;
	v23 =	vpop (erf)  }
0xa2: {  	v19 =	vmul.f32 $1.442695020e+00, v19;
	(erf) = vpow2.f32 v20;
	v37 =	vadd.f32 v23, v63  }
0xa3: {  	v39 =	vsub.f32 v22, v35;
	v25 =	vpop (erf)  }
0xa4: {  	v38 =	vmul.f32 $1.442695020e+00, v36;
	(erf) = vpow2.f32 v19;
	v21 =	vadd.f32 v37, v25  }
0xa5: {  	v40 =	vsub.f32 v29, v35;
	v22 =	vpop (erf)  }
0xa6: {  	v41 =	vmul.f32 $1.442695020e+00, v39;
	(erf) = vpow2.f32 v38;
	v42 =	vadd.f32 v21, v22  }
0xa7: {  	v44 =	vsub.f32 v30, v35;
	v43 =	vpop (erf)  }
0xa8: {  	v26 =	vmul.f32 $1.442695020e+00, v40;
	(erf) = vpow2.f32 v41;
	v20 =	vadd.f32 v42, v43  }
0xa9: {  	v46 =	vsub.f32 v31, v35;
	v45 =	vpop (erf)  }
0xaa: {  	v19 =	vmul.f32 $1.442695020e+00, v44;
	(erf) = vpow2.f32 v26;
	v20 =	vadd.f32 v20, v45  }
0xab: {  	v48 =	vsub.f32 v32, v35;
	v47 =	vpop (erf)  }
0xac: {  	v49 =	vmul.f32 $1.442695020e+00, v46;
	(erf) = vpow2.f32 v19;
	v20 =	vadd.f32 v20, v47  }
0xad: {  	v51 =	vsub.f32 v33, v35;
	v50 =	vpop (erf)  }
0xae: {  	v29 =	vmul.f32 $1.442695020e+00, v48;
	(erf) = vpow2.f32 v49;
	v20 =	vadd.f32 v20, v50  }
0xaf: {  	v53 =	vsub.f32 v34, v35;
	v52 =	vpop (erf)  }
0xb0: {  	v19 =	vmul.f32 $1.442695020e+00, v51;
	(erf) = vpow2.f32 v29;
	v20 =	vadd.f32 v20, v52  }
0xb1: {  	v54 =	vpop (erf)  }
0xb2: {  	v55 =	vmul.f32 $1.442695020e+00, v53;
	(erf) = vpow2.f32 v19;
	v20 =	vadd.f32 v20, v54  }
0xb3: {  	v56 =	vpop (erf)  }
0xb4: {  	(erf) = vpow2.f32 v55;
	v57 =	vadd.f32 v20, v56  }
0xb5: {  	v58 =	vpop (erf)  }
0xb6: {  	v19 =	vadd.f32 v57, v58  }
0xb7: {  	v59 =	vpop (erf)  }
0xb8: {  	v19 =	vadd.f32 v19, v59  }
0xb9: {  	v60 =	vpop (erf)  }
0xba: {  	v19 =	vadd.f32 v19, v60  }
0xbb: {  	v61 =	vpop (erf)  }
0xbc: {  	v19 =	vadd.f32 v19, v61  }
0xbd: {  	v62 =	vpop (erf)  }
0xbe: {  	v19 =	vadd.f32 v19, v62;
	_ =	sdelay $0x1  }
0xbf: {  	(erf) = vrcp.f32 v19;
	_ =	sdelay $0x8  }
0xc0: {  	v19 =	vpop (erf)  }
0xc1: {  	v24 =	vmul.f32 v19, v63;
	_ =	sdelay $0x1  }
0xc2: {  	v63 =	vsel vm4, $0x3F800000, v1;
	v23 =	vmul.f32 v19, v23;
	[tilespmem:v18+s8+$0x0] =	vst.idx.msk $0xffff, v24  }
0xc3: {  	[tilespmem:v18+s9+$0x0] =	vst.idx.msk $0xffff, v63  }
0xc4: {  	v36 =	vmul.f32 v19, v25;
	v24 =	vsel vm1, $0x3F800000, v1;
	[tilespmem:v17+s8+$0x0] =	vst.idx.msk $0xffff, v23  }
0xc5: {  	[tilespmem:v17+s9+$0x0] =	vst.idx.msk $0xffff, v24  }
0xc6: {  	v37 =	vsel vm7, $0x3F800000, v1;
	v38 =	vmul.f32 v19, v22;
	[tilespmem:v16+s8+$0x0] =	vst.idx.msk $0xffff, v36  }
0xc7: {  	[tilespmem:v16+s9+$0x0] =	vst.idx.msk $0xffff, v37  }
0xc8: {  	v39 =	vsel vm0, $0x3F800000, v1;
	v40 =	vmul.f32 v19, v43;
	[tilespmem:v15+s8+$0x0] =	vst.idx.msk $0xffff, v38  }
0xc9: {  	[tilespmem:v15+s9+$0x0] =	vst.idx.msk $0xffff, v39  }
0xca: {  	v41 =	vsel vm11, $0x3F800000, v1;
	v42 =	vmul.f32 v19, v45;
	[tilespmem:v14+s8+$0x0] =	vst.idx.msk $0xffff, v40  }
0xcb: {  	[tilespmem:v14+s9+$0x0] =	vst.idx.msk $0xffff, v41  }
0xcc: {  	v43 =	vsel vm8, $0x3F800000, v1;
	v44 =	vmul.f32 v19, v47;
	[tilespmem:v13+s8+$0x0] =	vst.idx.msk $0xffff, v42  }
0xcd: {  	[tilespmem:v13+s9+$0x0] =	vst.idx.msk $0xffff, v43  }
0xce: {  	v45 =	vsel vm9, $0x3F800000, v1;
	v46 =	vmul.f32 v19, v50;
	[tilespmem:v12+s8+$0x0] =	vst.idx.msk $0xffff, v44  }
0xcf: {  	[tilespmem:v12+s9+$0x0] =	vst.idx.msk $0xffff, v45  }
0xd0: {  	v47 =	vsel vm6, $0x3F800000, v1;
	v48 =	vmul.f32 v19, v52;
	[tilespmem:v11+s8+$0x0] =	vst.idx.msk $0xffff, v46  }
0xd1: {  	[tilespmem:v11+s9+$0x0] =	vst.idx.msk $0xffff, v47  }
0xd2: {  	v49 =	vsel vm13, $0x3F800000, v1;
	v50 =	vmul.f32 v19, v54;
	[tilespmem:v10+s8+$0x0] =	vst.idx.msk $0xffff, v48  }
0xd3: {  	[tilespmem:v10+s9+$0x0] =	vst.idx.msk $0xffff, v49  }
0xd4: {  	v51 =	vsel vm12, $0x3F800000, v1;
	v52 =	vmul.f32 v19, v56;
	[tilespmem:v9+s8+$0x0] =	vst.idx.msk $0xffff, v50  }
0xd5: {  	[tilespmem:v9+s9+$0x0] =	vst.idx.msk $0xffff, v51  }
0xd6: {  	v53 =	vsel vm14, $0x3F800000, v1;
	v54 =	vmul.f32 v19, v58;
	[tilespmem:v8+s8+$0x0] =	vst.idx.msk $0xffff, v52  }
0xd7: {  	[tilespmem:v8+s9+$0x0] =	vst.idx.msk $0xffff, v53  }
0xd8: {  	v55 =	vsel vm15, $0x3F800000, v1;
	v56 =	vmul.f32 v19, v59;
	[tilespmem:v5+s8+$0x0] =	vst.idx.msk $0xffff, v54  }
0xd9: {  	[tilespmem:v5+s9+$0x0] =	vst.idx.msk $0xffff, v55  }
0xda: {  	v57 =	vsel vm10, $0x3F800000, v1;
	v58 =	vmul.f32 v19, v60;
	[tilespmem:v6+s8+$0x0] =	vst.idx.msk $0xffff, v56  }
0xdb: {  	[tilespmem:v6+s9+$0x0] =	vst.idx.msk $0xffff, v57  }
0xdc: {  	p0 =	sne.s32 s11, $0xF0;
	v59 =	vsel vm3, $0x3F800000, v1;
	v60 =	vmul.f32 v19, v61;
	[tilespmem:v7+s8+$0x0] =	vst.idx.msk $0xffff, v58  }
.Ltmp0:
0xdd: {  	[tilespmem:v7+s9+$0x0] =	vst.idx.msk $0xffff, v59;
	(pc) =	sbr.rel @p0 .LBB2_2-.Ltmp0, $4  }
0xde: {  	v61 =	vsel vm5, $0x3F800000, v1;
	v62 =	vmul.f32 v19, v62;
	[tilespmem:v4+s8+$0x0] =	vst.idx.msk $0xffff, v60  }
0xdf: {  	[tilespmem:v4+s9+$0x0] =	vst.idx.msk $0xffff, v61  }
0xe0: {  	v63 =	vsel vm2, $0x3F800000, v1;
	[tilespmem:v3+s8+$0x0] =	vst.idx.msk $0xffff, v62  }
0xe1: {  	s11 =	sadd.s32 $0x10, s11;
	[tilespmem:v3+s9+$0x0] =	vst.idx.msk $0xffff, v63  }
0xe2: {  	[hbm4b:s4+s2] =	stream.linear.scatter [tilespmem:s8], [sflag:$0x1], $0x1000, $0x38;
	[tilespmem:$0x3000] =	vst v63  }
0xe3: {  	s10 =	sadd.s32 $0x1, s10;
	_ =	swait.ge [sflag:s7], $0x1000  }
0xe4: {  	p0 =	sne.s32 s10, s6;
	[sflag:s7] =	ssyncset.done $0x0  }
.Ltmp1:
0xe5: {  	[sflag:s7] =	ssyncadd.s32 $0xFFFFF000;
	(pc) =	sbr.rel @p0 .LBB2_1-.Ltmp1, $4  }
0xe6: {  	[hbm4b:s5+s2] =	stream.linear.scatter [tilespmem:s9], [sflag:$0x1], $0x1000, $0x38;
	[tilespmem:$0x3000] =	vst v63  }
0xe7: {  	_ =	swait.ge [sflag:s7], $0x1000  }
0xe8: {  	[sflag:s7] =	ssyncset.done $0x0  }
0xe9: {  	[sflag:s7] =	ssyncadd.s32 $0xFFFFF000  }
0xea: {  	_ =	sfence.sel $0x180000  }
0xeb: {  	[bflag:$0x0] =	sbarrier.arrive $0xFFFF  }
0xec: {  	p0 =	sne.s32 s1, $0x0;
	_ =	strace $0x9000004A  }
0xed: {  	s0 =	sadd.s32 @!p0 $0x100000, s0;
	[bflag:$0x2] =	sbarrier.arrive $0xFFFF  }
0xee: {  	[sflag:s0] =	ssyncadd.tile.s32 @!p0 $0x1;
	_ =	shalt  }
.Lfunc_end2:
_tile_overlayer_lowered:
.L_overlay_start_2:
0xef: {  	(tag) =	ssettag $0x2  }
0xf0: {  	s0 =	rddreg [dreg:$0x0];
	s2 =	stileid.u32  }
0xf1: {  	s1 =	rddreg [dreg:$0x1];
	p0 =	sne.s32 s2, $0x0  }
0xf2: {  	s3 =	rddreg [dreg:$0x2];
	[bflag:$0x3] =	sbarrier.arrive $0xFFFF;
	s2 =	simm.s32 @!p0 $0x1C01  }
0xf3: {  	[timem:s3], [sflag:s2] =	dma.local @!p0 [hbm:s0], s1  }
0xf4: {  	s0 =	simm.s32 @!p0 $0x1  }
0xf5: {  	_ =	swait.ge @!p0 [sflag:s0], s1  }
0xf6: {  	s1 =	ssub.s32 @!p0 $0x0, s1;
	[sflag:s0] =	ssyncset.done @!p0 $0x0  }
0xf7: {  	[sflag:s0] =	ssyncadd.s32 @!p0 s1  }
0xf8: {  	[bflag:$0x3] =	sbarrier.arrive $0xFFFF  }
0xf9: {  	_ =	shalt  }

// kernel: kernel.9.cloned.1.call-start
scs
__scs_entry_jumppad:
0x0: {  	(pc) =	sbr.rel $0x88, $3  }
0x1: {  	(tag) =	ssettag $0x0;
	lr =	simm.s32 $0x1  }
0x2: {  	[smem:$0x3F9E] =	sst lr;
	_ =	strace $0xD0000000  }
0x3: {  	_ = 	snop  }
0x4: {  	_ = 	snop  }
0x5: {  	_ = 	snop  }
0x6: {  	_ = 	snop  }
0x7: {  	_ = 	snop  }
__scs_overlays_trampoline_lowered:
0x8: {  	[smem:$0x3FAD] =	sst s0  }
0x9: {  	[smem:$0x3FAE] =	sst s1  }
0xa: {  	[smem:$0x3FAF] =	sst s2  }
0xb: {  	[smem:$0x3FB0] =	sst s3  }
0xc: {  	[smem:$0x3FB1] =	sst s4  }
0xd: {  	[smem:$0x3FB2] =	sst s5  }
0xe: {  	[smem:$0x3FB3] =	sst s6  }
0xf: {  	[smem:$0x3FB4] =	sst s7  }
0x10: {  	[smem:$0x3FB5] =	sst s8  }
0x11: {  	[smem:$0x3FB6] =	sst s9;
	s0 =	simm.s32 @!p0 $0x0  }
0x12: {  	s1 =	sld [smem:$0x3F9C];
	s0 =	simm.s32 @p0 $0x1  }
0x13: {  	[smem:$0x3FB7] =	sst s0;
	s0 =	simm.s32 @!p1 $0x0  }
0x14: {  	s2 =	sld [smem:$0x3F9B];
	s0 =	simm.s32 @p1 $0x1  }
0x15: {  	[smem:$0x3FB8] =	sst s0;
	s0 =	simm.s32 @!p2 $0x0  }
0x16: {  	s3 =	sld [smem:$0x3FDB];
	s0 =	simm.s32 @p2 $0x1  }
0x17: {  	s4 =	simm.s32 $0x1BF5;
	[smem:$0x3FBA] =	sst s0  }
0x18: {  	s0 =	sld [smem:$0x3F9D];
	_ =	swait.ge [sflag:s4], $0x0  }
0x19: {  	s7 =	sld [smem:$0x3F9E]  }
0x1a: {  	s8 =	sadd.s32 $0xFFFFE003, lr  }
0x1b: {  	s9 =	sadd.s32 $0xFFFFFEF7, lr;
	s5 =	simm.s32 $0xFFFFFFFF;
	p2 =	slt.u32 s8, $0xFFFFF086  }
0x1c: {  	p1 =	slt.u32 s9, $0xF7A;
	s5 =	simm.s32 @!p2 $0x0  }
0x1d: {  	s5 =	simm.s32 @p1 $0x1;
	p0 =	seq.s32 s7, s2  }
0x1e: {  	s7 =	smul.u32 @!p0 $0xF7A, s2;
	p2 =	seq.s32 @!p0 s5, $0x0  }
0x1f: {  	s9 =	smul.u32 $0xF7A, s1;
	s8 =	simm.s32 @!p0 $0x1BF5;
	p2 =	por !p2, p0  }
0x20: {  	[sflag:s8] =	ssyncset.s32 @!p0 $0xFFFFF086;
	s6 =	sadd.s32 @!p0 s3, s7;
	s7 =	simm.s32 @!p0 $0x108  }
0x21: {  	s3 =	sadd.s32 s3, s9;
	s6 =	sadd.s32 @!p0 $0x88, s6;
	s7 =	simm.s32 @p2 $0x1082  }
0x22: {  	[simem:s7], [sflag:s8] =	dma.local @!p0 [hbm:s6], $0xF7A  }
0x23: {  	s9 =	sor.u32 $0xD0000000, s2;
	s6 =	simm.s32 $0x108;
	_ =	swait.ge @!p0 [sflag:s8], $0x0  }
0x24: {  	s3 =	sadd.s32 $0x88, s3;
	s6 =	simm.s32 @!p1 $0x1082;
	[sflag:s4] =	ssyncset.s32 $0xFFFFF086  }
0x25: {  	[simem:s6], [sflag:s4] =	dma.local [hbm:s3], $0xF7A  }
0x26: {  	[smem:$0x3F9E] =	sst s1;
	(tag) =	ssettag s2;
	_ =	strace s9  }
0x27: {  	s1 =	sld [smem:$0x3FAE]  }
0x28: {  	s2 =	sld [smem:$0x3FAF]  }
0x29: {  	s4 =	sld [smem:$0x3FB1]  }
0x2a: {  	p0 =	seq.s32 s5, $0x0;
	s5 =	sld [smem:$0x3FB2]  }
0x2b: {  	s6 =	sld [smem:$0x3FB3]  }
0x2c: {  	s7 =	sld [smem:$0x3FB4]  }
0x2d: {  	s3 =	simm.s32 $0x108;
	s8 =	sld [smem:$0x3FB5]  }
0x2e: {  	s3 =	simm.s32 @!p0 $0x1082;
	s9 =	sld [smem:$0x3FB6]  }
0x2f: {  	lr =	sadd.s32 s0, s3;
	s0 =	sld [smem:$0x3FAD]  }
0x30: {  	s3 =	sld [smem:$0x3FB0]  }
0x31: {  	[smem:$0x3FB9] =	sst s10  }
0x32: {  	s10 =	sld [smem:$0x3FB7];
	_ =	sdelay $0x3  }
0x33: {  	p0 =	seq.s32 s10, $0x1;
	s10 =	sld [smem:$0x3FB9];
	_ =	sdelay $0x3  }
0x34: {  	[smem:$0x3FB9] =	sst s10  }
0x35: {  	s10 =	sld [smem:$0x3FB8];
	_ =	sdelay $0x3  }
0x36: {  	p1 =	seq.s32 s10, $0x1;
	s10 =	sld [smem:$0x3FB9];
	_ =	sdelay $0x3  }
0x37: {  	[smem:$0x3FB9] =	sst s10  }
0x38: {  	s10 =	sld [smem:$0x3FBA]  }
0x39: {  	_ = 	snop;
	(pc) =	sbr.ind lr, $3  }
0x3a: {  	_ = 	snop  }
0x3b: {  	_ = 	snop  }
0x3c: {  	p2 =	seq.s32 s10, $0x1;
	s10 =	sld [smem:$0x3FB9]  }
0x3d: {  	_ =	shalt  }
0x3e: {  	_ =	shalt  }
0x3f: {  	_ =	shalt  }
0x40: {  	_ =	shalt  }
0x41: {  	_ =	shalt  }
0x42: {  	_ =	shalt  }
0x43: {  	_ =	shalt  }
0x44: {  	_ =	shalt  }
0x45: {  	_ =	shalt  }
0x46: {  	_ =	shalt  }
0x47: {  	_ =	shalt  }
0x48: {  	_ =	shalt  }
0x49: {  	_ =	shalt  }
0x4a: {  	_ =	shalt  }
0x4b: {  	_ =	shalt  }
0x4c: {  	_ =	shalt  }
0x4d: {  	_ =	shalt  }
0x4e: {  	_ =	shalt  }
0x4f: {  	_ =	shalt  }
0x50: {  	_ =	shalt  }
0x51: {  	_ =	shalt  }
0x52: {  	_ =	shalt  }
0x53: {  	_ =	shalt  }
0x54: {  	_ =	shalt  }
0x55: {  	_ =	shalt  }
0x56: {  	_ =	shalt  }
0x57: {  	_ =	shalt  }
0x58: {  	_ =	shalt  }
0x59: {  	_ =	shalt  }
0x5a: {  	_ =	shalt  }
0x5b: {  	_ =	shalt  }
0x5c: {  	_ =	shalt  }
0x5d: {  	_ =	shalt  }
0x5e: {  	_ =	shalt  }
0x5f: {  	_ =	shalt  }
0x60: {  	_ =	shalt  }
0x61: {  	_ =	shalt  }
0x62: {  	_ =	shalt  }
0x63: {  	_ =	shalt  }
0x64: {  	_ =	shalt  }
0x65: {  	_ =	shalt  }
0x66: {  	_ =	shalt  }
0x67: {  	_ =	shalt  }
0x68: {  	_ =	shalt  }
0x69: {  	_ =	shalt  }
0x6a: {  	_ =	shalt  }
0x6b: {  	_ =	shalt  }
0x6c: {  	_ =	shalt  }
0x6d: {  	_ =	shalt  }
0x6e: {  	_ =	shalt  }
0x6f: {  	_ =	shalt  }
0x70: {  	_ =	shalt  }
0x71: {  	_ =	shalt  }
0x72: {  	_ =	shalt  }
0x73: {  	_ =	shalt  }
0x74: {  	_ =	shalt  }
0x75: {  	_ =	shalt  }
0x76: {  	_ =	shalt  }
0x77: {  	_ =	shalt  }
0x78: {  	_ =	shalt  }
0x79: {  	_ =	shalt  }
0x7a: {  	_ =	shalt  }
0x7b: {  	_ =	shalt  }
0x7c: {  	_ =	shalt  }
0x7d: {  	_ =	shalt  }
0x7e: {  	_ =	shalt  }
0x7f: {  	_ =	shalt  }
0x80: {  	_ =	shalt  }
0x81: {  	_ =	shalt  }
0x82: {  	_ =	shalt  }
0x83: {  	_ =	shalt  }
0x84: {  	_ =	shalt  }
0x85: {  	_ =	shalt  }
0x86: {  	_ =	shalt  }
0x87: {  	_ =	shalt  }
.Lfunc_end0:
.L_simem_size_0:
called_computation.1_lowered:
.L_overlay_start_0:
0x88: {  	s2 =	sld [smem:$0x3FD9]  }
0x89: {  	s3 =	sld [smem:$0x3FFE];
	_ =	sdelay $0x1  }
0x8a: {  	s1 =	srdreg.scid  }
0x8b: {  	s0 =	sand.u32 $0x1, s1  }
0x8c: {  	s14 =	sshll.u32 s0, $0xA;
	s2 =	sadd.s32 s3, s2  }
0x8d: {  	s2 =	sadd.s32 s2, s14  }
0x8e: {  	[smem:$0x3FC5] =	sst s2  }
0x8f: {  	_ = 	snop  }
0x90: {  	s2 =	sld [smem:$0x3FD0];
	_ =	sdelay $0x2  }
0x91: {  	s15 =	simm.s32 $0xB;
	s4 =	simm.s32 $0x10  }
0x92: {  	[smem:s4], [sflag:s15] =	dma.local [hbm:s2], $0x1  }
0x93: {  	_ =	swait.eq [sflag:s15], $0x1  }
0x94: {  	[sflag:s15] =	ssyncset.done $0x0  }
0x95: {  	[sflag:s15] =	ssyncadd.s32 $0xFFFFFFFF  }
0x96: {  	s16 =	sld [smem:$0x12];
	(tm) =	ssettm $0x1  }
0x97: {  	s17 =	sld [smem:$0x3FFB];
	_ =	sdelay $0x3  }
0x98: {  	_ =	strace s17  }
0x99: {  	s3 =	sld [smem:$0x3FFC];
	_ =	sdelay $0x3  }
0x9a: {  	_ =	strace s3  }
0x9b: {  	s3 =	sld [smem:$0x3FFD];
	_ =	sdelay $0x3  }
0x9c: {  	_ =	strace s3  }
0x9d: {  	_ =	strace $0x8FFFFFFF  }
0x9e: {  	s18 =	sld [smem:$0x3FDB];
	_ =	sdelay $0x1  }
0x9f: {  	s19 =	simm.s32 $_scs_section_size  }
0xa0: {  	s5 =	simm.s32 $_size__tile_overlayer_lowered;
	s6 =	simm.s32 $_tile_overlayer_lowered  }
0xa1: {  	s22 =	simm.s32 $0x1BFF;
	s21 =	sshll.u32 s6, $0x1;
	s3 =	sadd.s32 s19, s18  }
0xa2: {  	s7 =	simm.s32 $0x0;
	s20 =	sshll.u32 s5, $0x1;
	s5 =	sadd.s32 s21, s3  }
0xa3: {  	[timem:s7], [sflag:s22] =	dma.local [hbm:s5], s20  }
0xa4: {  	_ =	swait.ge [sflag:s22], s20  }
0xa5: {  	s4 =	ssub.s32 $0x0, s20;
	[sflag:s22] =	ssyncset.done $0x0  }
0xa6: {  	[sflag:s22] =	ssyncadd.s32 s4;
	_ =	sdelay $0x1  }
0xa7: {  	s23 =	simm.s32 $0x1B8B  }
0xa8: {  	_ =	swait.ge [sflag:s23], $0x1  }
0xa9: {  	[sflag:s23] =	ssyncset.done $0x0  }
0xaa: {  	s25 =	simm.s32 $0x1B8E;
	s24 =	sld [smem:$0x3FFE];
	[sflag:s23] =	ssyncadd.s32 $0xFFFFFFFF  }
0xab: {  	s26 =	simm.s32 $execute0_lowered;
	[smem:$0x3FD2] =	sst s25  }
0xac: {  	s5 =	sshll.u32 s26, $0x1;
	_ =	strace $0x80000046;
	[dreg:$0x1] =	wrdreg $0xFFFFFFFF  }
0xad: {  	s28 =	simm.s32 $_size_execute0_lowered;
	s3 =	sadd.s32 s3, s5;
	[dreg:$0x0] =	wrdreg $0x0  }
0xae: {  	s5 =	sshll.u32 s28, $0x1;
	[dreg:$0x2] =	wrdreg s3  }
0xaf: {  	[dreg:$0x3] =	wrdreg s5  }
0xb0: {  	[dreg:$0x4] =	wrdreg $0xC0  }
0xb1: {  	_ =	task [dreg:s7], $0x5FFFF  }
0xb2: {  	[dreg:$0x1] =	wrdreg $0xFFFFFFFF  }
0xb3: {  	[dreg:$0x0] =	wrdreg $0x60  }
0xb4: {  	[dreg:$0x2] =	wrdreg s16  }
0xb5: {  	[dreg:$0x3] =	wrdreg s24  }
0xb6: {  	[dreg:$0x4] =	wrdreg $0xA  }
0xb7: {  	_ =	task.clear_ibuf [dreg:s7], $0x5FFFF;
	_ =	strace $0x90000046  }
0xb8: {  	s29 =	simm.s32 $0xA;
	_ =	strace $0x80000048  }
0xb9: {  	_ =	swait.ge [sflag:s29], $0x1  }
0xba: {  	[sflag:s29] =	ssyncadd.s32 $0xFFFFFFFF  }
0xbb: {  	_ =	strace $0x90000048  }
0xbc: {  	_ =	sfence  }
0xbd: {  	s30 =	sld [smem:$0x0];
	_ =	sdelay $0x2  }
0xbe: {  	s31 =	sshll.u32 s1, $0xD;
	s1 =	sshrl.u32 s1, $0x2  }
0xbf: {  	s3 =	sand.u32 $0x4000, s31;
	s1 =	sadd.s32 s1, s30  }
0xc0: {  	s0 =	sor.u32 s3, s0;
	s1 =	sshll.u32 s1, $0x11  }
0xc1: {  	s0 =	sor.u32 s1, s0  }
0xc2: {  	s0 =	sadd.s32 $0x8F2B, s0  }
0xc3: {  	[sflag:s0] =	ssyncadd.remote.s32 $0x1  }
0xc4: {  	_ =	sfence.sel $0xFFFF  }
0xc5: {  	[dreg:$0x0] =	wrdreg $0xFFFFFFFF;
	(pc) =	sbr.abs _section_cstart, $3  }
0xc6: {  	[dreg:$0x1] =	wrdreg $0xFFFFFFFF  }
0xc7: {  	_ =	task.clear_ibuf [dreg:s7], $0x2FFFF;
	_ =	strace $0x9FFFFFFF  }
0xc8: {  	(tm) =	ssettm $0x7FFFFFFF  }
0xc9: {  	_ =	shalt  }
tec
execute0_lowered:
.L_overlay_start_1:
0x0: {  	(tag) =	ssettag $0x1  }
0x1: {  	s3 =	rddreg [dreg:$0x0]  }
0x2: {  	s4 =	rddreg [dreg:$0x1];
	s2 =	srdreg.scid  }
0x3: {  	s0 =	rddreg [dreg:$0x2];
	s1 =	stileid.u32;
	s9 =	simm.s32 $0x2000  }
0x4: {  	s10 =	simm.s32 $0x0;
	s5 =	sand.u32 $0x1, s2;
	s2 =	simm.s32 $0x0  }
0x5: {  	s6 =	sshll.u32 s1, $0xA;
	s7 =	sshll.u32 s5, $0x9;
	s5 =	ssub.s32 $0x2, s5  }
0x6: {  	[smem:$0x7FF] =	sst s2;
	s6 =	sor.u32 s7, s6;
	s31 =	sshrl.u32 s5, $0x1  }
0x7: {  	_ =	strace $0x80000047;
	s7 =	sadd.s32 s6, s4;
	s8 =	ssub.s32 s5, s31  }
0x8: {  	v0 =	vlaneseq.u32;
	s3 =	sadd.s32 s3, s6;
	s4 =	sadd.s32 $0x1200, s7;
	s5 =	sadd.s32 $0x5200, s7  }
0x9: {  	v1 =	vimm.f32 $0.0e+00;
	v2 =	vimm.s32 $0x0;
	v0 =	vmul.u32 $0x10, v0;
	s6 =	smax.u32 s8, $0x1;
	s7 =	simm.s32 $0x1;
	s8 =	simm.s32 $0x1000  }
.LBB2_1:
0xa: {  	[tilespmem:s2], [sflag:$0x1] =	stream.linear.gather [hbm4b:s3+s2], $0x1000, $0x38;
	[tilespmem:$0x3000] =	vst v63  }
0xb: {  	_ =	swait.ge [sflag:s7], $0x1000  }
0xc: {  	[sflag:s7] =	ssyncset.done $0x0  }
0xd: {  	s11 =	simm.s32 $0x0;
	[sflag:s7] =	ssyncadd.s32 $0xFFFFF000  }
.LBB2_2:
0xe: {  	v3 =	vmov s11  }
0xf: {  	v3 =	vshll.u32 v3, $0x4  }
0x10: {  	v18 =	vor.u32 v0, v3  }
0x11: {  	v17 =	vor.u32 $0x1, v18  }
0x12: {  	v16 =	vor.u32 $0x2, v18  }
0x13: {  	v15 =	vor.u32 $0x3, v18  }
0x14: {  	v14 =	vor.u32 $0x4, v18  }
0x15: {  	v13 =	vor.u32 $0x5, v18;
	v25 =	vld.idx.msk [tilespmem:v18+s2+$0x0], $0xffff  }
0x16: {  	v12 =	vor.u32 $0x6, v18;
	v28 =	vld.idx.msk [tilespmem:v17+s2+$0x0], $0xffff  }
0x17: {  	v11 =	vor.u32 $0x7, v18;
	v26 =	vld.idx.msk [tilespmem:v16+s2+$0x0], $0xffff  }
0x18: {  	v10 =	vor.u32 $0x8, v18;
	v27 =	vld.idx.msk [tilespmem:v15+s2+$0x0], $0xffff  }
0x19: {  	v9 =	vor.u32 $0x9, v18;
	v24 =	vld.idx.msk [tilespmem:v14+s2+$0x0], $0xffff  }
0x1a: {  	v23 =	vld.idx.msk [tilespmem:v13+s2+$0x0], $0xffff  }
0x1b: {  	v42 =	vimm.s32 $0x0;
	v32 =	vimm.s32 $0x0;
	v44 =	vimm.s32 $0x0;
	v20 =	vld.idx.msk [tilespmem:v12+s2+$0x0], $0xffff  }
0x1c: {  	v45 =	vimm.s32 $0x0;
	v37 =	vimm.s32 $0x0;
	v48 =	vimm.s32 $0x0;
	v19 =	vld.idx.msk [tilespmem:v11+s2+$0x0], $0xffff  }
0x1d: {  	v39 =	vimm.s32 $0x0;
	v51 =	vimm.s32 $0x0;
	v41 =	vimm.s32 $0x0;
	v21 =	vld.idx.msk [tilespmem:v10+s2+$0x0], $0xffff  }
0x1e: {  	v8 =	vor.u32 $0xA, v18;
	v5 =	vor.u32 $0xB, v18;
	v6 =	vor.u32 $0xC, v18;
	v22 =	vld.idx.msk [tilespmem:v9+s2+$0x0], $0xffff  }
0x1f: {  	v7 =	vor.u32 $0xD, v18;
	vm6 =	vgt.f32 v25, $0.0e+00;
	vm0 =	vgt.f32 v25, $-Inf  }
0x20: {  	vm8 =	vgt.f32 v28, $0.0e+00;
	v3 =	vsel vm6, $0x3F800000, v1;
	vm10 =	vgt.f32 v26, $0.0e+00  }
0x21: {  	vm7 =	vgt.f32 v27, $0.0e+00;
	vm14 =	vgt.f32 v24, $0.0e+00;
	vm15 =	vgt.f32 v23, $0.0e+00  }
0x22: {  	vm9 =	vgt.f32 v20, $0.0e+00;
	vm13 =	vgt.f32 v19, $0.0e+00;
	vm3 =	vgt.f32 v21, $0.0e+00  }
0x23: {  	vm5 =	vgt.f32 v22, $0.0e+00;
	v36 =	vnsel vm0, $0xFF800000, v25;
	vm4 =	vlt.f32 v28, $-Inf  }
0x24: {  	vm2 =	vgt.f32 v28, $-Inf;
	v25 =	vmax.f32 v25, $0.0e+00;
	v4 =	vsel vm8, $0x3F800000, v1  }
0x25: {  	v30 =	vsel vm10, $0x3F800000, v1;
	v31 =	vsel vm7, $0x3F800000, v1;
	v32 =	vsel vm13, $0xFFFFFFFF, v32  }
0x26: {  	v33 =	vsel vm14, $0x3F800000, v1;
	v35 =	vsel vm15, $0x3F800000, v1;
	vm0 =	vgt.f32 v28, v36  }
0x27: {  	vm2 =	vmor vm2, vm4;
	v46 =	vsel vm9, $0x3F800000, v1;
	v49 =	vsel vm13, $0x3F800000, v1  }
0x28: {  	v52 =	vsel vm3, $0x3F800000, v1;
	vm13 =	vmmov vm3;
	v29 =	vadd.f32 v4, v3  }
0x29: {  	v53 =	vsel vm5, $0x3F800000, v1;
	v4 =	vor.u32 $0xE, v18;
	v3 =	vor.u32 $0xF, v18  }
0x2a: {  	[tilespmem:$0x1FF40] =	vst v32;
	v32 =	vld.idx.msk [tilespmem:v7+s2+$0x0], $0xffff;
	vm1 =	vmneg vm0;
	v30 =	vadd.f32 v30, v29;
	v29 =	vsel vm9, $0xFFFFFFFF, v42  }
0x2b: {  	v38 =	vnsel vm2, $0xFF800000, v28;
	v50 =	vsel vm0, $0x1, v2;
	vm4 =	vmand vm2, vm1;
	[tilespmem:$0x1FF30] =	vst v29;
	v29 =	vld.idx.msk [tilespmem:v8+s2+$0x0], $0xffff  }
0x2c: {  	v38 =	vsel vm1, v38, v36;
	v36 =	vsel vm1, v36, v28;
	v28 =	vmax.f32 v28, $0.0e+00  }
0x2d: {  	vm0 =	vgt.f32 v26, v38;
	v43 =	vadd.f32 v31, v30;
	v30 =	vld.idx.msk [tilespmem:v5+s2+$0x0], $0xffff;
	v31 =	vsel vm5, $0xFFFFFFFF, v44  }
0x2e: {  	v47 =	vsel vm4, $0x1, v2;
	v42 =	vimm.s32 $0x0;
	v38 =	vsel vm0, v26, v38;
	[tilespmem:$0x1FF50] =	vst v31;
	v31 =	vld.idx.msk [tilespmem:v6+s2+$0x0], $0xffff  }
0x2f: {  	v44 =	vimm.s32 $0x0;
	vm2 =	vgt.f32 v32, $0.0e+00;
	v34 =	vadd.f32 v33, v43  }
0x30: {  	v33 =	vld.idx.msk [tilespmem:v4+s2+$0x0], $0xffff;
	v39 =	vsel vm2, $0xFFFFFFFF, v39;
	v57 =	vsel vm2, $0x3F800000, v1;
	vm11 =	vgt.f32 v29, $0.0e+00  }
0x31: {  	v43 =	vimm.s32 $0x0;
	v34 =	vadd.f32 v35, v34;
	v35 =	vsel vm11, $0xFFFFFFFF, v45  }
0x32: {  	vm12 =	vgt.f32 v30, $0.0e+00;
	v54 =	vsel vm11, $0x3F800000, v1;
	v45 =	vimm.s32 $0x0  }
0x33: {  	v37 =	vsel vm12, $0xFFFFFFFF, v37;
	v34 =	vadd.f32 v46, v34;
	vm4 =	vgt.f32 v31, $0.0e+00  }
0x34: {  	[tilespmem:$0x1FF60] =	vst v35;
	v35 =	vsel vm0, $0x2, v47;
	vm0 =	vgt.f32 v26, v36;
	v55 =	vsel vm12, $0x3F800000, v1  }
0x35: {  	[tilespmem:$0x1FF70] =	vst v37;
	v37 =	vsel vm4, $0xFFFFFFFF, v48;
	vm9 =	vgt.f32 v33, $0.0e+00;
	v35 =	vsel vm0, v50, v35  }
0x36: {  	v38 =	vsel vm0, v36, v38;
	v36 =	vsel vm0, v26, v36;
	v56 =	vsel vm4, $0x3F800000, v1  }
0x37: {  	v26 =	vmax.f32 v26, $0.0e+00;
	[tilespmem:$0x1FF80] =	vst v37;
	v37 =	vsel vm0, $0x2, v50;
	vm5 =	vgt.f32 v27, v38  }
0x38: {  	v35 =	vsel vm5, $0x3, v35;
	v38 =	vsel vm5, v27, v38;
	vm5 =	vgt.f32 v27, v36  }
0x39: {  	v34 =	vadd.f32 v49, v34;
	v35 =	vsel vm5, v37, v35;
	v38 =	vsel vm5, v36, v38  }
0x3a: {  	v37 =	vsel vm5, $0x3, v37;
	v36 =	vsel vm5, v27, v36;
	vm5 =	vgt.f32 v24, v38  }
0x3b: {  	v35 =	vsel vm5, $0x4, v35;
	v38 =	vsel vm5, v24, v38;
	vm5 =	vgt.f32 v24, v36  }
0x3c: {  	v34 =	vadd.f32 v52, v34;
	v35 =	vsel vm5, v37, v35;
	v38 =	vsel vm5, v36, v38  }
0x3d: {  	v37 =	vsel vm5, $0x4, v37;
	v36 =	vsel vm5, v24, v36;
	vm5 =	vgt.f32 v23, v38  }
0x3e: {  	[tilespmem:$0x1FF90] =	vst v39;
	v39 =	vsel vm9, $0xFFFFFFFF, v51;
	vm11 =	vgt.f32 v23, v36;
	v38 =	vsel vm5, v23, v38  }
0x3f: {  	v34 =	vadd.f32 v53, v34;
	v35 =	vsel vm5, $0x5, v35;
	v38 =	vsel vm11, v36, v38  }
0x40: {  	v35 =	vsel vm11, v37, v35;
	v36 =	vsel vm11, v23, v36;
	vm5 =	vgt.f32 v20, v38  }
0x41: {  	v37 =	vsel vm11, $0x5, v37;
	vm11 =	vgt.f32 v20, v36;
	v38 =	vsel vm5, v20, v38  }
0x42: {  	v60 =	vsel vm9, $0x3F800000, v1;
	v27 =	vmax.f32 v27, $0.0e+00;
	v38 =	vsel vm11, v36, v38  }
0x43: {  	v34 =	vadd.f32 v54, v34;
	v36 =	vsel vm11, v20, v36;
	vm12 =	vgt.f32 v19, v38  }
0x44: {  	v35 =	vsel vm5, $0x6, v35;
	vm5 =	vgt.f32 v19, v36;
	v38 =	vsel vm12, v19, v38  }
0x45: {  	v34 =	vadd.f32 v55, v34;
	v35 =	vsel vm11, v37, v35;
	v38 =	vsel vm5, v36, v38  }
0x46: {  	v37 =	vsel vm11, $0x6, v37;
	v36 =	vsel vm5, v19, v36;
	vm11 =	vgt.f32 v21, v38  }
0x47: {  	v35 =	vsel vm12, $0x7, v35;
	vm12 =	vgt.f32 v21, v36;
	v38 =	vsel vm11, v21, v38  }
0x48: {  	v34 =	vadd.f32 v56, v34;
	v35 =	vsel vm5, v37, v35;
	v38 =	vsel vm12, v36, v38  }
0x49: {  	v37 =	vsel vm5, $0x7, v37;
	v36 =	vsel vm12, v21, v36;
	vm4 =	vgt.f32 v22, v38  }
0x4a: {  	v35 =	vsel vm11, $0x8, v35;
	vm5 =	vgt.f32 v22, v36;
	v38 =	vsel vm4, v22, v38  }
0x4b: {  	[tilespmem:$0x1FFA0] =	vst v39;
	v39 =	vadd.f32 v57, v34;
	v35 =	vsel vm12, v37, v35;
	v38 =	vsel vm5, v36, v38  }
0x4c: {  	v37 =	vsel vm12, $0x8, v37;
	v36 =	vsel vm5, v22, v36;
	vm11 =	vgt.f32 v29, v38  }
0x4d: {  	v35 =	vsel vm4, $0x9, v35;
	vm12 =	vgt.f32 v29, v36;
	v38 =	vsel vm11, v29, v38  }
0x4e: {  	v35 =	vsel vm5, v37, v35;
	v37 =	vsel vm5, $0x9, v37;
	v38 =	vsel vm12, v36, v38  }
0x4f: {  	v35 =	vsel vm11, $0xA, v35;
	v36 =	vsel vm12, v29, v36;
	vm4 =	vgt.f32 v30, v38  }
0x50: {  	v35 =	vsel vm12, v37, v35;
	vm5 =	vgt.f32 v30, v36;
	v38 =	vsel vm4, v30, v38  }
0x51: {  	v37 =	vsel vm12, $0xA, v37;
	v35 =	vsel vm4, $0xB, v35;
	v59 =	vsel vm5, v36, v38  }
0x52: {  	v61 =	vld.idx.msk [tilespmem:v3+s2+$0x0], $0xffff;
	v58 =	vsel vm5, v37, v35;
	v36 =	vsel vm5, v30, v36;
	vm11 =	vgt.f32 v31, v59  }
0x53: {  	v37 =	vsel vm5, $0xB, v37;
	vm12 =	vgt.f32 v31, v36;
	v35 =	vsel vm11, v31, v59  }
0x54: {  	v38 =	vadd.f32 v60, v39;
	v34 =	vsel vm11, $0xC, v58;
	v35 =	vsel vm12, v36, v35  }
0x55: {  	v40 =	vsel vm12, v37, v34;
	v36 =	vsel vm12, v31, v36;
	vm4 =	vgt.f32 v32, v35  }
0x56: {  	v37 =	vsel vm12, $0xC, v37;
	vm5 =	vgt.f32 v32, v36;
	v35 =	vsel vm4, v32, v35  }
0x57: {  	v40 =	vsel vm4, $0xD, v40;
	vm4 =	vgt.f32 v61, $0.0e+00;
	v35 =	vsel vm5, v36, v35  }
0x58: {  	v62 =	vsel vm5, v37, v40;
	v36 =	vsel vm5, v32, v36;
	vm9 =	vgt.f32 v33, v35  }
0x59: {  	v37 =	vsel vm5, $0xD, v37;
	vm11 =	vgt.f32 v33, v36;
	v35 =	vsel vm9, v33, v35  }
0x5a: {  	v63 =	vsel vm4, $0x3F800000, v1;
	v39 =	vsel vm9, $0xE, v62;
	v35 =	vsel vm11, v36, v35  }
0x5b: {  	v39 =	vsel vm11, v37, v39;
	v36 =	vsel vm11, v33, v36;
	vm12 =	vgt.f32 v61, v35  }
0x5c: {  	v37 =	vsel vm11, $0xE, v37;
	vm5 =	vgt.f32 v61, v36;
	v35 =	vsel vm12, $0xF, v39  }
0x5d: {  	v40 =	vadd.f32 v63, v38;
	v36 =	vsel vm5, $0xF, v37;
	v35 =	vsel vm5, v37, v35  }
0x5e: {  	vm0 =	veq.s32 v36, $0x0;
	vm12 =	veq.s32 v36, $0x1;
	vm9 =	veq.s32 v35, $0x0  }
0x5f: {  	vm11 =	vmor vm0, vm9;
	vm0 =	veq.f32 v40, $0.0e+00;
	vm9 =	veq.s32 v35, $0x1  }
0x60: {  	v24 =	vmax.f32 v24, $0.0e+00;
	vm1 =	vmneg vm0;
	vm2 =	vmor vm12, vm9  }
0x61: {  	vm3 =	vmand vm0, vm11;
	vm9 =	veq.s32 v36, $0x3;
	vm11 =	vmand vm1, vm6  }
0x62: {  	vm2 =	vmand vm0, vm2;
	vm12 =	vmand vm1, vm8;
	vm6 =	veq.s32 v36, $0x2  }
0x63: {  	vm8 =	veq.s32 v35, $0x2;
	vm14 =	vmand vm1, vm14;
	vm3 =	vmor vm3, vm11  }
0x64: {  	vm2 =	vmor vm2, vm12;
	vm11 =	veq.s32 v35, $0x3;
	vm12 =	vmand vm1, vm10  }
0x65: {  	v46 =	vld [tilespmem:$0x1FF30];
	vm10 =	veq.s32 v35, $0x4;
	v37 =	vsel vm3, $0xFFFFFFFF, v41;
	vm3 =	vmor vm9, vm11  }
0x66: {  	vm9 =	veq.s32 v36, $0x4;
	[tilespmem:$0x1FFB0] =	vst v37;
	v37 =	vsel vm2, $0xFFFFFFFF, v42;
	vm2 =	vmor vm6, vm8  }
0x67: {  	vm11 =	veq.s32 v36, $0x5;
	vm6 =	vmand vm0, vm3;
	vm2 =	vmand vm0, vm2  }
0x68: {  	vm8 =	vmand vm1, vm7;
	vm2 =	vmor vm2, vm12;
	vm12 =	veq.s32 v35, $0x5  }
0x69: {  	[tilespmem:$0x1FFC0] =	vst v37;
	v37 =	vsel vm2, $0xFFFFFFFF, v43;
	vm2 =	vmor vm6, vm8;
	vm3 =	vmor vm11, vm12  }
0x6a: {  	vm8 =	vmand vm1, vm15;
	vm12 =	veq.s32 v36, $0x7;
	vm15 =	vnez.u8 v46  }
0x6b: {  	v47 =	vld [tilespmem:$0x1FF40];
	[tilespmem:$0x1FFD0] =	vst v37;
	v37 =	vsel vm2, $0xFFFFFFFF, v44;
	vm2 =	vmor vm9, vm10;
	vm7 =	vmand vm0, vm3  }
0x6c: {  	vm9 =	veq.s32 v36, $0x6;
	vm10 =	veq.s32 v35, $0x6;
	vm2 =	vmand vm0, vm2  }
0x6d: {  	vm5 =	vmand vm1, vm15;
	vm15 =	veq.s32 v36, $0x9;
	vm11 =	vmor vm2, vm14  }
0x6e: {  	v48 =	vld [tilespmem:$0x1FF50];
	vm2 =	vmor vm7, vm8;
	vm14 =	veq.s32 v35, $0x7;
	vm7 =	veq.s32 v35, $0xA  }
0x6f: {  	[tilespmem:$0x1FFE0] =	vst v37;
	v37 =	vsel vm2, $0xFFFFFFFF, v45;
	vm2 =	vmor vm9, vm10;
	vm3 =	vmor vm12, vm14  }
0x70: {  	vm10 =	vnez.u8 v47;
	vm12 =	veq.s32 v36, $0x8;
	vm14 =	veq.s32 v35, $0x8  }
0x71: {  	v49 =	vld [tilespmem:$0x1FF60];
	vm2 =	vmand vm0, vm2;
	vm8 =	vmand vm0, vm3;
	vm3 =	vmand vm1, vm10  }
0x72: {  	v50 =	vld [tilespmem:$0x1FF70];
	vm10 =	vmand vm1, vm13;
	vm9 =	vmor vm2, vm5;
	vm6 =	vmor vm8, vm3  }
0x73: {  	vm2 =	vmor vm12, vm14;
	vm8 =	veq.s32 v35, $0x9;
	vm14 =	vnez.u8 v48  }
0x74: {  	vm3 =	vmor vm15, vm8;
	vm2 =	vmand vm0, vm2;
	vm15 =	veq.s32 v36, $0xA  }
0x75: {  	vm8 =	veq.s32 v36, $0xB;
	vm13 =	vmor vm2, vm10;
	vm12 =	vmand vm0, vm3  }
0x76: {  	v51 =	vld [tilespmem:$0x1FF80];
	vm3 =	vmand vm1, vm14;
	vm2 =	vmor vm15, vm7;
	vm10 =	veq.s32 v35, $0xB  }
0x77: {  	v52 =	vld [tilespmem:$0x1FF90];
	vm14 =	vnez.u8 v49;
	vm7 =	vnez.u8 v50;
	vm12 =	vmor vm12, vm3  }
0x78: {  	vm3 =	vmor vm8, vm10;
	vm2 =	vmand vm0, vm2;
	vm5 =	vmand vm1, vm14  }
0x79: {  	vm8 =	veq.s32 v36, $0xC;
	vm10 =	veq.s32 v35, $0xC;
	vm14 =	vmor vm2, vm5  }
0x7a: {  	vm15 =	vmand vm0, vm3;
	vm3 =	vmand vm1, vm7;
	vm2 =	veq.s32 v36, $0xD  }
0x7b: {  	v53 =	vld [tilespmem:$0x1FFA0];
	vm7 =	veq.s32 v35, $0xD;
	vm15 =	vmor vm15, vm3;
	vm3 =	vmor vm8, vm10  }
0x7c: {  	vm5 =	vmor vm2, vm7;
	vm10 =	vnez.u8 v51;
	vm7 =	vnez.u8 v52  }
0x7d: {  	v54 =	vld [tilespmem:$0x1FFB0];
	vm3 =	vmand vm0, vm3;
	vm2 =	vmand vm1, vm10;
	vm8 =	vmand vm1, vm7  }
0x7e: {  	v55 =	vld [tilespmem:$0x1FFC0];
	vm7 =	veq.s32 v36, $0xF;
	vm10 =	vmor vm3, vm2;
	vm3 =	vmand vm0, vm5  }
0x7f: {  	v56 =	vld [tilespmem:$0x1FFD0];
	vm5 =	veq.s32 v36, $0xE;
	vm2 =	veq.s32 v35, $0xE;
	vm3 =	vmor vm3, vm8  }
0x80: {  	v58 =	vld [tilespmem:$0x1FFE0];
	vm5 =	vmor vm5, vm2;
	vm2 =	veq.s32 v35, $0xF;
	vm8 =	vnez.u8 v53  }
0x81: {  	[tilespmem:$0x1FFF0] =	vst v37;
	vm7 =	vmor vm7, vm2;
	vm5 =	vmand vm0, vm5;
	vm2 =	vmand vm1, vm8  }
0x82: {  	v59 =	vld [tilespmem:$0x1FFF0];
	vm1 =	vmand vm1, vm4;
	vm4 =	vnez.u8 v54;
	vm0 =	vmand vm0, vm7  }
0x83: {  	vm5 =	vmor vm5, vm2;
	vm2 =	vmor vm0, vm1;
	vm1 =	vnez.u8 v55  }
0x84: {  	v25 =	vnsel vm4, $0xFF800000, v25;
	vm7 =	vnez.u8 v56;
	v28 =	vnsel vm1, $0xFF800000, v28  }
0x85: {  	v26 =	vnsel vm7, $0xFF800000, v26;
	vm0 =	vnez.u8 v58;
	v57 =	vmax.f32 v25, v28  }
0x86: {  	v23 =	vmax.f32 v23, $0.0e+00;
	v27 =	vnsel vm0, $0xFF800000, v27;
	v35 =	vmax.f32 v57, v26  }
0x87: {  	v24 =	vnsel vm11, $0xFF800000, v24;
	vm8 =	vnez.u8 v59;
	v35 =	vmax.f32 v35, v27  }
0x88: {  	v20 =	vmax.f32 v20, $0.0e+00;
	v23 =	vnsel vm8, $0xFF800000, v23;
	v35 =	vmax.f32 v35, v24  }
0x89: {  	v19 =	vmax.f32 v19, $0.0e+00;
	v20 =	vnsel vm9, $0xFF800000, v20;
	v35 =	vmax.f32 v35, v23  }
0x8a: {  	v21 =	vmax.f32 v21, $0.0e+00;
	v19 =	vnsel vm6, $0xFF800000, v19;
	v35 =	vmax.f32 v35, v20  }
0x8b: {  	v22 =	vmax.f32 v22, $0.0e+00;
	v21 =	vnsel vm13, $0xFF800000, v21;
	v35 =	vmax.f32 v35, v19  }
0x8c: {  	v29 =	vmax.f32 v29, $0.0e+00;
	v22 =	vnsel vm12, $0xFF800000, v22;
	v35 =	vmax.f32 v35, v21  }
0x8d: {  	v30 =	vmax.f32 v30, $0.0e+00;
	v29 =	vnsel vm14, $0xFF800000, v29;
	v35 =	vmax.f32 v35, v22  }
0x8e: {  	v31 =	vmax.f32 v31, $0.0e+00;
	v30 =	vnsel vm15, $0xFF800000, v30;
	v35 =	vmax.f32 v35, v29  }
0x8f: {  	v32 =	vmax.f32 v32, $0.0e+00;
	v31 =	vnsel vm10, $0xFF800000, v31;
	v35 =	vmax.f32 v35, v30  }
0x90: {  	v33 =	vmax.f32 v33, $0.0e+00;
	v32 =	vnsel vm3, $0xFF800000, v32;
	v35 =	vmax.f32 v35, v31  }
0x91: {  	v34 =	vmax.f32 v61, $0.0e+00;
	v33 =	vnsel vm5, $0xFF800000, v33;
	v35 =	vmax.f32 v35, v32  }
0x92: {  	v34 =	vnsel vm2, $0xFF800000, v34;
	v35 =	vmax.f32 v35, v33  }
0x93: {  	v35 =	vmax.f32 v35, v34  }
0x94: {  	v25 =	vsub.f32 v25, v35  }
0x95: {  	v28 =	vsub.f32 v28, v35  }
0x96: {  	v25 =	vmul.f32 $1.442695020e+00, v25  }
0x97: {  	v26 =	vsub.f32 v26, v35;
	v28 =	vmul.f32 $1.442695020e+00, v28  }
0x98: {  	(erf) = vpow2.f32 v25  }
0x99: {  	v61 =	vsub.f32 v27, v35;
	v60 =	vmul.f32 $1.442695020e+00, v26;
	(erf) = vpow2.f32 v28;
	_ =	sdelay $0x1  }
0x9a: {  	v24 =	vsub.f32 v24, v35;
	v62 =	vmul.f32 $1.442695020e+00, v61;
	(erf) = vpow2.f32 v60  }
0x9b: {  	v23 =	vsub.f32 v23, v35  }
0x9c: {  	v24 =	vmul.f32 $1.442695020e+00, v24;
	(erf) = vpow2.f32 v62  }
0x9d: {  	v23 =	vmul.f32 $1.442695020e+00, v23  }
0x9e: {  	v20 =	vsub.f32 v20, v35;
	(erf) = vpow2.f32 v24;
	_ =	sdelay $0x1  }
0x9f: {  	v19 =	vsub.f32 v19, v35;
	v20 =	vmul.f32 $1.442695020e+00, v20;
	v63 =	vpop (erf);
	(erf) = vpow2.f32 v23  }
0xa0: {  	v36 =	vsub.f32 v21, v35;
	v23 =	vpop (erf)  }
0xa1: {  	v19 =	vmul.f32 $1.442695020e+00, v19;
	(erf) = vpow2.f32 v20;
	v37 =	vadd.f32 v23, v63  }
0xa2: {  	v39 =	vsub.f32 v22, v35;
	v25 =	vpop (erf)  }
0xa3: {  	v38 =	vmul.f32 $1.442695020e+00, v36;
	(erf) = vpow2.f32 v19;
	v21 =	vadd.f32 v37, v25  }
0xa4: {  	v40 =	vsub.f32 v29, v35;
	v22 =	vpop (erf)  }
0xa5: {  	v41 =	vmul.f32 $1.442695020e+00, v39;
	(erf) = vpow2.f32 v38;
	v42 =	vadd.f32 v21, v22  }
0xa6: {  	v44 =	vsub.f32 v30, v35;
	v43 =	vpop (erf)  }
0xa7: {  	v26 =	vmul.f32 $1.442695020e+00, v40;
	(erf) = vpow2.f32 v41;
	v20 =	vadd.f32 v42, v43  }
0xa8: {  	v46 =	vsub.f32 v31, v35;
	v45 =	vpop (erf)  }
0xa9: {  	v19 =	vmul.f32 $1.442695020e+00, v44;
	(erf) = vpow2.f32 v26;
	v20 =	vadd.f32 v20, v45  }
0xaa: {  	v48 =	vsub.f32 v32, v35;
	v47 =	vpop (erf)  }
0xab: {  	v49 =	vmul.f32 $1.442695020e+00, v46;
	(erf) = vpow2.f32 v19;
	v20 =	vadd.f32 v20, v47  }
0xac: {  	v51 =	vsub.f32 v33, v35;
	v50 =	vpop (erf)  }
0xad: {  	v29 =	vmul.f32 $1.442695020e+00, v48;
	(erf) = vpow2.f32 v49;
	v20 =	vadd.f32 v20, v50  }
0xae: {  	v53 =	vsub.f32 v34, v35;
	v52 =	vpop (erf)  }
0xaf: {  	v19 =	vmul.f32 $1.442695020e+00, v51;
	(erf) = vpow2.f32 v29;
	v20 =	vadd.f32 v20, v52  }
0xb0: {  	v54 =	vpop (erf)  }
0xb1: {  	v55 =	vmul.f32 $1.442695020e+00, v53;
	(erf) = vpow2.f32 v19;
	v20 =	vadd.f32 v20, v54  }
0xb2: {  	v56 =	vpop (erf)  }
0xb3: {  	(erf) = vpow2.f32 v55;
	v57 =	vadd.f32 v20, v56  }
0xb4: {  	v58 =	vpop (erf)  }
0xb5: {  	v19 =	vadd.f32 v57, v58  }
0xb6: {  	v59 =	vpop (erf)  }
0xb7: {  	v19 =	vadd.f32 v19, v59  }
0xb8: {  	v60 =	vpop (erf)  }
0xb9: {  	v19 =	vadd.f32 v19, v60  }
0xba: {  	v61 =	vpop (erf)  }
0xbb: {  	v19 =	vadd.f32 v19, v61  }
0xbc: {  	v62 =	vpop (erf)  }
0xbd: {  	v19 =	vadd.f32 v19, v62;
	_ =	sdelay $0x1  }
0xbe: {  	(erf) = vrcp.f32 v19;
	_ =	sdelay $0x8  }
0xbf: {  	v19 =	vpop (erf)  }
0xc0: {  	v24 =	vmul.f32 v19, v63;
	_ =	sdelay $0x1  }
0xc1: {  	v63 =	vsel vm4, $0x3F800000, v1;
	v23 =	vmul.f32 v19, v23;
	[tilespmem:v18+s8+$0x0] =	vst.idx.msk $0xffff, v24  }
0xc2: {  	[tilespmem:v18+s9+$0x0] =	vst.idx.msk $0xffff, v63  }
0xc3: {  	v36 =	vmul.f32 v19, v25;
	v24 =	vsel vm1, $0x3F800000, v1;
	[tilespmem:v17+s8+$0x0] =	vst.idx.msk $0xffff, v23  }
0xc4: {  	[tilespmem:v17+s9+$0x0] =	vst.idx.msk $0xffff, v24  }
0xc5: {  	v37 =	vsel vm7, $0x3F800000, v1;
	v38 =	vmul.f32 v19, v22;
	[tilespmem:v16+s8+$0x0] =	vst.idx.msk $0xffff, v36  }
0xc6: {  	[tilespmem:v16+s9+$0x0] =	vst.idx.msk $0xffff, v37  }
0xc7: {  	v39 =	vsel vm0, $0x3F800000, v1;
	v40 =	vmul.f32 v19, v43;
	[tilespmem:v15+s8+$0x0] =	vst.idx.msk $0xffff, v38  }
0xc8: {  	[tilespmem:v15+s9+$0x0] =	vst.idx.msk $0xffff, v39  }
0xc9: {  	v41 =	vsel vm11, $0x3F800000, v1;
	v42 =	vmul.f32 v19, v45;
	[tilespmem:v14+s8+$0x0] =	vst.idx.msk $0xffff, v40  }
0xca: {  	[tilespmem:v14+s9+$0x0] =	vst.idx.msk $0xffff, v41  }
0xcb: {  	v43 =	vsel vm8, $0x3F800000, v1;
	v44 =	vmul.f32 v19, v47;
	[tilespmem:v13+s8+$0x0] =	vst.idx.msk $0xffff, v42  }
0xcc: {  	[tilespmem:v13+s9+$0x0] =	vst.idx.msk $0xffff, v43  }
0xcd: {  	v45 =	vsel vm9, $0x3F800000, v1;
	v46 =	vmul.f32 v19, v50;
	[tilespmem:v12+s8+$0x0] =	vst.idx.msk $0xffff, v44  }
0xce: {  	[tilespmem:v12+s9+$0x0] =	vst.idx.msk $0xffff, v45  }
0xcf: {  	v47 =	vsel vm6, $0x3F800000, v1;
	v48 =	vmul.f32 v19, v52;
	[tilespmem:v11+s8+$0x0] =	vst.idx.msk $0xffff, v46  }
0xd0: {  	[tilespmem:v11+s9+$0x0] =	vst.idx.msk $0xffff, v47  }
0xd1: {  	v49 =	vsel vm13, $0x3F800000, v1;
	v50 =	vmul.f32 v19, v54;
	[tilespmem:v10+s8+$0x0] =	vst.idx.msk $0xffff, v48  }
0xd2: {  	[tilespmem:v10+s9+$0x0] =	vst.idx.msk $0xffff, v49  }
0xd3: {  	v51 =	vsel vm12, $0x3F800000, v1;
	v52 =	vmul.f32 v19, v56;
	[tilespmem:v9+s8+$0x0] =	vst.idx.msk $0xffff, v50  }
0xd4: {  	[tilespmem:v9+s9+$0x0] =	vst.idx.msk $0xffff, v51  }
0xd5: {  	v53 =	vsel vm14, $0x3F800000, v1;
	v54 =	vmul.f32 v19, v58;
	[tilespmem:v8+s8+$0x0] =	vst.idx.msk $0xffff, v52  }
0xd6: {  	[tilespmem:v8+s9+$0x0] =	vst.idx.msk $0xffff, v53  }
0xd7: {  	v55 =	vsel vm15, $0x3F800000, v1;
	v56 =	vmul.f32 v19, v59;
	[tilespmem:v5+s8+$0x0] =	vst.idx.msk $0xffff, v54  }
0xd8: {  	[tilespmem:v5+s9+$0x0] =	vst.idx.msk $0xffff, v55  }
0xd9: {  	v57 =	vsel vm10, $0x3F800000, v1;
	v58 =	vmul.f32 v19, v60;
	[tilespmem:v6+s8+$0x0] =	vst.idx.msk $0xffff, v56  }
0xda: {  	[tilespmem:v6+s9+$0x0] =	vst.idx.msk $0xffff, v57  }
0xdb: {  	p0 =	sne.s32 s11, $0xF0;
	v59 =	vsel vm3, $0x3F800000, v1;
	v60 =	vmul.f32 v19, v61;
	[tilespmem:v7+s8+$0x0] =	vst.idx.msk $0xffff, v58  }
.Ltmp0:
0xdc: {  	[tilespmem:v7+s9+$0x0] =	vst.idx.msk $0xffff, v59;
	(pc) =	sbr.rel @p0 .LBB2_2-.Ltmp0, $4  }
0xdd: {  	v61 =	vsel vm5, $0x3F800000, v1;
	v62 =	vmul.f32 v19, v62;
	[tilespmem:v4+s8+$0x0] =	vst.idx.msk $0xffff, v60  }
0xde: {  	[tilespmem:v4+s9+$0x0] =	vst.idx.msk $0xffff, v61  }
0xdf: {  	v63 =	vsel vm2, $0x3F800000, v1;
	[tilespmem:v3+s8+$0x0] =	vst.idx.msk $0xffff, v62  }
0xe0: {  	s11 =	sadd.s32 $0x10, s11;
	[tilespmem:v3+s9+$0x0] =	vst.idx.msk $0xffff, v63  }
0xe1: {  	[hbm4b:s4+s2] =	stream.linear.scatter [tilespmem:s8], [sflag:$0x1], $0x1000, $0x38;
	[tilespmem:$0x3000] =	vst v63  }
0xe2: {  	s10 =	sadd.s32 $0x1, s10;
	_ =	swait.ge [sflag:s7], $0x1000  }
0xe3: {  	p0 =	sne.s32 s10, s6;
	[sflag:s7] =	ssyncset.done $0x0  }
.Ltmp1:
0xe4: {  	[sflag:s7] =	ssyncadd.s32 $0xFFFFF000;
	(pc) =	sbr.rel @p0 .LBB2_1-.Ltmp1, $4  }
0xe5: {  	[hbm4b:s5+s2] =	stream.linear.scatter [tilespmem:s9], [sflag:$0x1], $0x1000, $0x38;
	[tilespmem:$0x3000] =	vst v63  }
0xe6: {  	_ =	swait.ge [sflag:s7], $0x1000  }
0xe7: {  	[sflag:s7] =	ssyncset.done $0x0  }
0xe8: {  	[sflag:s7] =	ssyncadd.s32 $0xFFFFF000  }
0xe9: {  	_ =	sfence.sel $0x180000  }
0xea: {  	[bflag:$0x0] =	sbarrier.arrive $0xFFFF  }
0xeb: {  	p0 =	sne.s32 s1, $0x0;
	_ =	strace $0x90000047  }
0xec: {  	s0 =	sadd.s32 @!p0 $0x100000, s0;
	[bflag:$0x2] =	sbarrier.arrive $0xFFFF  }
0xed: {  	[sflag:s0] =	ssyncadd.tile.s32 @!p0 $0x1;
	_ =	shalt  }
.Lfunc_end2:
_tile_overlayer_lowered:
.L_overlay_start_2:
0xee: {  	(tag) =	ssettag $0x2  }
0xef: {  	s0 =	rddreg [dreg:$0x0];
	s2 =	stileid.u32  }
0xf0: {  	s1 =	rddreg [dreg:$0x1];
	p0 =	sne.s32 s2, $0x0  }
0xf1: {  	s3 =	rddreg [dreg:$0x2];
	[bflag:$0x3] =	sbarrier.arrive $0xFFFF;
	s2 =	simm.s32 @!p0 $0x1C01  }
0xf2: {  	[timem:s3], [sflag:s2] =	dma.local @!p0 [hbm:s0], s1  }
0xf3: {  	s0 =	simm.s32 @!p0 $0x1  }
0xf4: {  	_ =	swait.ge @!p0 [sflag:s0], s1  }
0xf5: {  	s1 =	ssub.s32 @!p0 $0x0, s1;
	[sflag:s0] =	ssyncset.done @!p0 $0x0  }
0xf6: {  	[sflag:s0] =	ssyncadd.s32 @!p0 s1  }
0xf7: {  	[bflag:$0x3] =	sbarrier.arrive $0xFFFF  }
0xf8: {  	_ =	shalt  }

</sc_bundles>
